<compile_context>
chip_gen: v7x
topology: tpu7x:2x2x1
jax: 0.10.2.dev20260603
libtpu: 0.0.44.dev20260713+nightly
codegen_flags: <defaults>
</compile_context>

<pallas_src>
import functools

import jax
import jax.numpy as jnp
import numpy as np
from jax import lax
from jax.experimental import pallas as pl
from jax.experimental.pallas import tpu as pltpu
from jax.experimental.pallas import tpu_sc as plsc

NF = 100
NN = 120
NSEG = 128
B = 16384
D = 128
NCORES = 2
NSUB = 16
NW = NCORES * NSUB
ROWS = B // NW
CH = 128
NCHUNK = ROWS // CH


def _sc_segsum(reps_hbm, tgt_hbm, zsum_hbm, sums_out,
               rows_v, tgt_v, shared_sums, sems, ssems):
    cid = lax.axis_index("c")
    sid = lax.axis_index("s")
    wid = cid * NSUB + sid
    base = wid * ROWS

    pltpu.sync_copy(tgt_hbm.at[pl.ds(wid * NCHUNK, NCHUNK)], tgt_v)
    cps = [
        pltpu.async_copy(reps_hbm.at[pl.ds(base + j * CH, CH)],
                         rows_v.at[pl.ds(j * CH, CH)], sems[j])
        for j in range(NCHUNK)
    ]

    @pl.when(sid == 0)
    def _zero():
        pltpu.sync_copy(zsum_hbm, shared_sums)

    plsc.subcore_barrier()

    scs = []
    for j in range(NCHUNK):
        cps[j].wait()
        scs.append(pltpu.async_copy(rows_v.at[pl.ds(j * CH, CH)],
                                    shared_sums.at[tgt_v.at[j]], ssems[j],
                                    add=True))
    for j in range(NCHUNK):
        scs[j].wait()

    plsc.subcore_barrier()

    @pl.when(sid == 0)
    def _writeout():
        pltpu.sync_copy(shared_sums, sums_out.at[cid])


@functools.lru_cache(maxsize=1)
def _make_seg_call():
    return pl.kernel(
        _sc_segsum,
        out_type=jax.ShapeDtypeStruct((NCORES, NSEG, D), jnp.float32),
        mesh=plsc.VectorSubcoreMesh(core_axis_name="c", subcore_axis_name="s"),
        scratch_types=[
            pltpu.VMEM((ROWS, D), jnp.float32),
            pltpu.VMEM((NCHUNK, CH), jnp.int32),
            pltpu.VMEM_SHARED((NSEG, D), jnp.float32),
            [pltpu.SemaphoreType.DMA] * NCHUNK,
            [pltpu.SemaphoreType.DMA] * NCHUNK,
        ],
    )


def _tc_counts(tgt_ref, o_ref):
    f32 = jnp.float32
    classrow = lax.broadcasted_iota(jnp.int32, (1, NSEG), 1)
    acc = jnp.zeros((1, NSEG), f32)
    for k in range(NW * NCHUNK):
        col = tgt_ref[:, k:k + 1]
        oh = jnp.where(col == classrow, 1.0, 0.0)
        acc = acc + jnp.sum(oh, axis=0, keepdims=True)
    o_ref[...] = jnp.broadcast_to(acc, (8, NSEG))


_counts_call = pl.pallas_call(
    _tc_counts,
    out_shape=jax.ShapeDtypeStruct((8, NSEG), jnp.float32),
)


def _tc_tail(s_ref, c_ref, lm_ref, td_ref, o_ref):
    f32 = jnp.float32
    sums = s_ref[0] + s_ref[1]
    cnt_row = c_ref[0:1, :]

    lm = lm_ref[0:1, :]
    ri = lax.broadcasted_iota(jnp.int32, (NSEG, NSEG), 0)
    ci = lax.broadcasted_iota(jnp.int32, (NSEG, NSEG), 1)
    eye = ri == ci

    amat = jnp.where((eye & (ri < NF))
                     | ((ri >= NF) & (ri < NN) & (lm == ri)),
                     1.0, 0.0).astype(f32)

    node_sums = jnp.dot(amat, sums, preferred_element_type=f32)
    node_cnt = jnp.sum(amat * cnt_row, axis=1, keepdims=True)

    present = node_cnt > 0.0
    safe = jnp.where(present, node_cnt, 1.0)
    means = node_sums / safe

    gram = lax.dot_general(means, means, (((1,), (1,)), ((), ())),
                           preferred_element_type=f32)
    diag_col = jnp.sum(means * means, axis=1, keepdims=True)
    diag_row = jnp.sum(jnp.where(eye, gram, 0.0), axis=0, keepdims=True)
    d2 = jnp.maximum(diag_col + diag_row - 2.0 * gram, 0.0)
    dist = jnp.sqrt(d2)

    node_cnt_row = lax.dot_general(cnt_row, amat, (((1,), (1,)), ((), ())),
                                   preferred_element_type=f32)
    w = jnp.where((node_cnt > 0.0) & (node_cnt_row > 0.0)
                  & (ri < ci) & (ci < NN), 1.0, 0.0).astype(f32)

    y = td_ref[...]
    m = jnp.sum(w)
    mx = jnp.sum(w * dist) / m
    my = jnp.sum(w * y) / m
    xc = w * (dist - mx)
    yc = w * (y - my)
    num = jnp.sum(xc * yc)
    den = jnp.sqrt(jnp.sum(xc * xc)) * jnp.sqrt(jnp.sum(yc * yc))
    res = 1.0 - num / den
    res = jnp.where(jnp.isnan(res), jnp.array(1.0, f32), res)
    o_ref[0, 0] = res


_tail_call = pl.pallas_call(
    _tc_tail,
    out_shape=jax.ShapeDtypeStruct((1, 1), jnp.float32),
    out_specs=pl.BlockSpec(memory_space=pltpu.SMEM),
)


def kernel(representations, targets_fine, label_map, tree_dist):
    tgt2d = targets_fine.reshape(NW * NCHUNK, CH)
    lm_pad = jnp.pad(label_map[:, 1], (0, NSEG - NF))[None, :]
    td_pad = jnp.pad(tree_dist, ((0, NSEG - NN), (0, NSEG - NN)))

    zsum = np.zeros((NSEG, D), np.float32)
    sums2 = _make_seg_call()(representations, tgt2d, zsum)
    cnts = _counts_call(tgt2d)
    outb = _tail_call(sums2, cnts, lm_pad, td_pad)
    return outb.reshape(())

# --- scband reference (transcript-rebuilt; emitter-appended) ---
"""Pipeline reference for scband-cpccloss-71133248356396 (READ-ONLY COPY).

The authoritative reference and input builder live on the scoring server;
editing this copy changes nothing except your own understanding.
"""

import jax, jax.numpy as jnp
import numpy as np

NUM_FINE = 100
NUM_COARSE = 20
NUM_NODES = NUM_FINE + NUM_COARSE
BATCH = 16384
DIM = 128


def _build_label_map():
    fine = np.arange(NUM_FINE)
    coarse = NUM_FINE + fine // (NUM_FINE // NUM_COARSE)
    return np.stack([fine, coarse], axis=1).astype(np.int32)


def _build_tree_dist(label_map):
    parent = np.zeros(NUM_NODES, dtype=np.int64)
    for i in range(NUM_FINE):
        parent[i] = label_map[i, 1]
    D = np.zeros((NUM_NODES, NUM_NODES), dtype=np.float32)
    for i in range(NUM_NODES):
        for j in range(NUM_NODES):
            if i == j:
                continue
            fi, fj = i < NUM_FINE, j < NUM_FINE
            if fi and fj:
                D[i, j] = 2.0 if parent[i] == parent[j] else 4.0
            elif fi and not fj:
                D[i, j] = 1.0 if parent[i] == j else 3.0
            elif (not fi) and fj:
                D[i, j] = 1.0 if parent[j] == i else 3.0
            else:
                D[i, j] = 2.0
    return D


def setup_inputs(seed: int = 0) -> dict:
    key = jax.random.key(seed)
    k1, k2 = jax.random.split(key)
    representations = jax.random.normal(k1, (BATCH, DIM), dtype=jnp.float32)
    targets_fine = jax.random.randint(k2, (BATCH,), 0, NUM_FINE, dtype=jnp.int32)
    label_map_np = _build_label_map()
    label_map = jnp.asarray(label_map_np, dtype=jnp.int32)
    tree_dist = jnp.asarray(_build_tree_dist(label_map_np), dtype=jnp.float32)
    return {
        'representations': representations,
        'targets_fine': targets_fine,
        'label_map': label_map,
        'tree_dist': tree_dist,
    }


def reference(representations, targets_fine, label_map, tree_dist):
    # targets = label_map[targets_fine]  -> [B, depth] node ids per hierarchy level
    targets = jnp.take(label_map, targets_fine, axis=0)
    depth = label_map.shape[1]
    mean_list = []
    present_list = []
    ones = jnp.ones((targets.shape[0],), dtype=representations.dtype)
    for col in range(depth):
        col_t = targets[:, col]
        # candidate node ids for this level, in ascending (unique-sorted) order
        if col == 0:
            cand = np.arange(NUM_FINE)
        else:
            cand = np.arange(NUM_FINE, NUM_NODES)
        sums = jax.ops.segment_sum(representations, col_t, num_segments=NUM_NODES)
        counts = jax.ops.segment_sum(ones, col_t, num_segments=NUM_NODES)
        cand_counts = jnp.take(counts, cand, axis=0)
        present = cand_counts > 0
        safe_counts = jnp.where(present, cand_counts, jnp.ones_like(cand_counts))
        col_means = jnp.take(sums, cand, axis=0) / safe_counts[:, None]
        mean_list.append(col_means)
        present_list.append(present)
    sorted_sums = jnp.concatenate(mean_list, axis=0)  # [NUM_NODES, d]
    present_all = jnp.concatenate(present_list)
    nodes = np.arange(NUM_NODES)
    n = nodes.shape[0]
    iu, ju = np.triu_indices(n, k=1)
    # F.pdist(sorted_sums, p=2)
    diff = jnp.take(sorted_sums, iu, axis=0) - jnp.take(sorted_sums, ju, axis=0)
    pairwise_dist = jnp.sqrt(jnp.sum(diff * diff, axis=-1))
    # dT: tree distances in same condensed order
    tree_pairwise_dist = tree_dist[nodes[iu], nodes[ju]]
    # restrict to pairs whose both endpoints were observed
    pair_mask = present_all[iu] & present_all[ju]
    m = jnp.sum(pair_mask.astype(pairwise_dist.dtype))
    x = jnp.where(pair_mask, pairwise_dist, jnp.zeros_like(pairwise_dist))
    y = jnp.where(pair_mask, tree_pairwise_dist, jnp.zeros_like(tree_pairwise_dist))
    mean_x = jnp.sum(x) / m
    mean_y = jnp.sum(y) / m
    # res = 1 - corrcoef(pairwise_dist, tree_pairwise_dist)[0,1]
    xc = jnp.where(pair_mask, pairwise_dist - mean_x, jnp.zeros_like(pairwise_dist))
    yc = jnp.where(pair_mask, tree_pairwise_dist - mean_y, jnp.zeros_like(tree_pairwise_dist))
    corr = jnp.sum(xc * yc) / (jnp.sqrt(jnp.sum(xc * xc)) * jnp.sqrt(jnp.sum(yc * yc)))
    res = 1.0 - corr
    res = jnp.where(jnp.isnan(res), jnp.array(1.0, res.dtype), res)
    return res

if __name__ == "__main__":
    import jax
    _d = setup_inputs()
    print(jax.jit(kernel)(*tuple(_d.values())))

</pallas_src>

<mosaic_0001>
#map = affine_map<(d0, d1) -> (0, 0)>
#map1 = affine_map<(d0, d1) -> (0, 0, 0)>
module attributes {stable_mosaic.version = 14 : i64} {
  func.func @_sc_segsum(%arg0: i32, %arg1: i32, %arg2: memref<16384x128xf32, #tpu.memory_space<hbm>>, %arg3: memref<128x128xi32, #tpu.memory_space<hbm>>, %arg4: memref<128x128xf32, #tpu.memory_space<hbm>>, %arg5: memref<2x128x128xf32, #tpu.memory_space<hbm>>, %arg6: memref<512x128xf32, #tpu.memory_space<vmem>>, %arg7: memref<4x128xi32, #tpu.memory_space<vmem>>, %arg8: memref<128x128xf32, #tpu.memory_space<vmem_shared>>, %arg9: memref<!tpu.dma_semaphore, #tpu.memory_space<semaphore_mem>>, %arg10: memref<!tpu.dma_semaphore, #tpu.memory_space<semaphore_mem>>, %arg11: memref<!tpu.dma_semaphore, #tpu.memory_space<semaphore_mem>>, %arg12: memref<!tpu.dma_semaphore, #tpu.memory_space<semaphore_mem>>, %arg13: memref<!tpu.dma_semaphore, #tpu.memory_space<semaphore_mem>>, %arg14: memref<!tpu.dma_semaphore, #tpu.memory_space<semaphore_mem>>, %arg15: memref<!tpu.dma_semaphore, #tpu.memory_space<semaphore_mem>>, %arg16: memref<!tpu.dma_semaphore, #tpu.memory_space<semaphore_mem>>) attributes {dimension_semantics = [#tpu.dimension_semantics<core_parallel>, #tpu.dimension_semantics<subcore_parallel>], iteration_bounds = array<i64: 2, 16>, scalar_prefetch = 0 : i64, scratch_operands = 11 : i64, tpu.core_type = #tpu.core_type<sc_vector_subcore>, window_params = [{transform_indices = #map}, {transform_indices = #map}, {transform_indices = #map}, {transform_indices = #map1}]} {
    %mul3A = arith.constant 16 : i32
    %mul3A_0 = arith.muli %arg0, %mul3A : i32
    %add3A = arith.addi %mul3A_0, %arg1 : i32
    %mul3A_1 = arith.constant 512 : i32
    %mul3A_2 = arith.muli %add3A, %mul3A_1 : i32
    %mul3A_3 = arith.constant 4 : i32
    %mul3A_4 = arith.muli %add3A, %mul3A_3 : i32
    "tpu.region"() ({
      %run_scoped3A = tpu.sem_alloc : memref<!tpu.dma_semaphore, #tpu.memory_space<semaphore_mem>>
      %dma_start3A_179 = arith.constant 0 : i32
      %dma_start3A_180 = tpu.memref_slice %arg3[%mul3A_4, %dma_start3A_179] : memref<128x128xi32, #tpu.memory_space<hbm>> -> memref<4x128xi32, #tpu.memory_space<hbm>>
      %dma_start3A_181 = arith.constant 0 : i32
      %dma_start3A_182 = tpu.memref_slice %arg3[%mul3A_4, %dma_start3A_181] : memref<128x128xi32, #tpu.memory_space<hbm>> -> memref<4x128xi32, #tpu.memory_space<hbm>>
      tpu.enqueue_dma source(%dma_start3A_182 : memref<4x128xi32, #tpu.memory_space<hbm>>) target(%arg7 : memref<4x128xi32, #tpu.memory_space<vmem>>) target_semaphore(%run_scoped3A : memref<!tpu.dma_semaphore, #tpu.memory_space<semaphore_mem>>)
      %dma_wait3A_183 = arith.constant 0 : i32
      %dma_wait3A_184 = tpu.memref_slice %arg3[%mul3A_4, %dma_wait3A_183] : memref<128x128xi32, #tpu.memory_space<hbm>> -> memref<4x128xi32, #tpu.memory_space<hbm>>
      %dma_wait3A_185 = arith.constant 0 : i32
      %dma_wait3A_186 = tpu.memref_slice %arg3[%mul3A_4, %dma_wait3A_185] : memref<128x128xi32, #tpu.memory_space<hbm>> -> memref<4x128xi32, #tpu.memory_space<hbm>>
      tpu.wait_dma2 semaphore(%run_scoped3A : memref<!tpu.dma_semaphore, #tpu.memory_space<semaphore_mem>>) src(%dma_wait3A_186 : memref<4x128xi32, #tpu.memory_space<hbm>>) dst(%arg7 : memref<4x128xi32, #tpu.memory_space<vmem>>)
      tpu.yield
    }) : () -> ()
    %add3A_5 = arith.constant 0 : i32
    %add3A_6 = arith.addi %mul3A_2, %add3A_5 : i32
    %dma_start3A = arith.constant 0 : i32
    %dma_start3A_7 = arith.constant 0 : i32
    %dma_start3A_8 = tpu.memref_slice %arg6[%dma_start3A, %dma_start3A_7] : memref<512x128xf32, #tpu.memory_space<vmem>> -> memref<128x128xf32, #tpu.memory_space<vmem>>
    %dma_start3A_9 = arith.constant 0 : i32
    %dma_start3A_10 = tpu.memref_slice %arg2[%add3A_6, %dma_start3A_9] : memref<16384x128xf32, #tpu.memory_space<hbm>> -> memref<128x128xf32, #tpu.memory_space<hbm>>
    %dma_start3A_11 = arith.constant 0 : i32
    %dma_start3A_12 = arith.constant 0 : i32
    %dma_start3A_13 = tpu.memref_slice %arg6[%dma_start3A_11, %dma_start3A_12] : memref<512x128xf32, #tpu.memory_space<vmem>> -> memref<128x128xf32, #tpu.memory_space<vmem>>
    %dma_start3A_14 = arith.constant 0 : i32
    %dma_start3A_15 = tpu.memref_slice %arg2[%add3A_6, %dma_start3A_14] : memref<16384x128xf32, #tpu.memory_space<hbm>> -> memref<128x128xf32, #tpu.memory_space<hbm>>
    tpu.enqueue_dma source(%dma_start3A_15 : memref<128x128xf32, #tpu.memory_space<hbm>>) target(%dma_start3A_13 : memref<128x128xf32, #tpu.memory_space<vmem>>) target_semaphore(%arg9 : memref<!tpu.dma_semaphore, #tpu.memory_space<semaphore_mem>>)
    %add3A_16 = arith.constant 128 : i32
    %add3A_17 = arith.addi %mul3A_2, %add3A_16 : i32
    %dma_start3A_18 = arith.constant 128 : i32
    %dma_start3A_19 = arith.constant 0 : i32
    %dma_start3A_20 = tpu.memref_slice %arg6[%dma_start3A_18, %dma_start3A_19] : memref<512x128xf32, #tpu.memory_space<vmem>> -> memref<128x128xf32, #tpu.memory_space<vmem>>
    %dma_start3A_21 = arith.constant 0 : i32
    %dma_start3A_22 = tpu.memref_slice %arg2[%add3A_17, %dma_start3A_21] : memref<16384x128xf32, #tpu.memory_space<hbm>> -> memref<128x128xf32, #tpu.memory_space<hbm>>
    %dma_start3A_23 = arith.constant 128 : i32
    %dma_start3A_24 = arith.constant 0 : i32
    %dma_start3A_25 = tpu.memref_slice %arg6[%dma_start3A_23, %dma_start3A_24] : memref<512x128xf32, #tpu.memory_space<vmem>> -> memref<128x128xf32, #tpu.memory_space<vmem>>
    %dma_start3A_26 = arith.constant 0 : i32
    %dma_start3A_27 = tpu.memref_slice %arg2[%add3A_17, %dma_start3A_26] : memref<16384x128xf32, #tpu.memory_space<hbm>> -> memref<128x128xf32, #tpu.memory_space<hbm>>
    tpu.enqueue_dma source(%dma_start3A_27 : memref<128x128xf32, #tpu.memory_space<hbm>>) target(%dma_start3A_25 : memref<128x128xf32, #tpu.memory_space<vmem>>) target_semaphore(%arg10 : memref<!tpu.dma_semaphore, #tpu.memory_space<semaphore_mem>>)
    %add3A_28 = arith.constant 256 : i32
    %add3A_29 = arith.addi %mul3A_2, %add3A_28 : i32
    %dma_start3A_30 = arith.constant 256 : i32
    %dma_start3A_31 = arith.constant 0 : i32
    %dma_start3A_32 = tpu.memref_slice %arg6[%dma_start3A_30, %dma_start3A_31] : memref<512x128xf32, #tpu.memory_space<vmem>> -> memref<128x128xf32, #tpu.memory_space<vmem>>
    %dma_start3A_33 = arith.constant 0 : i32
    %dma_start3A_34 = tpu.memref_slice %arg2[%add3A_29, %dma_start3A_33] : memref<16384x128xf32, #tpu.memory_space<hbm>> -> memref<128x128xf32, #tpu.memory_space<hbm>>
    %dma_start3A_35 = arith.constant 256 : i32
    %dma_start3A_36 = arith.constant 0 : i32
    %dma_start3A_37 = tpu.memref_slice %arg6[%dma_start3A_35, %dma_start3A_36] : memref<512x128xf32, #tpu.memory_space<vmem>> -> memref<128x128xf32, #tpu.memory_space<vmem>>
    %dma_start3A_38 = arith.constant 0 : i32
    %dma_start3A_39 = tpu.memref_slice %arg2[%add3A_29, %dma_start3A_38] : memref<16384x128xf32, #tpu.memory_space<hbm>> -> memref<128x128xf32, #tpu.memory_space<hbm>>
    tpu.enqueue_dma source(%dma_start3A_39 : memref<128x128xf32, #tpu.memory_space<hbm>>) target(%dma_start3A_37 : memref<128x128xf32, #tpu.memory_space<vmem>>) target_semaphore(%arg11 : memref<!tpu.dma_semaphore, #tpu.memory_space<semaphore_mem>>)
    %add3A_40 = arith.constant 384 : i32
    %add3A_41 = arith.addi %mul3A_2, %add3A_40 : i32
    %dma_start3A_42 = arith.constant 384 : i32
    %dma_start3A_43 = arith.constant 0 : i32
    %dma_start3A_44 = tpu.memref_slice %arg6[%dma_start3A_42, %dma_start3A_43] : memref<512x128xf32, #tpu.memory_space<vmem>> -> memref<128x128xf32, #tpu.memory_space<vmem>>
    %dma_start3A_45 = arith.constant 0 : i32
    %dma_start3A_46 = tpu.memref_slice %arg2[%add3A_41, %dma_start3A_45] : memref<16384x128xf32, #tpu.memory_space<hbm>> -> memref<128x128xf32, #tpu.memory_space<hbm>>
    %dma_start3A_47 = arith.constant 384 : i32
    %dma_start3A_48 = arith.constant 0 : i32
    %dma_start3A_49 = tpu.memref_slice %arg6[%dma_start3A_47, %dma_start3A_48] : memref<512x128xf32, #tpu.memory_space<vmem>> -> memref<128x128xf32, #tpu.memory_space<vmem>>
    %dma_start3A_50 = arith.constant 0 : i32
    %dma_start3A_51 = tpu.memref_slice %arg2[%add3A_41, %dma_start3A_50] : memref<16384x128xf32, #tpu.memory_space<hbm>> -> memref<128x128xf32, #tpu.memory_space<hbm>>
    tpu.enqueue_dma source(%dma_start3A_51 : memref<128x128xf32, #tpu.memory_space<hbm>>) target(%dma_start3A_49 : memref<128x128xf32, #tpu.memory_space<vmem>>) target_semaphore(%arg12 : memref<!tpu.dma_semaphore, #tpu.memory_space<semaphore_mem>>)
    %eq3A = arith.constant 0 : i32
    %eq3A_52 = arith.cmpi eq, %arg1, %eq3A : i32
    %convert_element_type3A = arith.extui %eq3A_52 : i1 to i32
    %cond3A = arith.constant 0 : i32
    %cond3A_53 = arith.cmpi ne, %convert_element_type3A, %cond3A : i32
    scf.if %cond3A_53 {
      "tpu.region"() ({
        %run_scoped3A = tpu.sem_alloc : memref<!tpu.dma_semaphore, #tpu.memory_space<semaphore_mem>>
        tpu.enqueue_dma source(%arg4 : memref<128x128xf32, #tpu.memory_space<hbm>>) target(%arg8 : memref<128x128xf32, #tpu.memory_space<vmem_shared>>) target_semaphore(%run_scoped3A : memref<!tpu.dma_semaphore, #tpu.memory_space<semaphore_mem>>)
        tpu.wait_dma2 semaphore(%run_scoped3A : memref<!tpu.dma_semaphore, #tpu.memory_space<semaphore_mem>>) src(%arg4 : memref<128x128xf32, #tpu.memory_space<hbm>>) dst(%arg8 : memref<128x128xf32, #tpu.memory_space<vmem_shared>>)
        tpu.yield
      }) : () -> ()
    } else {
    }
    %barrier3A = arith.constant 0 : index
    tpu.barrier barrier_id(%barrier3A)
    %dma_wait3A = arith.constant 0 : i32
    %dma_wait3A_54 = arith.constant 0 : i32
    %dma_wait3A_55 = tpu.memref_slice %arg6[%dma_wait3A, %dma_wait3A_54] : memref<512x128xf32, #tpu.memory_space<vmem>> -> memref<128x128xf32, #tpu.memory_space<vmem>>
    %dma_wait3A_56 = arith.constant 0 : i32
    %dma_wait3A_57 = tpu.memref_slice %arg2[%add3A_6, %dma_wait3A_56] : memref<16384x128xf32, #tpu.memory_space<hbm>> -> memref<128x128xf32, #tpu.memory_space<hbm>>
    %dma_wait3A_58 = arith.constant 0 : i32
    %dma_wait3A_59 = arith.constant 0 : i32
    %dma_wait3A_60 = tpu.memref_slice %arg6[%dma_wait3A_58, %dma_wait3A_59] : memref<512x128xf32, #tpu.memory_space<vmem>> -> memref<128x128xf32, #tpu.memory_space<vmem>>
    %dma_wait3A_61 = arith.constant 0 : i32
    %dma_wait3A_62 = tpu.memref_slice %arg2[%add3A_6, %dma_wait3A_61] : memref<16384x128xf32, #tpu.memory_space<hbm>> -> memref<128x128xf32, #tpu.memory_space<hbm>>
    tpu.wait_dma2 semaphore(%arg9 : memref<!tpu.dma_semaphore, #tpu.memory_space<semaphore_mem>>) src(%dma_wait3A_62 : memref<128x128xf32, #tpu.memory_space<hbm>>) dst(%dma_wait3A_60 : memref<128x128xf32, #tpu.memory_space<vmem>>)
    %dma_start3A_63 = arith.constant 0 : i32
    %dma_start3A_64 = arith.constant 0 : i32
    %dma_start3A_65 = arith.constant 0 : i32
    %dma_start3A_66 = tpu.memref_slice %arg6[%dma_start3A_64, %dma_start3A_65] : memref<512x128xf32, #tpu.memory_space<vmem>> -> memref<128x128xf32, #tpu.memory_space<vmem>>
    %dma_start3A_67 = arith.constant 0 : i32
    %dma_start3A_68 = tpu.memref_slice %arg7[%dma_start3A_63, %dma_start3A_67] : memref<4x128xi32, #tpu.memory_space<vmem>> -> memref<1x128xi32, #tpu.memory_space<vmem>>
    %dma_start3A_69 = tpu.memref_squeeze %dma_start3A_68 : memref<1x128xi32, #tpu.memory_space<vmem>> -> memref<128xi32, #tpu.memory_space<vmem>>
    %dma_start3A_70 = arith.constant 0 : i32
    %dma_start3A_71 = arith.constant 0 : i32
    %dma_start3A_72 = tpu.memref_slice %arg8[%dma_start3A_70, %dma_start3A_71] : memref<128x128xf32, #tpu.memory_space<vmem_shared>> -> memref<128x128xf32, #tpu.memory_space<vmem_shared>>
    tpu.enqueue_indirect_dma source(%dma_start3A_66 : memref<128x128xf32, #tpu.memory_space<vmem>>) target(%dma_start3A_72 : memref<128x128xf32, #tpu.memory_space<vmem_shared>>) offsets(%dma_start3A_69 : memref<128xi32, #tpu.memory_space<vmem>>) semaphore(%arg13 : memref<!tpu.dma_semaphore, #tpu.memory_space<semaphore_mem>>) {add = true}
    %dma_wait3A_73 = arith.constant 128 : i32
    %dma_wait3A_74 = arith.constant 0 : i32
    %dma_wait3A_75 = tpu.memref_slice %arg6[%dma_wait3A_73, %dma_wait3A_74] : memref<512x128xf32, #tpu.memory_space<vmem>> -> memref<128x128xf32, #tpu.memory_space<vmem>>
    %dma_wait3A_76 = arith.constant 0 : i32
    %dma_wait3A_77 = tpu.memref_slice %arg2[%add3A_17, %dma_wait3A_76] : memref<16384x128xf32, #tpu.memory_space<hbm>> -> memref<128x128xf32, #tpu.memory_space<hbm>>
    %dma_wait3A_78 = arith.constant 128 : i32
    %dma_wait3A_79 = arith.constant 0 : i32
    %dma_wait3A_80 = tpu.memref_slice %arg6[%dma_wait3A_78, %dma_wait3A_79] : memref<512x128xf32, #tpu.memory_space<vmem>> -> memref<128x128xf32, #tpu.memory_space<vmem>>
    %dma_wait3A_81 = arith.constant 0 : i32
    %dma_wait3A_82 = tpu.memref_slice %arg2[%add3A_17, %dma_wait3A_81] : memref<16384x128xf32, #tpu.memory_space<hbm>> -> memref<128x128xf32, #tpu.memory_space<hbm>>
    tpu.wait_dma2 semaphore(%arg10 : memref<!tpu.dma_semaphore, #tpu.memory_space<semaphore_mem>>) src(%dma_wait3A_82 : memref<128x128xf32, #tpu.memory_space<hbm>>) dst(%dma_wait3A_80 : memref<128x128xf32, #tpu.memory_space<vmem>>)
    %dma_start3A_83 = arith.constant 1 : i32
    %dma_start3A_84 = arith.constant 128 : i32
    %dma_start3A_85 = arith.constant 0 : i32
    %dma_start3A_86 = tpu.memref_slice %arg6[%dma_start3A_84, %dma_start3A_85] : memref<512x128xf32, #tpu.memory_space<vmem>> -> memref<128x128xf32, #tpu.memory_space<vmem>>
    %dma_start3A_87 = arith.constant 0 : i32
    %dma_start3A_88 = tpu.memref_slice %arg7[%dma_start3A_83, %dma_start3A_87] : memref<4x128xi32, #tpu.memory_space<vmem>> -> memref<1x128xi32, #tpu.memory_space<vmem>>
    %dma_start3A_89 = tpu.memref_squeeze %dma_start3A_88 : memref<1x128xi32, #tpu.memory_space<vmem>> -> memref<128xi32, #tpu.memory_space<vmem>>
    %dma_start3A_90 = arith.constant 0 : i32
    %dma_start3A_91 = arith.constant 0 : i32
    %dma_start3A_92 = tpu.memref_slice %arg8[%dma_start3A_90, %dma_start3A_91] : memref<128x128xf32, #tpu.memory_space<vmem_shared>> -> memref<128x128xf32, #tpu.memory_space<vmem_shared>>
    tpu.enqueue_indirect_dma source(%dma_start3A_86 : memref<128x128xf32, #tpu.memory_space<vmem>>) target(%dma_start3A_92 : memref<128x128xf32, #tpu.memory_space<vmem_shared>>) offsets(%dma_start3A_89 : memref<128xi32, #tpu.memory_space<vmem>>) semaphore(%arg14 : memref<!tpu.dma_semaphore, #tpu.memory_space<semaphore_mem>>) {add = true}
    %dma_wait3A_93 = arith.constant 256 : i32
    %dma_wait3A_94 = arith.constant 0 : i32
    %dma_wait3A_95 = tpu.memref_slice %arg6[%dma_wait3A_93, %dma_wait3A_94] : memref<512x128xf32, #tpu.memory_space<vmem>> -> memref<128x128xf32, #tpu.memory_space<vmem>>
    %dma_wait3A_96 = arith.constant 0 : i32
    %dma_wait3A_97 = tpu.memref_slice %arg2[%add3A_29, %dma_wait3A_96] : memref<16384x128xf32, #tpu.memory_space<hbm>> -> memref<128x128xf32, #tpu.memory_space<hbm>>
    %dma_wait3A_98 = arith.constant 256 : i32
    %dma_wait3A_99 = arith.constant 0 : i32
    %dma_wait3A_100 = tpu.memref_slice %arg6[%dma_wait3A_98, %dma_wait3A_99] : memref<512x128xf32, #tpu.memory_space<vmem>> -> memref<128x128xf32, #tpu.memory_space<vmem>>
    %dma_wait3A_101 = arith.constant 0 : i32
    %dma_wait3A_102 = tpu.memref_slice %arg2[%add3A_29, %dma_wait3A_101] : memref<16384x128xf32, #tpu.memory_space<hbm>> -> memref<128x128xf32, #tpu.memory_space<hbm>>
    tpu.wait_dma2 semaphore(%arg11 : memref<!tpu.dma_semaphore, #tpu.memory_space<semaphore_mem>>) src(%dma_wait3A_102 : memref<128x128xf32, #tpu.memory_space<hbm>>) dst(%dma_wait3A_100 : memref<128x128xf32, #tpu.memory_space<vmem>>)
    %dma_start3A_103 = arith.constant 2 : i32
    %dma_start3A_104 = arith.constant 256 : i32
    %dma_start3A_105 = arith.constant 0 : i32
    %dma_start3A_106 = tpu.memref_slice %arg6[%dma_start3A_104, %dma_start3A_105] : memref<512x128xf32, #tpu.memory_space<vmem>> -> memref<128x128xf32, #tpu.memory_space<vmem>>
    %dma_start3A_107 = arith.constant 0 : i32
    %dma_start3A_108 = tpu.memref_slice %arg7[%dma_start3A_103, %dma_start3A_107] : memref<4x128xi32, #tpu.memory_space<vmem>> -> memref<1x128xi32, #tpu.memory_space<vmem>>
    %dma_start3A_109 = tpu.memref_squeeze %dma_start3A_108 : memref<1x128xi32, #tpu.memory_space<vmem>> -> memref<128xi32, #tpu.memory_space<vmem>>
    %dma_start3A_110 = arith.constant 0 : i32
    %dma_start3A_111 = arith.constant 0 : i32
    %dma_start3A_112 = tpu.memref_slice %arg8[%dma_start3A_110, %dma_start3A_111] : memref<128x128xf32, #tpu.memory_space<vmem_shared>> -> memref<128x128xf32, #tpu.memory_space<vmem_shared>>
    tpu.enqueue_indirect_dma source(%dma_start3A_106 : memref<128x128xf32, #tpu.memory_space<vmem>>) target(%dma_start3A_112 : memref<128x128xf32, #tpu.memory_space<vmem_shared>>) offsets(%dma_start3A_109 : memref<128xi32, #tpu.memory_space<vmem>>) semaphore(%arg15 : memref<!tpu.dma_semaphore, #tpu.memory_space<semaphore_mem>>) {add = true}
    %dma_wait3A_113 = arith.constant 384 : i32
    %dma_wait3A_114 = arith.constant 0 : i32
    %dma_wait3A_115 = tpu.memref_slice %arg6[%dma_wait3A_113, %dma_wait3A_114] : memref<512x128xf32, #tpu.memory_space<vmem>> -> memref<128x128xf32, #tpu.memory_space<vmem>>
    %dma_wait3A_116 = arith.constant 0 : i32
    %dma_wait3A_117 = tpu.memref_slice %arg2[%add3A_41, %dma_wait3A_116] : memref<16384x128xf32, #tpu.memory_space<hbm>> -> memref<128x128xf32, #tpu.memory_space<hbm>>
    %dma_wait3A_118 = arith.constant 384 : i32
    %dma_wait3A_119 = arith.constant 0 : i32
    %dma_wait3A_120 = tpu.memref_slice %arg6[%dma_wait3A_118, %dma_wait3A_119] : memref<512x128xf32, #tpu.memory_space<vmem>> -> memref<128x128xf32, #tpu.memory_space<vmem>>
    %dma_wait3A_121 = arith.constant 0 : i32
    %dma_wait3A_122 = tpu.memref_slice %arg2[%add3A_41, %dma_wait3A_121] : memref<16384x128xf32, #tpu.memory_space<hbm>> -> memref<128x128xf32, #tpu.memory_space<hbm>>
    tpu.wait_dma2 semaphore(%arg12 : memref<!tpu.dma_semaphore, #tpu.memory_space<semaphore_mem>>) src(%dma_wait3A_122 : memref<128x128xf32, #tpu.memory_space<hbm>>) dst(%dma_wait3A_120 : memref<128x128xf32, #tpu.memory_space<vmem>>)
    %dma_start3A_123 = arith.constant 3 : i32
    %dma_start3A_124 = arith.constant 384 : i32
    %dma_start3A_125 = arith.constant 0 : i32
    %dma_start3A_126 = tpu.memref_slice %arg6[%dma_start3A_124, %dma_start3A_125] : memref<512x128xf32, #tpu.memory_space<vmem>> -> memref<128x128xf32, #tpu.memory_space<vmem>>
    %dma_start3A_127 = arith.constant 0 : i32
    %dma_start3A_128 = tpu.memref_slice %arg7[%dma_start3A_123, %dma_start3A_127] : memref<4x128xi32, #tpu.memory_space<vmem>> -> memref<1x128xi32, #tpu.memory_space<vmem>>
    %dma_start3A_129 = tpu.memref_squeeze %dma_start3A_128 : memref<1x128xi32, #tpu.memory_space<vmem>> -> memref<128xi32, #tpu.memory_space<vmem>>
    %dma_start3A_130 = arith.constant 0 : i32
    %dma_start3A_131 = arith.constant 0 : i32
    %dma_start3A_132 = tpu.memref_slice %arg8[%dma_start3A_130, %dma_start3A_131] : memref<128x128xf32, #tpu.memory_space<vmem_shared>> -> memref<128x128xf32, #tpu.memory_space<vmem_shared>>
    tpu.enqueue_indirect_dma source(%dma_start3A_126 : memref<128x128xf32, #tpu.memory_space<vmem>>) target(%dma_start3A_132 : memref<128x128xf32, #tpu.memory_space<vmem_shared>>) offsets(%dma_start3A_129 : memref<128xi32, #tpu.memory_space<vmem>>) semaphore(%arg16 : memref<!tpu.dma_semaphore, #tpu.memory_space<semaphore_mem>>) {add = true}
    %dma_wait3A_133 = arith.constant 0 : i32
    %dma_wait3A_134 = arith.constant 0 : i32
    %dma_wait3A_135 = arith.constant 0 : i32
    %dma_wait3A_136 = tpu.memref_slice %arg6[%dma_wait3A_134, %dma_wait3A_135] : memref<512x128xf32, #tpu.memory_space<vmem>> -> memref<128x128xf32, #tpu.memory_space<vmem>>
    %dma_wait3A_137 = arith.constant 0 : i32
    %dma_wait3A_138 = tpu.memref_slice %arg7[%dma_wait3A_133, %dma_wait3A_137] : memref<4x128xi32, #tpu.memory_space<vmem>> -> memref<1x128xi32, #tpu.memory_space<vmem>>
    %dma_wait3A_139 = tpu.memref_squeeze %dma_wait3A_138 : memref<1x128xi32, #tpu.memory_space<vmem>> -> memref<128xi32, #tpu.memory_space<vmem>>
    %dma_wait3A_140 = arith.constant 0 : i32
    %dma_wait3A_141 = arith.constant 0 : i32
    %dma_wait3A_142 = tpu.memref_slice %arg8[%dma_wait3A_140, %dma_wait3A_141] : memref<128x128xf32, #tpu.memory_space<vmem_shared>> -> memref<128x128xf32, #tpu.memory_space<vmem_shared>>
    tpu.wait_indirect_dma semaphore(%arg13 : memref<!tpu.dma_semaphore, #tpu.memory_space<semaphore_mem>>) src(%dma_wait3A_136 : memref<128x128xf32, #tpu.memory_space<vmem>>) dst(%dma_wait3A_142 : memref<128x128xf32, #tpu.memory_space<vmem_shared>>)
    %dma_wait3A_143 = arith.constant 1 : i32
    %dma_wait3A_144 = arith.constant 128 : i32
    %dma_wait3A_145 = arith.constant 0 : i32
    %dma_wait3A_146 = tpu.memref_slice %arg6[%dma_wait3A_144, %dma_wait3A_145] : memref<512x128xf32, #tpu.memory_space<vmem>> -> memref<128x128xf32, #tpu.memory_space<vmem>>
    %dma_wait3A_147 = arith.constant 0 : i32
    %dma_wait3A_148 = tpu.memref_slice %arg7[%dma_wait3A_143, %dma_wait3A_147] : memref<4x128xi32, #tpu.memory_space<vmem>> -> memref<1x128xi32, #tpu.memory_space<vmem>>
    %dma_wait3A_149 = tpu.memref_squeeze %dma_wait3A_148 : memref<1x128xi32, #tpu.memory_space<vmem>> -> memref<128xi32, #tpu.memory_space<vmem>>
    %dma_wait3A_150 = arith.constant 0 : i32
    %dma_wait3A_151 = arith.constant 0 : i32
    %dma_wait3A_152 = tpu.memref_slice %arg8[%dma_wait3A_150, %dma_wait3A_151] : memref<128x128xf32, #tpu.memory_space<vmem_shared>> -> memref<128x128xf32, #tpu.memory_space<vmem_shared>>
    tpu.wait_indirect_dma semaphore(%arg14 : memref<!tpu.dma_semaphore, #tpu.memory_space<semaphore_mem>>) src(%dma_wait3A_146 : memref<128x128xf32, #tpu.memory_space<vmem>>) dst(%dma_wait3A_152 : memref<128x128xf32, #tpu.memory_space<vmem_shared>>)
    %dma_wait3A_153 = arith.constant 2 : i32
    %dma_wait3A_154 = arith.constant 256 : i32
    %dma_wait3A_155 = arith.constant 0 : i32
    %dma_wait3A_156 = tpu.memref_slice %arg6[%dma_wait3A_154, %dma_wait3A_155] : memref<512x128xf32, #tpu.memory_space<vmem>> -> memref<128x128xf32, #tpu.memory_space<vmem>>
    %dma_wait3A_157 = arith.constant 0 : i32
    %dma_wait3A_158 = tpu.memref_slice %arg7[%dma_wait3A_153, %dma_wait3A_157] : memref<4x128xi32, #tpu.memory_space<vmem>> -> memref<1x128xi32, #tpu.memory_space<vmem>>
    %dma_wait3A_159 = tpu.memref_squeeze %dma_wait3A_158 : memref<1x128xi32, #tpu.memory_space<vmem>> -> memref<128xi32, #tpu.memory_space<vmem>>
    %dma_wait3A_160 = arith.constant 0 : i32
    %dma_wait3A_161 = arith.constant 0 : i32
    %dma_wait3A_162 = tpu.memref_slice %arg8[%dma_wait3A_160, %dma_wait3A_161] : memref<128x128xf32, #tpu.memory_space<vmem_shared>> -> memref<128x128xf32, #tpu.memory_space<vmem_shared>>
    tpu.wait_indirect_dma semaphore(%arg15 : memref<!tpu.dma_semaphore, #tpu.memory_space<semaphore_mem>>) src(%dma_wait3A_156 : memref<128x128xf32, #tpu.memory_space<vmem>>) dst(%dma_wait3A_162 : memref<128x128xf32, #tpu.memory_space<vmem_shared>>)
    %dma_wait3A_163 = arith.constant 3 : i32
    %dma_wait3A_164 = arith.constant 384 : i32
    %dma_wait3A_165 = arith.constant 0 : i32
    %dma_wait3A_166 = tpu.memref_slice %arg6[%dma_wait3A_164, %dma_wait3A_165] : memref<512x128xf32, #tpu.memory_space<vmem>> -> memref<128x128xf32, #tpu.memory_space<vmem>>
    %dma_wait3A_167 = arith.constant 0 : i32
    %dma_wait3A_168 = tpu.memref_slice %arg7[%dma_wait3A_163, %dma_wait3A_167] : memref<4x128xi32, #tpu.memory_space<vmem>> -> memref<1x128xi32, #tpu.memory_space<vmem>>
    %dma_wait3A_169 = tpu.memref_squeeze %dma_wait3A_168 : memref<1x128xi32, #tpu.memory_space<vmem>> -> memref<128xi32, #tpu.memory_space<vmem>>
    %dma_wait3A_170 = arith.constant 0 : i32
    %dma_wait3A_171 = arith.constant 0 : i32
    %dma_wait3A_172 = tpu.memref_slice %arg8[%dma_wait3A_170, %dma_wait3A_171] : memref<128x128xf32, #tpu.memory_space<vmem_shared>> -> memref<128x128xf32, #tpu.memory_space<vmem_shared>>
    tpu.wait_indirect_dma semaphore(%arg16 : memref<!tpu.dma_semaphore, #tpu.memory_space<semaphore_mem>>) src(%dma_wait3A_166 : memref<128x128xf32, #tpu.memory_space<vmem>>) dst(%dma_wait3A_172 : memref<128x128xf32, #tpu.memory_space<vmem_shared>>)
    %barrier3A_173 = arith.constant 0 : index
    tpu.barrier barrier_id(%barrier3A_173)
    %eq3A_174 = arith.constant 0 : i32
    %eq3A_175 = arith.cmpi eq, %arg1, %eq3A_174 : i32
    %convert_element_type3A_176 = arith.extui %eq3A_175 : i1 to i32
    %cond3A_177 = arith.constant 0 : i32
    %cond3A_178 = arith.cmpi ne, %convert_element_type3A_176, %cond3A_177 : i32
    scf.if %cond3A_178 {
      "tpu.region"() ({
        %run_scoped3A = tpu.sem_alloc : memref<!tpu.dma_semaphore, #tpu.memory_space<semaphore_mem>>
        %dma_start3A_179 = arith.constant 0 : i32
        %dma_start3A_180 = arith.constant 0 : i32
        %dma_start3A_181 = tpu.memref_slice %arg5[%arg0, %dma_start3A_179, %dma_start3A_180] : memref<2x128x128xf32, #tpu.memory_space<hbm>> -> memref<1x128x128xf32, #tpu.memory_space<hbm>>
        %dma_start3A_182 = tpu.memref_squeeze %dma_start3A_181 : memref<1x128x128xf32, #tpu.memory_space<hbm>> -> memref<128x128xf32, #tpu.memory_space<hbm>>
        tpu.enqueue_dma source(%arg8 : memref<128x128xf32, #tpu.memory_space<vmem_shared>>) target(%dma_start3A_182 : memref<128x128xf32, #tpu.memory_space<hbm>>) target_semaphore(%run_scoped3A : memref<!tpu.dma_semaphore, #tpu.memory_space<semaphore_mem>>)
        %dma_wait3A_183 = arith.constant 0 : i32
        %dma_wait3A_184 = arith.constant 0 : i32
        %dma_wait3A_185 = tpu.memref_slice %arg5[%arg0, %dma_wait3A_183, %dma_wait3A_184] : memref<2x128x128xf32, #tpu.memory_space<hbm>> -> memref<1x128x128xf32, #tpu.memory_space<hbm>>
        %dma_wait3A_186 = tpu.memref_squeeze %dma_wait3A_185 : memref<1x128x128xf32, #tpu.memory_space<hbm>> -> memref<128x128xf32, #tpu.memory_space<hbm>>
        tpu.wait_dma2 semaphore(%run_scoped3A : memref<!tpu.dma_semaphore, #tpu.memory_space<semaphore_mem>>) src(%arg8 : memref<128x128xf32, #tpu.memory_space<vmem_shared>>) dst(%dma_wait3A_186 : memref<128x128xf32, #tpu.memory_space<hbm>>)
        tpu.yield
      }) : () -> ()
    } else {
    }
    return
  }
}

module attributes {stable_mosaic.version = 14 : i64} {
  func.func @_tc_tail(%arg0: memref<2x128x128xf32, #tpu.memory_space<vmem>>, %arg1: memref<8x128xf32, #tpu.memory_space<vmem>>, %arg2: memref<1x128xi32, #tpu.memory_space<vmem>>, %arg3: memref<128x128xf32, #tpu.memory_space<vmem>>, %arg4: memref<1x1xf32, #tpu.memory_space<smem>>) attributes {dimension_semantics = [], scalar_prefetch = 0 : i64, scratch_operands = 0 : i64, tpu.core_type = #tpu.core_type<tc>} {
    %get3A = arith.constant 0 : index
    %get3A_0 = arith.constant 0 : index
    %get3A_1 = arith.constant 0 : index
    %get3A_2 = vector.load %arg0[%get3A, %get3A_0, %get3A_1] : memref<2x128x128xf32, #tpu.memory_space<vmem>>, vector<1x128x128xf32>
    %get3A_3 = vector.shape_cast %get3A_2 : vector<1x128x128xf32> to vector<128x128xf32>
    %get3A_4 = arith.constant 1 : index
    %get3A_5 = arith.constant 0 : index
    %get3A_6 = arith.constant 0 : index
    %get3A_7 = vector.load %arg0[%get3A_4, %get3A_5, %get3A_6] : memref<2x128x128xf32, #tpu.memory_space<vmem>>, vector<1x128x128xf32>
    %get3A_8 = vector.shape_cast %get3A_7 : vector<1x128x128xf32> to vector<128x128xf32>
    %add3A = arith.addf %get3A_3, %get3A_8 : vector<128x128xf32>
    %get3A_9 = arith.constant 0 : index
    %get3A_10 = arith.constant 0 : index
    %get3A_11 = vector.load %arg1[%get3A_9, %get3A_10] : memref<8x128xf32, #tpu.memory_space<vmem>>, vector<1x128xf32>
    %get3A_12 = arith.constant 0 : index
    %get3A_13 = arith.constant 0 : index
    %get3A_14 = vector.load %arg2[%get3A_12, %get3A_13] : memref<1x128xi32, #tpu.memory_space<vmem>>, vector<1x128xi32>
    %iota3A = tpu.iota {dimensions = array<i32: 0>} : vector<128x128xi32>
    %iota3A_15 = tpu.iota {dimensions = array<i32: 1>} : vector<128x128xi32>
    %eq3A = arith.cmpi eq, %iota3A, %iota3A_15 : vector<128x128xi32>
    %lt3A = arith.constant 100 : i32
    %lt3A_16 = vector.broadcast %lt3A : i32 to vector<128x128xi32>
    %lt3A_17 = arith.cmpi slt, %iota3A, %lt3A_16 : vector<128x128xi32>
    %and3A = arith.andi %eq3A, %lt3A_17 : vector<128x128xi1>
    %ge3A = arith.constant 100 : i32
    %ge3A_18 = vector.broadcast %ge3A : i32 to vector<128x128xi32>
    %ge3A_19 = arith.cmpi sge, %iota3A, %ge3A_18 : vector<128x128xi32>
    %lt3A_20 = arith.constant 120 : i32
    %lt3A_21 = vector.broadcast %lt3A_20 : i32 to vector<128x128xi32>
    %lt3A_22 = arith.cmpi slt, %iota3A, %lt3A_21 : vector<128x128xi32>
    %and3A_23 = arith.andi %ge3A_19, %lt3A_22 : vector<128x128xi1>
    %eq3A_24 = vector.broadcast %get3A_14 : vector<1x128xi32> to vector<128x128xi32>
    %eq3A_25 = arith.cmpi eq, %eq3A_24, %iota3A : vector<128x128xi32>
    %and3A_26 = arith.andi %and3A_23, %eq3A_25 : vector<128x128xi1>
    %or3A = arith.ori %and3A, %and3A_26 : vector<128x128xi1>
    %jit3A = arith.constant 1.000000e+00 : f32
    %jit3A_27 = arith.constant 0.000000e+00 : f32
    %broadcast_in_dim3A = vector.broadcast %jit3A : f32 to vector<128x128xf32>
    %broadcast_in_dim3A_28 = vector.broadcast %jit3A_27 : f32 to vector<128x128xf32>
    %select_n3A = arith.select %or3A, %broadcast_in_dim3A, %broadcast_in_dim3A_28 : vector<128x128xi1>, vector<128x128xf32>
    %dot_general3A = arith.constant dense<0.000000e+00> : vector<128x128xf32>
    %dot_general3A_29 = tpu.matmul %select_n3A, %add3A, %dot_general3A {dimension_numbers = #tpu.dot_dimension_numbers<[1], [0], [0], [1], [0, 0, 1, 1], [], []>, transpose_lhs_hint = false} : vector<128x128xf32>, vector<128x128xf32>, vector<128x128xf32> -> vector<128x128xf32>
    %mul3A = vector.broadcast %get3A_11 : vector<1x128xf32> to vector<128x128xf32>
    %mul3A_30 = arith.mulf %select_n3A, %mul3A : vector<128x128xf32>
    %reduce_sum3A = arith.constant dense<0.000000e+00> : vector<128xf32>
    %reduce_sum3A_31 = vector.multi_reduction <add>, %mul3A_30, %reduce_sum3A [1] : vector<128x128xf32> to vector<128xf32>
    %broadcast_in_dim3A_32 = vector.shape_cast %reduce_sum3A_31 : vector<128xf32> to vector<128x1xf32>
    %gt3A = arith.constant 0.000000e+00 : f32
    %gt3A_33 = vector.broadcast %gt3A : f32 to vector<128x1xf32>
    %gt3A_34 = arith.cmpf ogt, %broadcast_in_dim3A_32, %gt3A_33 : vector<128x1xf32>
    %jit3A_35 = arith.constant 1.000000e+00 : f32
    %broadcast_in_dim3A_36 = vector.broadcast %jit3A_35 : f32 to vector<128x1xf32>
    %select_n3A_37 = arith.select %gt3A_34, %broadcast_in_dim3A_32, %broadcast_in_dim3A_36 : vector<128x1xi1>, vector<128x1xf32>
    %div3A = vector.broadcast %select_n3A_37 : vector<128x1xf32> to vector<128x128xf32>
    %div3A_38 = arith.divf %dot_general3A_29, %div3A : vector<128x128xf32>
    %dot_general3A_39 = arith.constant dense<0.000000e+00> : vector<128x128xf32>
    %dot_general3A_40 = tpu.matmul %div3A_38, %div3A_38, %dot_general3A_39 {dimension_numbers = #tpu.dot_dimension_numbers<[1], [1], [0], [0], [0, 0, 1, 0], [], []>, transpose_lhs_hint = false} : vector<128x128xf32>, vector<128x128xf32>, vector<128x128xf32> -> vector<128x128xf32>
    %mul3A_41 = arith.mulf %div3A_38, %div3A_38 : vector<128x128xf32>
    %reduce_sum3A_42 = arith.constant dense<0.000000e+00> : vector<128xf32>
    %reduce_sum3A_43 = vector.multi_reduction <add>, %mul3A_41, %reduce_sum3A_42 [1] : vector<128x128xf32> to vector<128xf32>
    %broadcast_in_dim3A_44 = vector.shape_cast %reduce_sum3A_43 : vector<128xf32> to vector<128x1xf32>
    %jit3A_45 = arith.constant 0.000000e+00 : f32
    %broadcast_in_dim3A_46 = vector.broadcast %jit3A_45 : f32 to vector<128x128xf32>
    %select_n3A_47 = arith.select %eq3A, %dot_general3A_40, %broadcast_in_dim3A_46 : vector<128x128xi1>, vector<128x128xf32>
    %reduce_sum3A_48 = arith.constant dense<0.000000e+00> : vector<128xf32>
    %reduce_sum3A_49 = vector.multi_reduction <add>, %select_n3A_47, %reduce_sum3A_48 [0] : vector<128x128xf32> to vector<128xf32>
    %broadcast_in_dim3A_50 = vector.shape_cast %reduce_sum3A_49 : vector<128xf32> to vector<1x128xf32>
    %add3A_51 = vector.broadcast %broadcast_in_dim3A_44 : vector<128x1xf32> to vector<128x128xf32>
    %add3A_52 = vector.broadcast %broadcast_in_dim3A_50 : vector<1x128xf32> to vector<128x128xf32>
    %add3A_53 = arith.addf %add3A_51, %add3A_52 : vector<128x128xf32>
    %mul3A_54 = arith.constant 2.000000e+00 : f32
    %mul3A_55 = vector.broadcast %mul3A_54 : f32 to vector<128x128xf32>
    %mul3A_56 = arith.mulf %mul3A_55, %dot_general3A_40 : vector<128x128xf32>
    %sub3A = arith.subf %add3A_53, %mul3A_56 : vector<128x128xf32>
    %max3A = arith.constant 0.000000e+00 : f32
    %max3A_57 = vector.broadcast %max3A : f32 to vector<128x128xf32>
    %max3A_58 = arith.maximumf %sub3A, %max3A_57 : vector<128x128xf32>
    %sqrt3A = math.sqrt %max3A_58 : vector<128x128xf32>
    %dot_general3A_59 = arith.constant dense<0.000000e+00> : vector<1x128xf32>
    %dot_general3A_60 = tpu.matmul %get3A_11, %select_n3A, %dot_general3A_59 {dimension_numbers = #tpu.dot_dimension_numbers<[1], [1], [0], [0], [0, 0, 1, 0], [], []>, transpose_lhs_hint = false} : vector<1x128xf32>, vector<128x128xf32>, vector<1x128xf32> -> vector<1x128xf32>
    %gt3A_61 = arith.constant 0.000000e+00 : f32
    %gt3A_62 = vector.broadcast %gt3A_61 : f32 to vector<128x1xf32>
    %gt3A_63 = arith.cmpf ogt, %broadcast_in_dim3A_32, %gt3A_62 : vector<128x1xf32>
    %gt3A_64 = arith.constant 0.000000e+00 : f32
    %gt3A_65 = vector.broadcast %gt3A_64 : f32 to vector<1x128xf32>
    %gt3A_66 = arith.cmpf ogt, %dot_general3A_60, %gt3A_65 : vector<1x128xf32>
    %and3A_67 = vector.broadcast %gt3A_63 : vector<128x1xi1> to vector<128x128xi1>
    %and3A_68 = vector.broadcast %gt3A_66 : vector<1x128xi1> to vector<128x128xi1>
    %and3A_69 = arith.andi %and3A_67, %and3A_68 : vector<128x128xi1>
    %lt3A_70 = arith.cmpi slt, %iota3A, %iota3A_15 : vector<128x128xi32>
    %and3A_71 = arith.andi %and3A_69, %lt3A_70 : vector<128x128xi1>
    %lt3A_72 = arith.constant 120 : i32
    %lt3A_73 = vector.broadcast %lt3A_72 : i32 to vector<128x128xi32>
    %lt3A_74 = arith.cmpi slt, %iota3A_15, %lt3A_73 : vector<128x128xi32>
    %and3A_75 = arith.andi %and3A_71, %lt3A_74 : vector<128x128xi1>
    %jit3A_76 = arith.constant 1.000000e+00 : f32
    %jit3A_77 = arith.constant 0.000000e+00 : f32
    %broadcast_in_dim3A_78 = vector.broadcast %jit3A_76 : f32 to vector<128x128xf32>
    %broadcast_in_dim3A_79 = vector.broadcast %jit3A_77 : f32 to vector<128x128xf32>
    %select_n3A_80 = arith.select %and3A_75, %broadcast_in_dim3A_78, %broadcast_in_dim3A_79 : vector<128x128xi1>, vector<128x128xf32>
    %get3A_81 = arith.constant 0 : index
    %get3A_82 = arith.constant 0 : index
    %get3A_83 = vector.load %arg3[%get3A_81, %get3A_82] : memref<128x128xf32, #tpu.memory_space<vmem>>, vector<128x128xf32>
    %reduce_sum3A_84 = vector.shape_cast %select_n3A_80 : vector<128x128xf32> to vector<1x128x128xf32>
    %reduce_sum3A_85 = arith.constant dense<0.000000e+00> : vector<1xf32>
    %reduce_sum3A_86 = vector.multi_reduction <add>, %reduce_sum3A_84, %reduce_sum3A_85 [1, 2] : vector<1x128x128xf32> to vector<1xf32>
    %reduce_sum3A_87 = vector.shape_cast %reduce_sum3A_86 : vector<1xf32> to vector<1x1x1xf32>
    %reduce_sum3A_88 = vector.extract %reduce_sum3A_87[0, 0, 0] : f32 from vector<1x1x1xf32>
    %mul3A_89 = arith.mulf %select_n3A_80, %sqrt3A : vector<128x128xf32>
    %reduce_sum3A_90 = vector.shape_cast %mul3A_89 : vector<128x128xf32> to vector<1x128x128xf32>
    %reduce_sum3A_91 = arith.constant dense<0.000000e+00> : vector<1xf32>
    %reduce_sum3A_92 = vector.multi_reduction <add>, %reduce_sum3A_90, %reduce_sum3A_91 [1, 2] : vector<1x128x128xf32> to vector<1xf32>
    %reduce_sum3A_93 = vector.shape_cast %reduce_sum3A_92 : vector<1xf32> to vector<1x1x1xf32>
    %reduce_sum3A_94 = vector.extract %reduce_sum3A_93[0, 0, 0] : f32 from vector<1x1x1xf32>
    %div3A_95 = arith.divf %reduce_sum3A_94, %reduce_sum3A_88 : f32
    %mul3A_96 = arith.mulf %select_n3A_80, %get3A_83 : vector<128x128xf32>
    %reduce_sum3A_97 = vector.shape_cast %mul3A_96 : vector<128x128xf32> to vector<1x128x128xf32>
    %reduce_sum3A_98 = arith.constant dense<0.000000e+00> : vector<1xf32>
    %reduce_sum3A_99 = vector.multi_reduction <add>, %reduce_sum3A_97, %reduce_sum3A_98 [1, 2] : vector<1x128x128xf32> to vector<1xf32>
    %reduce_sum3A_100 = vector.shape_cast %reduce_sum3A_99 : vector<1xf32> to vector<1x1x1xf32>
    %reduce_sum3A_101 = vector.extract %reduce_sum3A_100[0, 0, 0] : f32 from vector<1x1x1xf32>
    %div3A_102 = arith.divf %reduce_sum3A_101, %reduce_sum3A_88 : f32
    %sub3A_103 = vector.broadcast %div3A_95 : f32 to vector<128x128xf32>
    %sub3A_104 = arith.subf %sqrt3A, %sub3A_103 : vector<128x128xf32>
    %mul3A_105 = arith.mulf %select_n3A_80, %sub3A_104 : vector<128x128xf32>
    %sub3A_106 = vector.broadcast %div3A_102 : f32 to vector<128x128xf32>
    %sub3A_107 = arith.subf %get3A_83, %sub3A_106 : vector<128x128xf32>
    %mul3A_108 = arith.mulf %select_n3A_80, %sub3A_107 : vector<128x128xf32>
    %mul3A_109 = arith.mulf %mul3A_105, %mul3A_108 : vector<128x128xf32>
    %reduce_sum3A_110 = vector.shape_cast %mul3A_109 : vector<128x128xf32> to vector<1x128x128xf32>
    %reduce_sum3A_111 = arith.constant dense<0.000000e+00> : vector<1xf32>
    %reduce_sum3A_112 = vector.multi_reduction <add>, %reduce_sum3A_110, %reduce_sum3A_111 [1, 2] : vector<1x128x128xf32> to vector<1xf32>
    %reduce_sum3A_113 = vector.shape_cast %reduce_sum3A_112 : vector<1xf32> to vector<1x1x1xf32>
    %reduce_sum3A_114 = vector.extract %reduce_sum3A_113[0, 0, 0] : f32 from vector<1x1x1xf32>
    %mul3A_115 = arith.mulf %mul3A_105, %mul3A_105 : vector<128x128xf32>
    %reduce_sum3A_116 = vector.shape_cast %mul3A_115 : vector<128x128xf32> to vector<1x128x128xf32>
    %reduce_sum3A_117 = arith.constant dense<0.000000e+00> : vector<1xf32>
    %reduce_sum3A_118 = vector.multi_reduction <add>, %reduce_sum3A_116, %reduce_sum3A_117 [1, 2] : vector<1x128x128xf32> to vector<1xf32>
    %reduce_sum3A_119 = vector.shape_cast %reduce_sum3A_118 : vector<1xf32> to vector<1x1x1xf32>
    %reduce_sum3A_120 = vector.extract %reduce_sum3A_119[0, 0, 0] : f32 from vector<1x1x1xf32>
    %sqrt3A_121 = math.sqrt %reduce_sum3A_120 : f32
    %mul3A_122 = arith.mulf %mul3A_108, %mul3A_108 : vector<128x128xf32>
    %reduce_sum3A_123 = vector.shape_cast %mul3A_122 : vector<128x128xf32> to vector<1x128x128xf32>
    %reduce_sum3A_124 = arith.constant dense<0.000000e+00> : vector<1xf32>
    %reduce_sum3A_125 = vector.multi_reduction <add>, %reduce_sum3A_123, %reduce_sum3A_124 [1, 2] : vector<1x128x128xf32> to vector<1xf32>
    %reduce_sum3A_126 = vector.shape_cast %reduce_sum3A_125 : vector<1xf32> to vector<1x1x1xf32>
    %reduce_sum3A_127 = vector.extract %reduce_sum3A_126[0, 0, 0] : f32 from vector<1x1x1xf32>
    %sqrt3A_128 = math.sqrt %reduce_sum3A_127 : f32
    %mul3A_129 = arith.mulf %sqrt3A_121, %sqrt3A_128 : f32
    %div3A_130 = arith.divf %reduce_sum3A_114, %mul3A_129 : f32
    %sub3A_131 = arith.constant 1.000000e+00 : f32
    %sub3A_132 = arith.subf %sub3A_131, %div3A_130 : f32
    %ne3A = arith.cmpf one, %sub3A_132, %sub3A_132 : f32
    %jit3A_133 = arith.constant 1.000000e+00 : f32
    %select_n3A_134 = arith.select %ne3A, %jit3A_133, %sub3A_132 : f32
    %swap3A = arith.constant 0 : index
    %swap3A_135 = arith.constant 0 : index
    %swap3A_136 = memref.load %arg4[%swap3A, %swap3A_135] : memref<1x1xf32, #tpu.memory_space<smem>>
    memref.store %select_n3A_134, %arg4[%swap3A, %swap3A_135] : memref<1x1xf32, #tpu.memory_space<smem>>
    return
  }
}

module attributes {stable_mosaic.version = 14 : i64} {
  func.func @_tc_counts(%arg0: memref<128x128xi32, #tpu.memory_space<vmem>>, %arg1: memref<8x128xf32, #tpu.memory_space<vmem>>) attributes {dimension_semantics = [], scalar_prefetch = 0 : i64, scratch_operands = 0 : i64, tpu.core_type = #tpu.core_type<tc>} {
    %iota3A = tpu.iota {dimensions = array<i32: 1>} : vector<1x128xi32>
    %broadcast_in_dim3A = arith.constant 0.000000e+00 : f32
    %broadcast_in_dim3A_0 = vector.broadcast %broadcast_in_dim3A : f32 to vector<1x128xf32>
    %get3A = arith.constant 0 : index
    %get3A_1 = arith.constant 0 : index
    %get3A_2 = vector.load %arg0[%get3A, %get3A_1] : memref<128x128xi32, #tpu.memory_space<vmem>>, vector<128x1xi32>
    %eq3A = vector.broadcast %get3A_2 : vector<128x1xi32> to vector<128x128xi32>
    %eq3A_3 = vector.broadcast %iota3A : vector<1x128xi32> to vector<128x128xi32>
    %eq3A_4 = arith.cmpi eq, %eq3A, %eq3A_3 : vector<128x128xi32>
    %jit3A = arith.constant 1.000000e+00 : f32
    %jit3A_5 = arith.constant 0.000000e+00 : f32
    %broadcast_in_dim3A_6 = vector.broadcast %jit3A : f32 to vector<128x128xf32>
    %broadcast_in_dim3A_7 = vector.broadcast %jit3A_5 : f32 to vector<128x128xf32>
    %select_n3A = arith.select %eq3A_4, %broadcast_in_dim3A_6, %broadcast_in_dim3A_7 : vector<128x128xi1>, vector<128x128xf32>
    %reduce_sum3A = arith.constant dense<0.000000e+00> : vector<128xf32>
    %reduce_sum3A_8 = vector.multi_reduction <add>, %select_n3A, %reduce_sum3A [0] : vector<128x128xf32> to vector<128xf32>
    %broadcast_in_dim3A_9 = vector.shape_cast %reduce_sum3A_8 : vector<128xf32> to vector<1x128xf32>
    %add3A = arith.addf %broadcast_in_dim3A_0, %broadcast_in_dim3A_9 : vector<1x128xf32>
    %get3A_10 = arith.constant 0 : index
    %get3A_11 = arith.constant 1 : index
    %get3A_12 = vector.load %arg0[%get3A_10, %get3A_11] : memref<128x128xi32, #tpu.memory_space<vmem>>, vector<128x1xi32>
    %eq3A_13 = vector.broadcast %get3A_12 : vector<128x1xi32> to vector<128x128xi32>
    %eq3A_14 = vector.broadcast %iota3A : vector<1x128xi32> to vector<128x128xi32>
    %eq3A_15 = arith.cmpi eq, %eq3A_13, %eq3A_14 : vector<128x128xi32>
    %jit3A_16 = arith.constant 1.000000e+00 : f32
    %jit3A_17 = arith.constant 0.000000e+00 : f32
    %broadcast_in_dim3A_18 = vector.broadcast %jit3A_16 : f32 to vector<128x128xf32>
    %broadcast_in_dim3A_19 = vector.broadcast %jit3A_17 : f32 to vector<128x128xf32>
    %select_n3A_20 = arith.select %eq3A_15, %broadcast_in_dim3A_18, %broadcast_in_dim3A_19 : vector<128x128xi1>, vector<128x128xf32>
    %reduce_sum3A_21 = arith.constant dense<0.000000e+00> : vector<128xf32>
    %reduce_sum3A_22 = vector.multi_reduction <add>, %select_n3A_20, %reduce_sum3A_21 [0] : vector<128x128xf32> to vector<128xf32>
    %broadcast_in_dim3A_23 = vector.shape_cast %reduce_sum3A_22 : vector<128xf32> to vector<1x128xf32>
    %add3A_24 = arith.addf %add3A, %broadcast_in_dim3A_23 : vector<1x128xf32>
    %get3A_25 = arith.constant 0 : index
    %get3A_26 = arith.constant 2 : index
    %get3A_27 = vector.load %arg0[%get3A_25, %get3A_26] : memref<128x128xi32, #tpu.memory_space<vmem>>, vector<128x1xi32>
    %eq3A_28 = vector.broadcast %get3A_27 : vector<128x1xi32> to vector<128x128xi32>
    %eq3A_29 = vector.broadcast %iota3A : vector<1x128xi32> to vector<128x128xi32>
    %eq3A_30 = arith.cmpi eq, %eq3A_28, %eq3A_29 : vector<128x128xi32>
    %jit3A_31 = arith.constant 1.000000e+00 : f32
    %jit3A_32 = arith.constant 0.000000e+00 : f32
    %broadcast_in_dim3A_33 = vector.broadcast %jit3A_31 : f32 to vector<128x128xf32>
    %broadcast_in_dim3A_34 = vector.broadcast %jit3A_32 : f32 to vector<128x128xf32>
    %select_n3A_35 = arith.select %eq3A_30, %broadcast_in_dim3A_33, %broadcast_in_dim3A_34 : vector<128x128xi1>, vector<128x128xf32>
    %reduce_sum3A_36 = arith.constant dense<0.000000e+00> : vector<128xf32>
    %reduce_sum3A_37 = vector.multi_reduction <add>, %select_n3A_35, %reduce_sum3A_36 [0] : vector<128x128xf32> to vector<128xf32>
    %broadcast_in_dim3A_38 = vector.shape_cast %reduce_sum3A_37 : vector<128xf32> to vector<1x128xf32>
    %add3A_39 = arith.addf %add3A_24, %broadcast_in_dim3A_38 : vector<1x128xf32>
    %get3A_40 = arith.constant 0 : index
    %get3A_41 = arith.constant 3 : index
    %get3A_42 = vector.load %arg0[%get3A_40, %get3A_41] : memref<128x128xi32, #tpu.memory_space<vmem>>, vector<128x1xi32>
    %eq3A_43 = vector.broadcast %get3A_42 : vector<128x1xi32> to vector<128x128xi32>
    %eq3A_44 = vector.broadcast %iota3A : vector<1x128xi32> to vector<128x128xi32>
    %eq3A_45 = arith.cmpi eq, %eq3A_43, %eq3A_44 : vector<128x128xi32>
    %jit3A_46 = arith.constant 1.000000e+00 : f32
    %jit3A_47 = arith.constant 0.000000e+00 : f32
    %broadcast_in_dim3A_48 = vector.broadcast %jit3A_46 : f32 to vector<128x128xf32>
    %broadcast_in_dim3A_49 = vector.broadcast %jit3A_47 : f32 to vector<128x128xf32>
    %select_n3A_50 = arith.select %eq3A_45, %broadcast_in_dim3A_48, %broadcast_in_dim3A_49 : vector<128x128xi1>, vector<128x128xf32>
    %reduce_sum3A_51 = arith.constant dense<0.000000e+00> : vector<128xf32>
    %reduce_sum3A_52 = vector.multi_reduction <add>, %select_n3A_50, %reduce_sum3A_51 [0] : vector<128x128xf32> to vector<128xf32>
    %broadcast_in_dim3A_53 = vector.shape_cast %reduce_sum3A_52 : vector<128xf32> to vector<1x128xf32>
    %add3A_54 = arith.addf %add3A_39, %broadcast_in_dim3A_53 : vector<1x128xf32>
    %get3A_55 = arith.constant 0 : index
    %get3A_56 = arith.constant 4 : index
    %get3A_57 = vector.load %arg0[%get3A_55, %get3A_56] : memref<128x128xi32, #tpu.memory_space<vmem>>, vector<128x1xi32>
    %eq3A_58 = vector.broadcast %get3A_57 : vector<128x1xi32> to vector<128x128xi32>
    %eq3A_59 = vector.broadcast %iota3A : vector<1x128xi32> to vector<128x128xi32>
    %eq3A_60 = arith.cmpi eq, %eq3A_58, %eq3A_59 : vector<128x128xi32>
    %jit3A_61 = arith.constant 1.000000e+00 : f32
    %jit3A_62 = arith.constant 0.000000e+00 : f32
    %broadcast_in_dim3A_63 = vector.broadcast %jit3A_61 : f32 to vector<128x128xf32>
    %broadcast_in_dim3A_64 = vector.broadcast %jit3A_62 : f32 to vector<128x128xf32>
    %select_n3A_65 = arith.select %eq3A_60, %broadcast_in_dim3A_63, %broadcast_in_dim3A_64 : vector<128x128xi1>, vector<128x128xf32>
    %reduce_sum3A_66 = arith.constant dense<0.000000e+00> : vector<128xf32>
    %reduce_sum3A_67 = vector.multi_reduction <add>, %select_n3A_65, %reduce_sum3A_66 [0] : vector<128x128xf32> to vector<128xf32>
    %broadcast_in_dim3A_68 = vector.shape_cast %reduce_sum3A_67 : vector<128xf32> to vector<1x128xf32>
    %add3A_69 = arith.addf %add3A_54, %broadcast_in_dim3A_68 : vector<1x128xf32>
    %get3A_70 = arith.constant 0 : index
    %get3A_71 = arith.constant 5 : index
    %get3A_72 = vector.load %arg0[%get3A_70, %get3A_71] : memref<128x128xi32, #tpu.memory_space<vmem>>, vector<128x1xi32>
    %eq3A_73 = vector.broadcast %get3A_72 : vector<128x1xi32> to vector<128x128xi32>
    %eq3A_74 = vector.broadcast %iota3A : vector<1x128xi32> to vector<128x128xi32>
    %eq3A_75 = arith.cmpi eq, %eq3A_73, %eq3A_74 : vector<128x128xi32>
    %jit3A_76 = arith.constant 1.000000e+00 : f32
    %jit3A_77 = arith.constant 0.000000e+00 : f32
    %broadcast_in_dim3A_78 = vector.broadcast %jit3A_76 : f32 to vector<128x128xf32>
    %broadcast_in_dim3A_79 = vector.broadcast %jit3A_77 : f32 to vector<128x128xf32>
    %select_n3A_80 = arith.select %eq3A_75, %broadcast_in_dim3A_78, %broadcast_in_dim3A_79 : vector<128x128xi1>, vector<128x128xf32>
    %reduce_sum3A_81 = arith.constant dense<0.000000e+00> : vector<128xf32>
    %reduce_sum3A_82 = vector.multi_reduction <add>, %select_n3A_80, %reduce_sum3A_81 [0] : vector<128x128xf32> to vector<128xf32>
    %broadcast_in_dim3A_83 = vector.shape_cast %reduce_sum3A_82 : vector<128xf32> to vector<1x128xf32>
    %add3A_84 = arith.addf %add3A_69, %broadcast_in_dim3A_83 : vector<1x128xf32>
    %get3A_85 = arith.constant 0 : index
    %get3A_86 = arith.constant 6 : index
    %get3A_87 = vector.load %arg0[%get3A_85, %get3A_86] : memref<128x128xi32, #tpu.memory_space<vmem>>, vector<128x1xi32>
    %eq3A_88 = vector.broadcast %get3A_87 : vector<128x1xi32> to vector<128x128xi32>
    %eq3A_89 = vector.broadcast %iota3A : vector<1x128xi32> to vector<128x128xi32>
    %eq3A_90 = arith.cmpi eq, %eq3A_88, %eq3A_89 : vector<128x128xi32>
    %jit3A_91 = arith.constant 1.000000e+00 : f32
    %jit3A_92 = arith.constant 0.000000e+00 : f32
    %broadcast_in_dim3A_93 = vector.broadcast %jit3A_91 : f32 to vector<128x128xf32>
    %broadcast_in_dim3A_94 = vector.broadcast %jit3A_92 : f32 to vector<128x128xf32>
    %select_n3A_95 = arith.select %eq3A_90, %broadcast_in_dim3A_93, %broadcast_in_dim3A_94 : vector<128x128xi1>, vector<128x128xf32>
    %reduce_sum3A_96 = arith.constant dense<0.000000e+00> : vector<128xf32>
    %reduce_sum3A_97 = vector.multi_reduction <add>, %select_n3A_95, %reduce_sum3A_96 [0] : vector<128x128xf32> to vector<128xf32>
    %broadcast_in_dim3A_98 = vector.shape_cast %reduce_sum3A_97 : vector<128xf32> to vector<1x128xf32>
    %add3A_99 = arith.addf %add3A_84, %broadcast_in_dim3A_98 : vector<1x128xf32>
    %get3A_100 = arith.constant 0 : index
    %get3A_101 = arith.constant 7 : index
    %get3A_102 = vector.load %arg0[%get3A_100, %get3A_101] : memref<128x128xi32, #tpu.memory_space<vmem>>, vector<128x1xi32>
    %eq3A_103 = vector.broadcast %get3A_102 : vector<128x1xi32> to vector<128x128xi32>
    %eq3A_104 = vector.broadcast %iota3A : vector<1x128xi32> to vector<128x128xi32>
    %eq3A_105 = arith.cmpi eq, %eq3A_103, %eq3A_104 : vector<128x128xi32>
    %jit3A_106 = arith.constant 1.000000e+00 : f32
    %jit3A_107 = arith.constant 0.000000e+00 : f32
    %broadcast_in_dim3A_108 = vector.broadcast %jit3A_106 : f32 to vector<128x128xf32>
    %broadcast_in_dim3A_109 = vector.broadcast %jit3A_107 : f32 to vector<128x128xf32>
    %select_n3A_110 = arith.select %eq3A_105, %broadcast_in_dim3A_108, %broadcast_in_dim3A_109 : vector<128x128xi1>, vector<128x128xf32>
    %reduce_sum3A_111 = arith.constant dense<0.000000e+00> : vector<128xf32>
    %reduce_sum3A_112 = vector.multi_reduction <add>, %select_n3A_110, %reduce_sum3A_111 [0] : vector<128x128xf32> to vector<128xf32>
    %broadcast_in_dim3A_113 = vector.shape_cast %reduce_sum3A_112 : vector<128xf32> to vector<1x128xf32>
    %add3A_114 = arith.addf %add3A_99, %broadcast_in_dim3A_113 : vector<1x128xf32>
    %get3A_115 = arith.constant 0 : index
    %get3A_116 = arith.constant 8 : index
    %get3A_117 = vector.load %arg0[%get3A_115, %get3A_116] : memref<128x128xi32, #tpu.memory_space<vmem>>, vector<128x1xi32>
    %eq3A_118 = vector.broadcast %get3A_117 : vector<128x1xi32> to vector<128x128xi32>
    %eq3A_119 = vector.broadcast %iota3A : vector<1x128xi32> to vector<128x128xi32>
    %eq3A_120 = arith.cmpi eq, %eq3A_118, %eq3A_119 : vector<128x128xi32>
    %jit3A_121 = arith.constant 1.000000e+00 : f32
    %jit3A_122 = arith.constant 0.000000e+00 : f32
    %broadcast_in_dim3A_123 = vector.broadcast %jit3A_121 : f32 to vector<128x128xf32>
    %broadcast_in_dim3A_124 = vector.broadcast %jit3A_122 : f32 to vector<128x128xf32>
    %select_n3A_125 = arith.select %eq3A_120, %broadcast_in_dim3A_123, %broadcast_in_dim3A_124 : vector<128x128xi1>, vector<128x128xf32>
    %reduce_sum3A_126 = arith.constant dense<0.000000e+00> : vector<128xf32>
    %reduce_sum3A_127 = vector.multi_reduction <add>, %select_n3A_125, %reduce_sum3A_126 [0] : vector<128x128xf32> to vector<128xf32>
    %broadcast_in_dim3A_128 = vector.shape_cast %reduce_sum3A_127 : vector<128xf32> to vector<1x128xf32>
    %add3A_129 = arith.addf %add3A_114, %broadcast_in_dim3A_128 : vector<1x128xf32>
    %get3A_130 = arith.constant 0 : index
    %get3A_131 = arith.constant 9 : index
    %get3A_132 = vector.load %arg0[%get3A_130, %get3A_131] : memref<128x128xi32, #tpu.memory_space<vmem>>, vector<128x1xi32>
    %eq3A_133 = vector.broadcast %get3A_132 : vector<128x1xi32> to vector<128x128xi32>
    %eq3A_134 = vector.broadcast %iota3A : vector<1x128xi32> to vector<128x128xi32>
    %eq3A_135 = arith.cmpi eq, %eq3A_133, %eq3A_134 : vector<128x128xi32>
    %jit3A_136 = arith.constant 1.000000e+00 : f32
    %jit3A_137 = arith.constant 0.000000e+00 : f32
    %broadcast_in_dim3A_138 = vector.broadcast %jit3A_136 : f32 to vector<128x128xf32>
    %broadcast_in_dim3A_139 = vector.broadcast %jit3A_137 : f32 to vector<128x128xf32>
    %select_n3A_140 = arith.select %eq3A_135, %broadcast_in_dim3A_138, %broadcast_in_dim3A_139 : vector<128x128xi1>, vector<128x128xf32>
    %reduce_sum3A_141 = arith.constant dense<0.000000e+00> : vector<128xf32>
    %reduce_sum3A_142 = vector.multi_reduction <add>, %select_n3A_140, %reduce_sum3A_141 [0] : vector<128x128xf32> to vector<128xf32>
    %broadcast_in_dim3A_143 = vector.shape_cast %reduce_sum3A_142 : vector<128xf32> to vector<1x128xf32>
    %add3A_144 = arith.addf %add3A_129, %broadcast_in_dim3A_143 : vector<1x128xf32>
    %get3A_145 = arith.constant 0 : index
    %get3A_146 = arith.constant 10 : index
    %get3A_147 = vector.load %arg0[%get3A_145, %get3A_146] : memref<128x128xi32, #tpu.memory_space<vmem>>, vector<128x1xi32>
    %eq3A_148 = vector.broadcast %get3A_147 : vector<128x1xi32> to vector<128x128xi32>
    %eq3A_149 = vector.broadcast %iota3A : vector<1x128xi32> to vector<128x128xi32>
    %eq3A_150 = arith.cmpi eq, %eq3A_148, %eq3A_149 : vector<128x128xi32>
    %jit3A_151 = arith.constant 1.000000e+00 : f32
    %jit3A_152 = arith.constant 0.000000e+00 : f32
    %broadcast_in_dim3A_153 = vector.broadcast %jit3A_151 : f32 to vector<128x128xf32>
    %broadcast_in_dim3A_154 = vector.broadcast %jit3A_152 : f32 to vector<128x128xf32>
    %select_n3A_155 = arith.select %eq3A_150, %broadcast_in_dim3A_153, %broadcast_in_dim3A_154 : vector<128x128xi1>, vector<128x128xf32>
    %reduce_sum3A_156 = arith.constant dense<0.000000e+00> : vector<128xf32>
    %reduce_sum3A_157 = vector.multi_reduction <add>, %select_n3A_155, %reduce_sum3A_156 [0] : vector<128x128xf32> to vector<128xf32>
    %broadcast_in_dim3A_158 = vector.shape_cast %reduce_sum3A_157 : vector<128xf32> to vector<1x128xf32>
    %add3A_159 = arith.addf %add3A_144, %broadcast_in_dim3A_158 : vector<1x128xf32>
    %get3A_160 = arith.constant 0 : index
    %get3A_161 = arith.constant 11 : index
    %get3A_162 = vector.load %arg0[%get3A_160, %get3A_161] : memref<128x128xi32, #tpu.memory_space<vmem>>, vector<128x1xi32>
    %eq3A_163 = vector.broadcast %get3A_162 : vector<128x1xi32> to vector<128x128xi32>
    %eq3A_164 = vector.broadcast %iota3A : vector<1x128xi32> to vector<128x128xi32>
    %eq3A_165 = arith.cmpi eq, %eq3A_163, %eq3A_164 : vector<128x128xi32>
    %jit3A_166 = arith.constant 1.000000e+00 : f32
    %jit3A_167 = arith.constant 0.000000e+00 : f32
    %broadcast_in_dim3A_168 = vector.broadcast %jit3A_166 : f32 to vector<128x128xf32>
    %broadcast_in_dim3A_169 = vector.broadcast %jit3A_167 : f32 to vector<128x128xf32>
    %select_n3A_170 = arith.select %eq3A_165, %broadcast_in_dim3A_168, %broadcast_in_dim3A_169 : vector<128x128xi1>, vector<128x128xf32>
    %reduce_sum3A_171 = arith.constant dense<0.000000e+00> : vector<128xf32>
    %reduce_sum3A_172 = vector.multi_reduction <add>, %select_n3A_170, %reduce_sum3A_171 [0] : vector<128x128xf32> to vector<128xf32>
    %broadcast_in_dim3A_173 = vector.shape_cast %reduce_sum3A_172 : vector<128xf32> to vector<1x128xf32>
    %add3A_174 = arith.addf %add3A_159, %broadcast_in_dim3A_173 : vector<1x128xf32>
    %get3A_175 = arith.constant 0 : index
    %get3A_176 = arith.constant 12 : index
    %get3A_177 = vector.load %arg0[%get3A_175, %get3A_176] : memref<128x128xi32, #tpu.memory_space<vmem>>, vector<128x1xi32>
    %eq3A_178 = vector.broadcast %get3A_177 : vector<128x1xi32> to vector<128x128xi32>
    %eq3A_179 = vector.broadcast %iota3A : vector<1x128xi32> to vector<128x128xi32>
    %eq3A_180 = arith.cmpi eq, %eq3A_178, %eq3A_179 : vector<128x128xi32>
    %jit3A_181 = arith.constant 1.000000e+00 : f32
    %jit3A_182 = arith.constant 0.000000e+00 : f32
    %broadcast_in_dim3A_183 = vector.broadcast %jit3A_181 : f32 to vector<128x128xf32>
    %broadcast_in_dim3A_184 = vector.broadcast %jit3A_182 : f32 to vector<128x128xf32>
    %select_n3A_185 = arith.select %eq3A_180, %broadcast_in_dim3A_183, %broadcast_in_dim3A_184 : vector<128x128xi1>, vector<128x128xf32>
    %reduce_sum3A_186 = arith.constant dense<0.000000e+00> : vector<128xf32>
    %reduce_sum3A_187 = vector.multi_reduction <add>, %select_n3A_185, %reduce_sum3A_186 [0] : vector<128x128xf32> to vector<128xf32>
    %broadcast_in_dim3A_188 = vector.shape_cast %reduce_sum3A_187 : vector<128xf32> to vector<1x128xf32>
    %add3A_189 = arith.addf %add3A_174, %broadcast_in_dim3A_188 : vector<1x128xf32>
    %get3A_190 = arith.constant 0 : index
    %get3A_191 = arith.constant 13 : index
    %get3A_192 = vector.load %arg0[%get3A_190, %get3A_191] : memref<128x128xi32, #tpu.memory_space<vmem>>, vector<128x1xi32>
    %eq3A_193 = vector.broadcast %get3A_192 : vector<128x1xi32> to vector<128x128xi32>
    %eq3A_194 = vector.broadcast %iota3A : vector<1x128xi32> to vector<128x128xi32>
    %eq3A_195 = arith.cmpi eq, %eq3A_193, %eq3A_194 : vector<128x128xi32>
    %jit3A_196 = arith.constant 1.000000e+00 : f32
    %jit3A_197 = arith.constant 0.000000e+00 : f32
    %broadcast_in_dim3A_198 = vector.broadcast %jit3A_196 : f32 to vector<128x128xf32>
    %broadcast_in_dim3A_199 = vector.broadcast %jit3A_197 : f32 to vector<128x128xf32>
    %select_n3A_200 = arith.select %eq3A_195, %broadcast_in_dim3A_198, %broadcast_in_dim3A_199 : vector<128x128xi1>, vector<128x128xf32>
    %reduce_sum3A_201 = arith.constant dense<0.000000e+00> : vector<128xf32>
    %reduce_sum3A_202 = vector.multi_reduction <add>, %select_n3A_200, %reduce_sum3A_201 [0] : vector<128x128xf32> to vector<128xf32>
    %broadcast_in_dim3A_203 = vector.shape_cast %reduce_sum3A_202 : vector<128xf32> to vector<1x128xf32>
    %add3A_204 = arith.addf %add3A_189, %broadcast_in_dim3A_203 : vector<1x128xf32>
    %get3A_205 = arith.constant 0 : index
    %get3A_206 = arith.constant 14 : index
    %get3A_207 = vector.load %arg0[%get3A_205, %get3A_206] : memref<128x128xi32, #tpu.memory_space<vmem>>, vector<128x1xi32>
    %eq3A_208 = vector.broadcast %get3A_207 : vector<128x1xi32> to vector<128x128xi32>
    %eq3A_209 = vector.broadcast %iota3A : vector<1x128xi32> to vector<128x128xi32>
    %eq3A_210 = arith.cmpi eq, %eq3A_208, %eq3A_209 : vector<128x128xi32>
    %jit3A_211 = arith.constant 1.000000e+00 : f32
    %jit3A_212 = arith.constant 0.000000e+00 : f32
    %broadcast_in_dim3A_213 = vector.broadcast %jit3A_211 : f32 to vector<128x128xf32>
    %broadcast_in_dim3A_214 = vector.broadcast %jit3A_212 : f32 to vector<128x128xf32>
    %select_n3A_215 = arith.select %eq3A_210, %broadcast_in_dim3A_213, %broadcast_in_dim3A_214 : vector<128x128xi1>, vector<128x128xf32>
    %reduce_sum3A_216 = arith.constant dense<0.000000e+00> : vector<128xf32>
    %reduce_sum3A_217 = vector.multi_reduction <add>, %select_n3A_215, %reduce_sum3A_216 [0] : vector<128x128xf32> to vector<128xf32>
    %broadcast_in_dim3A_218 = vector.shape_cast %reduce_sum3A_217 : vector<128xf32> to vector<1x128xf32>
    %add3A_219 = arith.addf %add3A_204, %broadcast_in_dim3A_218 : vector<1x128xf32>
    %get3A_220 = arith.constant 0 : index
    %get3A_221 = arith.constant 15 : index
    %get3A_222 = vector.load %arg0[%get3A_220, %get3A_221] : memref<128x128xi32, #tpu.memory_space<vmem>>, vector<128x1xi32>
    %eq3A_223 = vector.broadcast %get3A_222 : vector<128x1xi32> to vector<128x128xi32>
    %eq3A_224 = vector.broadcast %iota3A : vector<1x128xi32> to vector<128x128xi32>
    %eq3A_225 = arith.cmpi eq, %eq3A_223, %eq3A_224 : vector<128x128xi32>
    %jit3A_226 = arith.constant 1.000000e+00 : f32
    %jit3A_227 = arith.constant 0.000000e+00 : f32
    %broadcast_in_dim3A_228 = vector.broadcast %jit3A_226 : f32 to vector<128x128xf32>
    %broadcast_in_dim3A_229 = vector.broadcast %jit3A_227 : f32 to vector<128x128xf32>
    %select_n3A_230 = arith.select %eq3A_225, %broadcast_in_dim3A_228, %broadcast_in_dim3A_229 : vector<128x128xi1>, vector<128x128xf32>
    %reduce_sum3A_231 = arith.constant dense<0.000000e+00> : vector<128xf32>
    %reduce_sum3A_232 = vector.multi_reduction <add>, %select_n3A_230, %reduce_sum3A_231 [0] : vector<128x128xf32> to vector<128xf32>
    %broadcast_in_dim3A_233 = vector.shape_cast %reduce_sum3A_232 : vector<128xf32> to vector<1x128xf32>
    %add3A_234 = arith.addf %add3A_219, %broadcast_in_dim3A_233 : vector<1x128xf32>
    %get3A_235 = arith.constant 0 : index
    %get3A_236 = arith.constant 16 : index
    %get3A_237 = vector.load %arg0[%get3A_235, %get3A_236] : memref<128x128xi32, #tpu.memory_space<vmem>>, vector<128x1xi32>
    %eq3A_238 = vector.broadcast %get3A_237 : vector<128x1xi32> to vector<128x128xi32>
    %eq3A_239 = vector.broadcast %iota3A : vector<1x128xi32> to vector<128x128xi32>
    %eq3A_240 = arith.cmpi eq, %eq3A_238, %eq3A_239 : vector<128x128xi32>
    %jit3A_241 = arith.constant 1.000000e+00 : f32
    %jit3A_242 = arith.constant 0.000000e+00 : f32
    %broadcast_in_dim3A_243 = vector.broadcast %jit3A_241 : f32 to vector<128x128xf32>
    %broadcast_in_dim3A_244 = vector.broadcast %jit3A_242 : f32 to vector<128x128xf32>
    %select_n3A_245 = arith.select %eq3A_240, %broadcast_in_dim3A_243, %broadcast_in_dim3A_244 : vector<128x128xi1>, vector<128x128xf32>
    %reduce_sum3A_246 = arith.constant dense<0.000000e+00> : vector<128xf32>
    %reduce_sum3A_247 = vector.multi_reduction <add>, %select_n3A_245, %reduce_sum3A_246 [0] : vector<128x128xf32> to vector<128xf32>
    %broadcast_in_dim3A_248 = vector.shape_cast %reduce_sum3A_247 : vector<128xf32> to vector<1x128xf32>
    %add3A_249 = arith.addf %add3A_234, %broadcast_in_dim3A_248 : vector<1x128xf32>
    %get3A_250 = arith.constant 0 : index
    %get3A_251 = arith.constant 17 : index
    %get3A_252 = vector.load %arg0[%get3A_250, %get3A_251] : memref<128x128xi32, #tpu.memory_space<vmem>>, vector<128x1xi32>
    %eq3A_253 = vector.broadcast %get3A_252 : vector<128x1xi32> to vector<128x128xi32>
    %eq3A_254 = vector.broadcast %iota3A : vector<1x128xi32> to vector<128x128xi32>
    %eq3A_255 = arith.cmpi eq, %eq3A_253, %eq3A_254 : vector<128x128xi32>
    %jit3A_256 = arith.constant 1.000000e+00 : f32
    %jit3A_257 = arith.constant 0.000000e+00 : f32
    %broadcast_in_dim3A_258 = vector.broadcast %jit3A_256 : f32 to vector<128x128xf32>
    %broadcast_in_dim3A_259 = vector.broadcast %jit3A_257 : f32 to vector<128x128xf32>
    %select_n3A_260 = arith.select %eq3A_255, %broadcast_in_dim3A_258, %broadcast_in_dim3A_259 : vector<128x128xi1>, vector<128x128xf32>
    %reduce_sum3A_261 = arith.constant dense<0.000000e+00> : vector<128xf32>
    %reduce_sum3A_262 = vector.multi_reduction <add>, %select_n3A_260, %reduce_sum3A_261 [0] : vector<128x128xf32> to vector<128xf32>
    %broadcast_in_dim3A_263 = vector.shape_cast %reduce_sum3A_262 : vector<128xf32> to vector<1x128xf32>
    %add3A_264 = arith.addf %add3A_249, %broadcast_in_dim3A_263 : vector<1x128xf32>
    %get3A_265 = arith.constant 0 : index
    %get3A_266 = arith.constant 18 : index
    %get3A_267 = vector.load %arg0[%get3A_265, %get3A_266] : memref<128x128xi32, #tpu.memory_space<vmem>>, vector<128x1xi32>
    %eq3A_268 = vector.broadcast %get3A_267 : vector<128x1xi32> to vector<128x128xi32>
    %eq3A_269 = vector.broadcast %iota3A : vector<1x128xi32> to vector<128x128xi32>
    %eq3A_270 = arith.cmpi eq, %eq3A_268, %eq3A_269 : vector<128x128xi32>
    %jit3A_271 = arith.constant 1.000000e+00 : f32
    %jit3A_272 = arith.constant 0.000000e+00 : f32
    %broadcast_in_dim3A_273 = vector.broadcast %jit3A_271 : f32 to vector<128x128xf32>
    %broadcast_in_dim3A_274 = vector.broadcast %jit3A_272 : f32 to vector<128x128xf32>
    %select_n3A_275 = arith.select %eq3A_270, %broadcast_in_dim3A_273, %broadcast_in_dim3A_274 : vector<128x128xi1>, vector<128x128xf32>
    %reduce_sum3A_276 = arith.constant dense<0.000000e+00> : vector<128xf32>
    %reduce_sum3A_277 = vector.multi_reduction <add>, %select_n3A_275, %reduce_sum3A_276 [0] : vector<128x128xf32> to vector<128xf32>
    %broadcast_in_dim3A_278 = vector.shape_cast %reduce_sum3A_277 : vector<128xf32> to vector<1x128xf32>
    %add3A_279 = arith.addf %add3A_264, %broadcast_in_dim3A_278 : vector<1x128xf32>
    %get3A_280 = arith.constant 0 : index
    %get3A_281 = arith.constant 19 : index
    %get3A_282 = vector.load %arg0[%get3A_280, %get3A_281] : memref<128x128xi32, #tpu.memory_space<vmem>>, vector<128x1xi32>
    %eq3A_283 = vector.broadcast %get3A_282 : vector<128x1xi32> to vector<128x128xi32>
    %eq3A_284 = vector.broadcast %iota3A : vector<1x128xi32> to vector<128x128xi32>
    %eq3A_285 = arith.cmpi eq, %eq3A_283, %eq3A_284 : vector<128x128xi32>
    %jit3A_286 = arith.constant 1.000000e+00 : f32
    %jit3A_287 = arith.constant 0.000000e+00 : f32
    %broadcast_in_dim3A_288 = vector.broadcast %jit3A_286 : f32 to vector<128x128xf32>
    %broadcast_in_dim3A_289 = vector.broadcast %jit3A_287 : f32 to vector<128x128xf32>
    %select_n3A_290 = arith.select %eq3A_285, %broadcast_in_dim3A_288, %broadcast_in_dim3A_289 : vector<128x128xi1>, vector<128x128xf32>
    %reduce_sum3A_291 = arith.constant dense<0.000000e+00> : vector<128xf32>
    %reduce_sum3A_292 = vector.multi_reduction <add>, %select_n3A_290, %reduce_sum3A_291 [0] : vector<128x128xf32> to vector<128xf32>
    %broadcast_in_dim3A_293 = vector.shape_cast %reduce_sum3A_292 : vector<128xf32> to vector<1x128xf32>
    %add3A_294 = arith.addf %add3A_279, %broadcast_in_dim3A_293 : vector<1x128xf32>
    %get3A_295 = arith.constant 0 : index
    %get3A_296 = arith.constant 20 : index
    %get3A_297 = vector.load %arg0[%get3A_295, %get3A_296] : memref<128x128xi32, #tpu.memory_space<vmem>>, vector<128x1xi32>
    %eq3A_298 = vector.broadcast %get3A_297 : vector<128x1xi32> to vector<128x128xi32>
    %eq3A_299 = vector.broadcast %iota3A : vector<1x128xi32> to vector<128x128xi32>
    %eq3A_300 = arith.cmpi eq, %eq3A_298, %eq3A_299 : vector<128x128xi32>
    %jit3A_301 = arith.constant 1.000000e+00 : f32
    %jit3A_302 = arith.constant 0.000000e+00 : f32
    %broadcast_in_dim3A_303 = vector.broadcast %jit3A_301 : f32 to vector<128x128xf32>
    %broadcast_in_dim3A_304 = vector.broadcast %jit3A_302 : f32 to vector<128x128xf32>
    %select_n3A_305 = arith.select %eq3A_300, %broadcast_in_dim3A_303, %broadcast_in_dim3A_304 : vector<128x128xi1>, vector<128x128xf32>
    %reduce_sum3A_306 = arith.constant dense<0.000000e+00> : vector<128xf32>
    %reduce_sum3A_307 = vector.multi_reduction <add>, %select_n3A_305, %reduce_sum3A_306 [0] : vector<128x128xf32> to vector<128xf32>
    %broadcast_in_dim3A_308 = vector.shape_cast %reduce_sum3A_307 : vector<128xf32> to vector<1x128xf32>
    %add3A_309 = arith.addf %add3A_294, %broadcast_in_dim3A_308 : vector<1x128xf32>
    %get3A_310 = arith.constant 0 : index
    %get3A_311 = arith.constant 21 : index
    %get3A_312 = vector.load %arg0[%get3A_310, %get3A_311] : memref<128x128xi32, #tpu.memory_space<vmem>>, vector<128x1xi32>
    %eq3A_313 = vector.broadcast %get3A_312 : vector<128x1xi32> to vector<128x128xi32>
    %eq3A_314 = vector.broadcast %iota3A : vector<1x128xi32> to vector<128x128xi32>
    %eq3A_315 = arith.cmpi eq, %eq3A_313, %eq3A_314 : vector<128x128xi32>
    %jit3A_316 = arith.constant 1.000000e+00 : f32
    %jit3A_317 = arith.constant 0.000000e+00 : f32
    %broadcast_in_dim3A_318 = vector.broadcast %jit3A_316 : f32 to vector<128x128xf32>
    %broadcast_in_dim3A_319 = vector.broadcast %jit3A_317 : f32 to vector<128x128xf32>
    %select_n3A_320 = arith.select %eq3A_315, %broadcast_in_dim3A_318, %broadcast_in_dim3A_319 : vector<128x128xi1>, vector<128x128xf32>
    %reduce_sum3A_321 = arith.constant dense<0.000000e+00> : vector<128xf32>
    %reduce_sum3A_322 = vector.multi_reduction <add>, %select_n3A_320, %reduce_sum3A_321 [0] : vector<128x128xf32> to vector<128xf32>
    %broadcast_in_dim3A_323 = vector.shape_cast %reduce_sum3A_322 : vector<128xf32> to vector<1x128xf32>
    %add3A_324 = arith.addf %add3A_309, %broadcast_in_dim3A_323 : vector<1x128xf32>
    %get3A_325 = arith.constant 0 : index
    %get3A_326 = arith.constant 22 : index
    %get3A_327 = vector.load %arg0[%get3A_325, %get3A_326] : memref<128x128xi32, #tpu.memory_space<vmem>>, vector<128x1xi32>
    %eq3A_328 = vector.broadcast %get3A_327 : vector<128x1xi32> to vector<128x128xi32>
    %eq3A_329 = vector.broadcast %iota3A : vector<1x128xi32> to vector<128x128xi32>
    %eq3A_330 = arith.cmpi eq, %eq3A_328, %eq3A_329 : vector<128x128xi32>
    %jit3A_331 = arith.constant 1.000000e+00 : f32
    %jit3A_332 = arith.constant 0.000000e+00 : f32
    %broadcast_in_dim3A_333 = vector.broadcast %jit3A_331 : f32 to vector<128x128xf32>
    %broadcast_in_dim3A_334 = vector.broadcast %jit3A_332 : f32 to vector<128x128xf32>
    %select_n3A_335 = arith.select %eq3A_330, %broadcast_in_dim3A_333, %broadcast_in_dim3A_334 : vector<128x128xi1>, vector<128x128xf32>
    %reduce_sum3A_336 = arith.constant dense<0.000000e+00> : vector<128xf32>
    %reduce_sum3A_337 = vector.multi_reduction <add>, %select_n3A_335, %reduce_sum3A_336 [0] : vector<128x128xf32> to vector<128xf32>
    %broadcast_in_dim3A_338 = vector.shape_cast %reduce_sum3A_337 : vector<128xf32> to vector<1x128xf32>
    %add3A_339 = arith.addf %add3A_324, %broadcast_in_dim3A_338 : vector<1x128xf32>
    %get3A_340 = arith.constant 0 : index
    %get3A_341 = arith.constant 23 : index
    %get3A_342 = vector.load %arg0[%get3A_340, %get3A_341] : memref<128x128xi32, #tpu.memory_space<vmem>>, vector<128x1xi32>
    %eq3A_343 = vector.broadcast %get3A_342 : vector<128x1xi32> to vector<128x128xi32>
    %eq3A_344 = vector.broadcast %iota3A : vector<1x128xi32> to vector<128x128xi32>
    %eq3A_345 = arith.cmpi eq, %eq3A_343, %eq3A_344 : vector<128x128xi32>
    %jit3A_346 = arith.constant 1.000000e+00 : f32
    %jit3A_347 = arith.constant 0.000000e+00 : f32
    %broadcast_in_dim3A_348 = vector.broadcast %jit3A_346 : f32 to vector<128x128xf32>
    %broadcast_in_dim3A_349 = vector.broadcast %jit3A_347 : f32 to vector<128x128xf32>
    %select_n3A_350 = arith.select %eq3A_345, %broadcast_in_dim3A_348, %broadcast_in_dim3A_349 : vector<128x128xi1>, vector<128x128xf32>
    %reduce_sum3A_351 = arith.constant dense<0.000000e+00> : vector<128xf32>
    %reduce_sum3A_352 = vector.multi_reduction <add>, %select_n3A_350, %reduce_sum3A_351 [0] : vector<128x128xf32> to vector<128xf32>
    %broadcast_in_dim3A_353 = vector.shape_cast %reduce_sum3A_352 : vector<128xf32> to vector<1x128xf32>
    %add3A_354 = arith.addf %add3A_339, %broadcast_in_dim3A_353 : vector<1x128xf32>
    %get3A_355 = arith.constant 0 : index
    %get3A_356 = arith.constant 24 : index
    %get3A_357 = vector.load %arg0[%get3A_355, %get3A_356] : memref<128x128xi32, #tpu.memory_space<vmem>>, vector<128x1xi32>
    %eq3A_358 = vector.broadcast %get3A_357 : vector<128x1xi32> to vector<128x128xi32>
    %eq3A_359 = vector.broadcast %iota3A : vector<1x128xi32> to vector<128x128xi32>
    %eq3A_360 = arith.cmpi eq, %eq3A_358, %eq3A_359 : vector<128x128xi32>
    %jit3A_361 = arith.constant 1.000000e+00 : f32
    %jit3A_362 = arith.constant 0.000000e+00 : f32
    %broadcast_in_dim3A_363 = vector.broadcast %jit3A_361 : f32 to vector<128x128xf32>
    %broadcast_in_dim3A_364 = vector.broadcast %jit3A_362 : f32 to vector<128x128xf32>
    %select_n3A_365 = arith.select %eq3A_360, %broadcast_in_dim3A_363, %broadcast_in_dim3A_364 : vector<128x128xi1>, vector<128x128xf32>
    %reduce_sum3A_366 = arith.constant dense<0.000000e+00> : vector<128xf32>
    %reduce_sum3A_367 = vector.multi_reduction <add>, %select_n3A_365, %reduce_sum3A_366 [0] : vector<128x128xf32> to vector<128xf32>
    %broadcast_in_dim3A_368 = vector.shape_cast %reduce_sum3A_367 : vector<128xf32> to vector<1x128xf32>
    %add3A_369 = arith.addf %add3A_354, %broadcast_in_dim3A_368 : vector<1x128xf32>
    %get3A_370 = arith.constant 0 : index
    %get3A_371 = arith.constant 25 : index
    %get3A_372 = vector.load %arg0[%get3A_370, %get3A_371] : memref<128x128xi32, #tpu.memory_space<vmem>>, vector<128x1xi32>
    %eq3A_373 = vector.broadcast %get3A_372 : vector<128x1xi32> to vector<128x128xi32>
    %eq3A_374 = vector.broadcast %iota3A : vector<1x128xi32> to vector<128x128xi32>
    %eq3A_375 = arith.cmpi eq, %eq3A_373, %eq3A_374 : vector<128x128xi32>
    %jit3A_376 = arith.constant 1.000000e+00 : f32
    %jit3A_377 = arith.constant 0.000000e+00 : f32
    %broadcast_in_dim3A_378 = vector.broadcast %jit3A_376 : f32 to vector<128x128xf32>
    %broadcast_in_dim3A_379 = vector.broadcast %jit3A_377 : f32 to vector<128x128xf32>
    %select_n3A_380 = arith.select %eq3A_375, %broadcast_in_dim3A_378, %broadcast_in_dim3A_379 : vector<128x128xi1>, vector<128x128xf32>
    %reduce_sum3A_381 = arith.constant dense<0.000000e+00> : vector<128xf32>
    %reduce_sum3A_382 = vector.multi_reduction <add>, %select_n3A_380, %reduce_sum3A_381 [0] : vector<128x128xf32> to vector<128xf32>
    %broadcast_in_dim3A_383 = vector.shape_cast %reduce_sum3A_382 : vector<128xf32> to vector<1x128xf32>
    %add3A_384 = arith.addf %add3A_369, %broadcast_in_dim3A_383 : vector<1x128xf32>
    %get3A_385 = arith.constant 0 : index
    %get3A_386 = arith.constant 26 : index
    %get3A_387 = vector.load %arg0[%get3A_385, %get3A_386] : memref<128x128xi32, #tpu.memory_space<vmem>>, vector<128x1xi32>
    %eq3A_388 = vector.broadcast %get3A_387 : vector<128x1xi32> to vector<128x128xi32>
    %eq3A_389 = vector.broadcast %iota3A : vector<1x128xi32> to vector<128x128xi32>
    %eq3A_390 = arith.cmpi eq, %eq3A_388, %eq3A_389 : vector<128x128xi32>
    %jit3A_391 = arith.constant 1.000000e+00 : f32
    %jit3A_392 = arith.constant 0.000000e+00 : f32
    %broadcast_in_dim3A_393 = vector.broadcast %jit3A_391 : f32 to vector<128x128xf32>
    %broadcast_in_dim3A_394 = vector.broadcast %jit3A_392 : f32 to vector<128x128xf32>
    %select_n3A_395 = arith.select %eq3A_390, %broadcast_in_dim3A_393, %broadcast_in_dim3A_394 : vector<128x128xi1>, vector<128x128xf32>
    %reduce_sum3A_396 = arith.constant dense<0.000000e+00> : vector<128xf32>
    %reduce_sum3A_397 = vector.multi_reduction <add>, %select_n3A_395, %reduce_sum3A_396 [0] : vector<128x128xf32> to vector<128xf32>
    %broadcast_in_dim3A_398 = vector.shape_cast %reduce_sum3A_397 : vector<128xf32> to vector<1x128xf32>
    %add3A_399 = arith.addf %add3A_384, %broadcast_in_dim3A_398 : vector<1x128xf32>
    %get3A_400 = arith.constant 0 : index
    %get3A_401 = arith.constant 27 : index
    %get3A_402 = vector.load %arg0[%get3A_400, %get3A_401] : memref<128x128xi32, #tpu.memory_space<vmem>>, vector<128x1xi32>
    %eq3A_403 = vector.broadcast %get3A_402 : vector<128x1xi32> to vector<128x128xi32>
    %eq3A_404 = vector.broadcast %iota3A : vector<1x128xi32> to vector<128x128xi32>
    %eq3A_405 = arith.cmpi eq, %eq3A_403, %eq3A_404 : vector<128x128xi32>
    %jit3A_406 = arith.constant 1.000000e+00 : f32
    %jit3A_407 = arith.constant 0.000000e+00 : f32
    %broadcast_in_dim3A_408 = vector.broadcast %jit3A_406 : f32 to vector<128x128xf32>
    %broadcast_in_dim3A_409 = vector.broadcast %jit3A_407 : f32 to vector<128x128xf32>
    %select_n3A_410 = arith.select %eq3A_405, %broadcast_in_dim3A_408, %broadcast_in_dim3A_409 : vector<128x128xi1>, vector<128x128xf32>
    %reduce_sum3A_411 = arith.constant dense<0.000000e+00> : vector<128xf32>
    %reduce_sum3A_412 = vector.multi_reduction <add>, %select_n3A_410, %reduce_sum3A_411 [0] : vector<128x128xf32> to vector<128xf32>
    %broadcast_in_dim3A_413 = vector.shape_cast %reduce_sum3A_412 : vector<128xf32> to vector<1x128xf32>
    %add3A_414 = arith.addf %add3A_399, %broadcast_in_dim3A_413 : vector<1x128xf32>
    %get3A_415 = arith.constant 0 : index
    %get3A_416 = arith.constant 28 : index
    %get3A_417 = vector.load %arg0[%get3A_415, %get3A_416] : memref<128x128xi32, #tpu.memory_space<vmem>>, vector<128x1xi32>
    %eq3A_418 = vector.broadcast %get3A_417 : vector<128x1xi32> to vector<128x128xi32>
    %eq3A_419 = vector.broadcast %iota3A : vector<1x128xi32> to vector<128x128xi32>
    %eq3A_420 = arith.cmpi eq, %eq3A_418, %eq3A_419 : vector<128x128xi32>
    %jit3A_421 = arith.constant 1.000000e+00 : f32
    %jit3A_422 = arith.constant 0.000000e+00 : f32
    %broadcast_in_dim3A_423 = vector.broadcast %jit3A_421 : f32 to vector<128x128xf32>
    %broadcast_in_dim3A_424 = vector.broadcast %jit3A_422 : f32 to vector<128x128xf32>
    %select_n3A_425 = arith.select %eq3A_420, %broadcast_in_dim3A_423, %broadcast_in_dim3A_424 : vector<128x128xi1>, vector<128x128xf32>
    %reduce_sum3A_426 = arith.constant dense<0.000000e+00> : vector<128xf32>
    %reduce_sum3A_427 = vector.multi_reduction <add>, %select_n3A_425, %reduce_sum3A_426 [0] : vector<128x128xf32> to vector<128xf32>
    %broadcast_in_dim3A_428 = vector.shape_cast %reduce_sum3A_427 : vector<128xf32> to vector<1x128xf32>
    %add3A_429 = arith.addf %add3A_414, %broadcast_in_dim3A_428 : vector<1x128xf32>
    %get3A_430 = arith.constant 0 : index
    %get3A_431 = arith.constant 29 : index
    %get3A_432 = vector.load %arg0[%get3A_430, %get3A_431] : memref<128x128xi32, #tpu.memory_space<vmem>>, vector<128x1xi32>
    %eq3A_433 = vector.broadcast %get3A_432 : vector<128x1xi32> to vector<128x128xi32>
    %eq3A_434 = vector.broadcast %iota3A : vector<1x128xi32> to vector<128x128xi32>
    %eq3A_435 = arith.cmpi eq, %eq3A_433, %eq3A_434 : vector<128x128xi32>
    %jit3A_436 = arith.constant 1.000000e+00 : f32
    %jit3A_437 = arith.constant 0.000000e+00 : f32
    %broadcast_in_dim3A_438 = vector.broadcast %jit3A_436 : f32 to vector<128x128xf32>
    %broadcast_in_dim3A_439 = vector.broadcast %jit3A_437 : f32 to vector<128x128xf32>
    %select_n3A_440 = arith.select %eq3A_435, %broadcast_in_dim3A_438, %broadcast_in_dim3A_439 : vector<128x128xi1>, vector<128x128xf32>
    %reduce_sum3A_441 = arith.constant dense<0.000000e+00> : vector<128xf32>
    %reduce_sum3A_442 = vector.multi_reduction <add>, %select_n3A_440, %reduce_sum3A_441 [0] : vector<128x128xf32> to vector<128xf32>
    %broadcast_in_dim3A_443 = vector.shape_cast %reduce_sum3A_442 : vector<128xf32> to vector<1x128xf32>
    %add3A_444 = arith.addf %add3A_429, %broadcast_in_dim3A_443 : vector<1x128xf32>
    %get3A_445 = arith.constant 0 : index
    %get3A_446 = arith.constant 30 : index
    %get3A_447 = vector.load %arg0[%get3A_445, %get3A_446] : memref<128x128xi32, #tpu.memory_space<vmem>>, vector<128x1xi32>
    %eq3A_448 = vector.broadcast %get3A_447 : vector<128x1xi32> to vector<128x128xi32>
    %eq3A_449 = vector.broadcast %iota3A : vector<1x128xi32> to vector<128x128xi32>
    %eq3A_450 = arith.cmpi eq, %eq3A_448, %eq3A_449 : vector<128x128xi32>
    %jit3A_451 = arith.constant 1.000000e+00 : f32
    %jit3A_452 = arith.constant 0.000000e+00 : f32
    %broadcast_in_dim3A_453 = vector.broadcast %jit3A_451 : f32 to vector<128x128xf32>
    %broadcast_in_dim3A_454 = vector.broadcast %jit3A_452 : f32 to vector<128x128xf32>
    %select_n3A_455 = arith.select %eq3A_450, %broadcast_in_dim3A_453, %broadcast_in_dim3A_454 : vector<128x128xi1>, vector<128x128xf32>
    %reduce_sum3A_456 = arith.constant dense<0.000000e+00> : vector<128xf32>
    %reduce_sum3A_457 = vector.multi_reduction <add>, %select_n3A_455, %reduce_sum3A_456 [0] : vector<128x128xf32> to vector<128xf32>
    %broadcast_in_dim3A_458 = vector.shape_cast %reduce_sum3A_457 : vector<128xf32> to vector<1x128xf32>
    %add3A_459 = arith.addf %add3A_444, %broadcast_in_dim3A_458 : vector<1x128xf32>
    %get3A_460 = arith.constant 0 : index
    %get3A_461 = arith.constant 31 : index
    %get3A_462 = vector.load %arg0[%get3A_460, %get3A_461] : memref<128x128xi32, #tpu.memory_space<vmem>>, vector<128x1xi32>
    %eq3A_463 = vector.broadcast %get3A_462 : vector<128x1xi32> to vector<128x128xi32>
    %eq3A_464 = vector.broadcast %iota3A : vector<1x128xi32> to vector<128x128xi32>
    %eq3A_465 = arith.cmpi eq, %eq3A_463, %eq3A_464 : vector<128x128xi32>
    %jit3A_466 = arith.constant 1.000000e+00 : f32
    %jit3A_467 = arith.constant 0.000000e+00 : f32
    %broadcast_in_dim3A_468 = vector.broadcast %jit3A_466 : f32 to vector<128x128xf32>
    %broadcast_in_dim3A_469 = vector.broadcast %jit3A_467 : f32 to vector<128x128xf32>
    %select_n3A_470 = arith.select %eq3A_465, %broadcast_in_dim3A_468, %broadcast_in_dim3A_469 : vector<128x128xi1>, vector<128x128xf32>
    %reduce_sum3A_471 = arith.constant dense<0.000000e+00> : vector<128xf32>
    %reduce_sum3A_472 = vector.multi_reduction <add>, %select_n3A_470, %reduce_sum3A_471 [0] : vector<128x128xf32> to vector<128xf32>
    %broadcast_in_dim3A_473 = vector.shape_cast %reduce_sum3A_472 : vector<128xf32> to vector<1x128xf32>
    %add3A_474 = arith.addf %add3A_459, %broadcast_in_dim3A_473 : vector<1x128xf32>
    %get3A_475 = arith.constant 0 : index
    %get3A_476 = arith.constant 32 : index
    %get3A_477 = vector.load %arg0[%get3A_475, %get3A_476] : memref<128x128xi32, #tpu.memory_space<vmem>>, vector<128x1xi32>
    %eq3A_478 = vector.broadcast %get3A_477 : vector<128x1xi32> to vector<128x128xi32>
    %eq3A_479 = vector.broadcast %iota3A : vector<1x128xi32> to vector<128x128xi32>
    %eq3A_480 = arith.cmpi eq, %eq3A_478, %eq3A_479 : vector<128x128xi32>
    %jit3A_481 = arith.constant 1.000000e+00 : f32
    %jit3A_482 = arith.constant 0.000000e+00 : f32
    %broadcast_in_dim3A_483 = vector.broadcast %jit3A_481 : f32 to vector<128x128xf32>
    %broadcast_in_dim3A_484 = vector.broadcast %jit3A_482 : f32 to vector<128x128xf32>
    %select_n3A_485 = arith.select %eq3A_480, %broadcast_in_dim3A_483, %broadcast_in_dim3A_484 : vector<128x128xi1>, vector<128x128xf32>
    %reduce_sum3A_486 = arith.constant dense<0.000000e+00> : vector<128xf32>
    %reduce_sum3A_487 = vector.multi_reduction <add>, %select_n3A_485, %reduce_sum3A_486 [0] : vector<128x128xf32> to vector<128xf32>
    %broadcast_in_dim3A_488 = vector.shape_cast %reduce_sum3A_487 : vector<128xf32> to vector<1x128xf32>
    %add3A_489 = arith.addf %add3A_474, %broadcast_in_dim3A_488 : vector<1x128xf32>
    %get3A_490 = arith.constant 0 : index
    %get3A_491 = arith.constant 33 : index
    %get3A_492 = vector.load %arg0[%get3A_490, %get3A_491] : memref<128x128xi32, #tpu.memory_space<vmem>>, vector<128x1xi32>
    %eq3A_493 = vector.broadcast %get3A_492 : vector<128x1xi32> to vector<128x128xi32>
    %eq3A_494 = vector.broadcast %iota3A : vector<1x128xi32> to vector<128x128xi32>
    %eq3A_495 = arith.cmpi eq, %eq3A_493, %eq3A_494 : vector<128x128xi32>
    %jit3A_496 = arith.constant 1.000000e+00 : f32
    %jit3A_497 = arith.constant 0.000000e+00 : f32
    %broadcast_in_dim3A_498 = vector.broadcast %jit3A_496 : f32 to vector<128x128xf32>
    %broadcast_in_dim3A_499 = vector.broadcast %jit3A_497 : f32 to vector<128x128xf32>
    %select_n3A_500 = arith.select %eq3A_495, %broadcast_in_dim3A_498, %broadcast_in_dim3A_499 : vector<128x128xi1>, vector<128x128xf32>
    %reduce_sum3A_501 = arith.constant dense<0.000000e+00> : vector<128xf32>
    %reduce_sum3A_502 = vector.multi_reduction <add>, %select_n3A_500, %reduce_sum3A_501 [0] : vector<128x128xf32> to vector<128xf32>
    %broadcast_in_dim3A_503 = vector.shape_cast %reduce_sum3A_502 : vector<128xf32> to vector<1x128xf32>
    %add3A_504 = arith.addf %add3A_489, %broadcast_in_dim3A_503 : vector<1x128xf32>
    %get3A_505 = arith.constant 0 : index
    %get3A_506 = arith.constant 34 : index
    %get3A_507 = vector.load %arg0[%get3A_505, %get3A_506] : memref<128x128xi32, #tpu.memory_space<vmem>>, vector<128x1xi32>
    %eq3A_508 = vector.broadcast %get3A_507 : vector<128x1xi32> to vector<128x128xi32>
    %eq3A_509 = vector.broadcast %iota3A : vector<1x128xi32> to vector<128x128xi32>
    %eq3A_510 = arith.cmpi eq, %eq3A_508, %eq3A_509 : vector<128x128xi32>
    %jit3A_511 = arith.constant 1.000000e+00 : f32
    %jit3A_512 = arith.constant 0.000000e+00 : f32
    %broadcast_in_dim3A_513 = vector.broadcast %jit3A_511 : f32 to vector<128x128xf32>
    %broadcast_in_dim3A_514 = vector.broadcast %jit3A_512 : f32 to vector<128x128xf32>
    %select_n3A_515 = arith.select %eq3A_510, %broadcast_in_dim3A_513, %broadcast_in_dim3A_514 : vector<128x128xi1>, vector<128x128xf32>
    %reduce_sum3A_516 = arith.constant dense<0.000000e+00> : vector<128xf32>
    %reduce_sum3A_517 = vector.multi_reduction <add>, %select_n3A_515, %reduce_sum3A_516 [0] : vector<128x128xf32> to vector<128xf32>
    %broadcast_in_dim3A_518 = vector.shape_cast %reduce_sum3A_517 : vector<128xf32> to vector<1x128xf32>
    %add3A_519 = arith.addf %add3A_504, %broadcast_in_dim3A_518 : vector<1x128xf32>
    %get3A_520 = arith.constant 0 : index
    %get3A_521 = arith.constant 35 : index
    %get3A_522 = vector.load %arg0[%get3A_520, %get3A_521] : memref<128x128xi32, #tpu.memory_space<vmem>>, vector<128x1xi32>
    %eq3A_523 = vector.broadcast %get3A_522 : vector<128x1xi32> to vector<128x128xi32>
    %eq3A_524 = vector.broadcast %iota3A : vector<1x128xi32> to vector<128x128xi32>
    %eq3A_525 = arith.cmpi eq, %eq3A_523, %eq3A_524 : vector<128x128xi32>
    %jit3A_526 = arith.constant 1.000000e+00 : f32
    %jit3A_527 = arith.constant 0.000000e+00 : f32
    %broadcast_in_dim3A_528 = vector.broadcast %jit3A_526 : f32 to vector<128x128xf32>
    %broadcast_in_dim3A_529 = vector.broadcast %jit3A_527 : f32 to vector<128x128xf32>
    %select_n3A_530 = arith.select %eq3A_525, %broadcast_in_dim3A_528, %broadcast_in_dim3A_529 : vector<128x128xi1>, vector<128x128xf32>
    %reduce_sum3A_531 = arith.constant dense<0.000000e+00> : vector<128xf32>
    %reduce_sum3A_532 = vector.multi_reduction <add>, %select_n3A_530, %reduce_sum3A_531 [0] : vector<128x128xf32> to vector<128xf32>
    %broadcast_in_dim3A_533 = vector.shape_cast %reduce_sum3A_532 : vector<128xf32> to vector<1x128xf32>
    %add3A_534 = arith.addf %add3A_519, %broadcast_in_dim3A_533 : vector<1x128xf32>
    %get3A_535 = arith.constant 0 : index
    %get3A_536 = arith.constant 36 : index
    %get3A_537 = vector.load %arg0[%get3A_535, %get3A_536] : memref<128x128xi32, #tpu.memory_space<vmem>>, vector<128x1xi32>
    %eq3A_538 = vector.broadcast %get3A_537 : vector<128x1xi32> to vector<128x128xi32>
    %eq3A_539 = vector.broadcast %iota3A : vector<1x128xi32> to vector<128x128xi32>
    %eq3A_540 = arith.cmpi eq, %eq3A_538, %eq3A_539 : vector<128x128xi32>
    %jit3A_541 = arith.constant 1.000000e+00 : f32
    %jit3A_542 = arith.constant 0.000000e+00 : f32
    %broadcast_in_dim3A_543 = vector.broadcast %jit3A_541 : f32 to vector<128x128xf32>
    %broadcast_in_dim3A_544 = vector.broadcast %jit3A_542 : f32 to vector<128x128xf32>
    %select_n3A_545 = arith.select %eq3A_540, %broadcast_in_dim3A_543, %broadcast_in_dim3A_544 : vector<128x128xi1>, vector<128x128xf32>
    %reduce_sum3A_546 = arith.constant dense<0.000000e+00> : vector<128xf32>
    %reduce_sum3A_547 = vector.multi_reduction <add>, %select_n3A_545, %reduce_sum3A_546 [0] : vector<128x128xf32> to vector<128xf32>
    %broadcast_in_dim3A_548 = vector.shape_cast %reduce_sum3A_547 : vector<128xf32> to vector<1x128xf32>
    %add3A_549 = arith.addf %add3A_534, %broadcast_in_dim3A_548 : vector<1x128xf32>
    %get3A_550 = arith.constant 0 : index
    %get3A_551 = arith.constant 37 : index
    %get3A_552 = vector.load %arg0[%get3A_550, %get3A_551] : memref<128x128xi32, #tpu.memory_space<vmem>>, vector<128x1xi32>
    %eq3A_553 = vector.broadcast %get3A_552 : vector<128x1xi32> to vector<128x128xi32>
    %eq3A_554 = vector.broadcast %iota3A : vector<1x128xi32> to vector<128x128xi32>
    %eq3A_555 = arith.cmpi eq, %eq3A_553, %eq3A_554 : vector<128x128xi32>
    %jit3A_556 = arith.constant 1.000000e+00 : f32
    %jit3A_557 = arith.constant 0.000000e+00 : f32
    %broadcast_in_dim3A_558 = vector.broadcast %jit3A_556 : f32 to vector<128x128xf32>
    %broadcast_in_dim3A_559 = vector.broadcast %jit3A_557 : f32 to vector<128x128xf32>
    %select_n3A_560 = arith.select %eq3A_555, %broadcast_in_dim3A_558, %broadcast_in_dim3A_559 : vector<128x128xi1>, vector<128x128xf32>
    %reduce_sum3A_561 = arith.constant dense<0.000000e+00> : vector<128xf32>
    %reduce_sum3A_562 = vector.multi_reduction <add>, %select_n3A_560, %reduce_sum3A_561 [0] : vector<128x128xf32> to vector<128xf32>
    %broadcast_in_dim3A_563 = vector.shape_cast %reduce_sum3A_562 : vector<128xf32> to vector<1x128xf32>
    %add3A_564 = arith.addf %add3A_549, %broadcast_in_dim3A_563 : vector<1x128xf32>
    %get3A_565 = arith.constant 0 : index
    %get3A_566 = arith.constant 38 : index
    %get3A_567 = vector.load %arg0[%get3A_565, %get3A_566] : memref<128x128xi32, #tpu.memory_space<vmem>>, vector<128x1xi32>
    %eq3A_568 = vector.broadcast %get3A_567 : vector<128x1xi32> to vector<128x128xi32>
    %eq3A_569 = vector.broadcast %iota3A : vector<1x128xi32> to vector<128x128xi32>
    %eq3A_570 = arith.cmpi eq, %eq3A_568, %eq3A_569 : vector<128x128xi32>
    %jit3A_571 = arith.constant 1.000000e+00 : f32
    %jit3A_572 = arith.constant 0.000000e+00 : f32
    %broadcast_in_dim3A_573 = vector.broadcast %jit3A_571 : f32 to vector<128x128xf32>
    %broadcast_in_dim3A_574 = vector.broadcast %jit3A_572 : f32 to vector<128x128xf32>
    %select_n3A_575 = arith.select %eq3A_570, %broadcast_in_dim3A_573, %broadcast_in_dim3A_574 : vector<128x128xi1>, vector<128x128xf32>
    %reduce_sum3A_576 = arith.constant dense<0.000000e+00> : vector<128xf32>
    %reduce_sum3A_577 = vector.multi_reduction <add>, %select_n3A_575, %reduce_sum3A_576 [0] : vector<128x128xf32> to vector<128xf32>
    %broadcast_in_dim3A_578 = vector.shape_cast %reduce_sum3A_577 : vector<128xf32> to vector<1x128xf32>
    %add3A_579 = arith.addf %add3A_564, %broadcast_in_dim3A_578 : vector<1x128xf32>
    %get3A_580 = arith.constant 0 : index
    %get3A_581 = arith.constant 39 : index
    %get3A_582 = vector.load %arg0[%get3A_580, %get3A_581] : memref<128x128xi32, #tpu.memory_space<vmem>>, vector<128x1xi32>
    %eq3A_583 = vector.broadcast %get3A_582 : vector<128x1xi32> to vector<128x128xi32>
    %eq3A_584 = vector.broadcast %iota3A : vector<1x128xi32> to vector<128x128xi32>
    %eq3A_585 = arith.cmpi eq, %eq3A_583, %eq3A_584 : vector<128x128xi32>
    %jit3A_586 = arith.constant 1.000000e+00 : f32
    %jit3A_587 = arith.constant 0.000000e+00 : f32
    %broadcast_in_dim3A_588 = vector.broadcast %jit3A_586 : f32 to vector<128x128xf32>
    %broadcast_in_dim3A_589 = vector.broadcast %jit3A_587 : f32 to vector<128x128xf32>
    %select_n3A_590 = arith.select %eq3A_585, %broadcast_in_dim3A_588, %broadcast_in_dim3A_589 : vector<128x128xi1>, vector<128x128xf32>
    %reduce_sum3A_591 = arith.constant dense<0.000000e+00> : vector<128xf32>
    %reduce_sum3A_592 = vector.multi_reduction <add>, %select_n3A_590, %reduce_sum3A_591 [0] : vector<128x128xf32> to vector<128xf32>
    %broadcast_in_dim3A_593 = vector.shape_cast %reduce_sum3A_592 : vector<128xf32> to vector<1x128xf32>
    %add3A_594 = arith.addf %add3A_579, %broadcast_in_dim3A_593 : vector<1x128xf32>
    %get3A_595 = arith.constant 0 : index
    %get3A_596 = arith.constant 40 : index
    %get3A_597 = vector.load %arg0[%get3A_595, %get3A_596] : memref<128x128xi32, #tpu.memory_space<vmem>>, vector<128x1xi32>
    %eq3A_598 = vector.broadcast %get3A_597 : vector<128x1xi32> to vector<128x128xi32>
    %eq3A_599 = vector.broadcast %iota3A : vector<1x128xi32> to vector<128x128xi32>
    %eq3A_600 = arith.cmpi eq, %eq3A_598, %eq3A_599 : vector<128x128xi32>
    %jit3A_601 = arith.constant 1.000000e+00 : f32
    %jit3A_602 = arith.constant 0.000000e+00 : f32
    %broadcast_in_dim3A_603 = vector.broadcast %jit3A_601 : f32 to vector<128x128xf32>
    %broadcast_in_dim3A_604 = vector.broadcast %jit3A_602 : f32 to vector<128x128xf32>
    %select_n3A_605 = arith.select %eq3A_600, %broadcast_in_dim3A_603, %broadcast_in_dim3A_604 : vector<128x128xi1>, vector<128x128xf32>
    %reduce_sum3A_606 = arith.constant dense<0.000000e+00> : vector<128xf32>
    %reduce_sum3A_607 = vector.multi_reduction <add>, %select_n3A_605, %reduce_sum3A_606 [0] : vector<128x128xf32> to vector<128xf32>
    %broadcast_in_dim3A_608 = vector.shape_cast %reduce_sum3A_607 : vector<128xf32> to vector<1x128xf32>
    %add3A_609 = arith.addf %add3A_594, %broadcast_in_dim3A_608 : vector<1x128xf32>
    %get3A_610 = arith.constant 0 : index
    %get3A_611 = arith.constant 41 : index
    %get3A_612 = vector.load %arg0[%get3A_610, %get3A_611] : memref<128x128xi32, #tpu.memory_space<vmem>>, vector<128x1xi32>
    %eq3A_613 = vector.broadcast %get3A_612 : vector<128x1xi32> to vector<128x128xi32>
    %eq3A_614 = vector.broadcast %iota3A : vector<1x128xi32> to vector<128x128xi32>
    %eq3A_615 = arith.cmpi eq, %eq3A_613, %eq3A_614 : vector<128x128xi32>
    %jit3A_616 = arith.constant 1.000000e+00 : f32
    %jit3A_617 = arith.constant 0.000000e+00 : f32
    %broadcast_in_dim3A_618 = vector.broadcast %jit3A_616 : f32 to vector<128x128xf32>
    %broadcast_in_dim3A_619 = vector.broadcast %jit3A_617 : f32 to vector<128x128xf32>
    %select_n3A_620 = arith.select %eq3A_615, %broadcast_in_dim3A_618, %broadcast_in_dim3A_619 : vector<128x128xi1>, vector<128x128xf32>
    %reduce_sum3A_621 = arith.constant dense<0.000000e+00> : vector<128xf32>
    %reduce_sum3A_622 = vector.multi_reduction <add>, %select_n3A_620, %reduce_sum3A_621 [0] : vector<128x128xf32> to vector<128xf32>
    %broadcast_in_dim3A_623 = vector.shape_cast %reduce_sum3A_622 : vector<128xf32> to vector<1x128xf32>
    %add3A_624 = arith.addf %add3A_609, %broadcast_in_dim3A_623 : vector<1x128xf32>
    %get3A_625 = arith.constant 0 : index
    %get3A_626 = arith.constant 42 : index
    %get3A_627 = vector.load %arg0[%get3A_625, %get3A_626] : memref<128x128xi32, #tpu.memory_space<vmem>>, vector<128x1xi32>
    %eq3A_628 = vector.broadcast %get3A_627 : vector<128x1xi32> to vector<128x128xi32>
    %eq3A_629 = vector.broadcast %iota3A : vector<1x128xi32> to vector<128x128xi32>
    %eq3A_630 = arith.cmpi eq, %eq3A_628, %eq3A_629 : vector<128x128xi32>
    %jit3A_631 = arith.constant 1.000000e+00 : f32
    %jit3A_632 = arith.constant 0.000000e+00 : f32
    %broadcast_in_dim3A_633 = vector.broadcast %jit3A_631 : f32 to vector<128x128xf32>
    %broadcast_in_dim3A_634 = vector.broadcast %jit3A_632 : f32 to vector<128x128xf32>
    %select_n3A_635 = arith.select %eq3A_630, %broadcast_in_dim3A_633, %broadcast_in_dim3A_634 : vector<128x128xi1>, vector<128x128xf32>
    %reduce_sum3A_636 = arith.constant dense<0.000000e+00> : vector<128xf32>
    %reduce_sum3A_637 = vector.multi_reduction <add>, %select_n3A_635, %reduce_sum3A_636 [0] : vector<128x128xf32> to vector<128xf32>
    %broadcast_in_dim3A_638 = vector.shape_cast %reduce_sum3A_637 : vector<128xf32> to vector<1x128xf32>
    %add3A_639 = arith.addf %add3A_624, %broadcast_in_dim3A_638 : vector<1x128xf32>
    %get3A_640 = arith.constant 0 : index
    %get3A_641 = arith.constant 43 : index
    %get3A_642 = vector.load %arg0[%get3A_640, %get3A_641] : memref<128x128xi32, #tpu.memory_space<vmem>>, vector<128x1xi32>
    %eq3A_643 = vector.broadcast %get3A_642 : vector<128x1xi32> to vector<128x128xi32>
    %eq3A_644 = vector.broadcast %iota3A : vector<1x128xi32> to vector<128x128xi32>
    %eq3A_645 = arith.cmpi eq, %eq3A_643, %eq3A_644 : vector<128x128xi32>
    %jit3A_646 = arith.constant 1.000000e+00 : f32
    %jit3A_647 = arith.constant 0.000000e+00 : f32
    %broadcast_in_dim3A_648 = vector.broadcast %jit3A_646 : f32 to vector<128x128xf32>
    %broadcast_in_dim3A_649 = vector.broadcast %jit3A_647 : f32 to vector<128x128xf32>
    %select_n3A_650 = arith.select %eq3A_645, %broadcast_in_dim3A_648, %broadcast_in_dim3A_649 : vector<128x128xi1>, vector<128x128xf32>
    %reduce_sum3A_651 = arith.constant dense<0.000000e+00> : vector<128xf32>
    %reduce_sum3A_652 = vector.multi_reduction <add>, %select_n3A_650, %reduce_sum3A_651 [0] : vector<128x128xf32> to vector<128xf32>
    %broadcast_in_dim3A_653 = vector.shape_cast %reduce_sum3A_652 : vector<128xf32> to vector<1x128xf32>
    %add3A_654 = arith.addf %add3A_639, %broadcast_in_dim3A_653 : vector<1x128xf32>
    %get3A_655 = arith.constant 0 : index
    %get3A_656 = arith.constant 44 : index
    %get3A_657 = vector.load %arg0[%get3A_655, %get3A_656] : memref<128x128xi32, #tpu.memory_space<vmem>>, vector<128x1xi32>
    %eq3A_658 = vector.broadcast %get3A_657 : vector<128x1xi32> to vector<128x128xi32>
    %eq3A_659 = vector.broadcast %iota3A : vector<1x128xi32> to vector<128x128xi32>
    %eq3A_660 = arith.cmpi eq, %eq3A_658, %eq3A_659 : vector<128x128xi32>
    %jit3A_661 = arith.constant 1.000000e+00 : f32
    %jit3A_662 = arith.constant 0.000000e+00 : f32
    %broadcast_in_dim3A_663 = vector.broadcast %jit3A_661 : f32 to vector<128x128xf32>
    %broadcast_in_dim3A_664 = vector.broadcast %jit3A_662 : f32 to vector<128x128xf32>
    %select_n3A_665 = arith.select %eq3A_660, %broadcast_in_dim3A_663, %broadcast_in_dim3A_664 : vector<128x128xi1>, vector<128x128xf32>
    %reduce_sum3A_666 = arith.constant dense<0.000000e+00> : vector<128xf32>
    %reduce_sum3A_667 = vector.multi_reduction <add>, %select_n3A_665, %reduce_sum3A_666 [0] : vector<128x128xf32> to vector<128xf32>
    %broadcast_in_dim3A_668 = vector.shape_cast %reduce_sum3A_667 : vector<128xf32> to vector<1x128xf32>
    %add3A_669 = arith.addf %add3A_654, %broadcast_in_dim3A_668 : vector<1x128xf32>
    %get3A_670 = arith.constant 0 : index
    %get3A_671 = arith.constant 45 : index
    %get3A_672 = vector.load %arg0[%get3A_670, %get3A_671] : memref<128x128xi32, #tpu.memory_space<vmem>>, vector<128x1xi32>
    %eq3A_673 = vector.broadcast %get3A_672 : vector<128x1xi32> to vector<128x128xi32>
    %eq3A_674 = vector.broadcast %iota3A : vector<1x128xi32> to vector<128x128xi32>
    %eq3A_675 = arith.cmpi eq, %eq3A_673, %eq3A_674 : vector<128x128xi32>
    %jit3A_676 = arith.constant 1.000000e+00 : f32
    %jit3A_677 = arith.constant 0.000000e+00 : f32
    %broadcast_in_dim3A_678 = vector.broadcast %jit3A_676 : f32 to vector<128x128xf32>
    %broadcast_in_dim3A_679 = vector.broadcast %jit3A_677 : f32 to vector<128x128xf32>
    %select_n3A_680 = arith.select %eq3A_675, %broadcast_in_dim3A_678, %broadcast_in_dim3A_679 : vector<128x128xi1>, vector<128x128xf32>
    %reduce_sum3A_681 = arith.constant dense<0.000000e+00> : vector<128xf32>
    %reduce_sum3A_682 = vector.multi_reduction <add>, %select_n3A_680, %reduce_sum3A_681 [0] : vector<128x128xf32> to vector<128xf32>
    %broadcast_in_dim3A_683 = vector.shape_cast %reduce_sum3A_682 : vector<128xf32> to vector<1x128xf32>
    %add3A_684 = arith.addf %add3A_669, %broadcast_in_dim3A_683 : vector<1x128xf32>
    %get3A_685 = arith.constant 0 : index
    %get3A_686 = arith.constant 46 : index
    %get3A_687 = vector.load %arg0[%get3A_685, %get3A_686] : memref<128x128xi32, #tpu.memory_space<vmem>>, vector<128x1xi32>
    %eq3A_688 = vector.broadcast %get3A_687 : vector<128x1xi32> to vector<128x128xi32>
    %eq3A_689 = vector.broadcast %iota3A : vector<1x128xi32> to vector<128x128xi32>
    %eq3A_690 = arith.cmpi eq, %eq3A_688, %eq3A_689 : vector<128x128xi32>
    %jit3A_691 = arith.constant 1.000000e+00 : f32
    %jit3A_692 = arith.constant 0.000000e+00 : f32
    %broadcast_in_dim3A_693 = vector.broadcast %jit3A_691 : f32 to vector<128x128xf32>
    %broadcast_in_dim3A_694 = vector.broadcast %jit3A_692 : f32 to vector<128x128xf32>
    %select_n3A_695 = arith.select %eq3A_690, %broadcast_in_dim3A_693, %broadcast_in_dim3A_694 : vector<128x128xi1>, vector<128x128xf32>
    %reduce_sum3A_696 = arith.constant dense<0.000000e+00> : vector<128xf32>
    %reduce_sum3A_697 = vector.multi_reduction <add>, %select_n3A_695, %reduce_sum3A_696 [0] : vector<128x128xf32> to vector<128xf32>
    %broadcast_in_dim3A_698 = vector.shape_cast %reduce_sum3A_697 : vector<128xf32> to vector<1x128xf32>
    %add3A_699 = arith.addf %add3A_684, %broadcast_in_dim3A_698 : vector<1x128xf32>
    %get3A_700 = arith.constant 0 : index
    %get3A_701 = arith.constant 47 : index
    %get3A_702 = vector.load %arg0[%get3A_700, %get3A_701] : memref<128x128xi32, #tpu.memory_space<vmem>>, vector<128x1xi32>
    %eq3A_703 = vector.broadcast %get3A_702 : vector<128x1xi32> to vector<128x128xi32>
    %eq3A_704 = vector.broadcast %iota3A : vector<1x128xi32> to vector<128x128xi32>
    %eq3A_705 = arith.cmpi eq, %eq3A_703, %eq3A_704 : vector<128x128xi32>
    %jit3A_706 = arith.constant 1.000000e+00 : f32
    %jit3A_707 = arith.constant 0.000000e+00 : f32
    %broadcast_in_dim3A_708 = vector.broadcast %jit3A_706 : f32 to vector<128x128xf32>
    %broadcast_in_dim3A_709 = vector.broadcast %jit3A_707 : f32 to vector<128x128xf32>
    %select_n3A_710 = arith.select %eq3A_705, %broadcast_in_dim3A_708, %broadcast_in_dim3A_709 : vector<128x128xi1>, vector<128x128xf32>
    %reduce_sum3A_711 = arith.constant dense<0.000000e+00> : vector<128xf32>
    %reduce_sum3A_712 = vector.multi_reduction <add>, %select_n3A_710, %reduce_sum3A_711 [0] : vector<128x128xf32> to vector<128xf32>
    %broadcast_in_dim3A_713 = vector.shape_cast %reduce_sum3A_712 : vector<128xf32> to vector<1x128xf32>
    %add3A_714 = arith.addf %add3A_699, %broadcast_in_dim3A_713 : vector<1x128xf32>
    %get3A_715 = arith.constant 0 : index
    %get3A_716 = arith.constant 48 : index
    %get3A_717 = vector.load %arg0[%get3A_715, %get3A_716] : memref<128x128xi32, #tpu.memory_space<vmem>>, vector<128x1xi32>
    %eq3A_718 = vector.broadcast %get3A_717 : vector<128x1xi32> to vector<128x128xi32>
    %eq3A_719 = vector.broadcast %iota3A : vector<1x128xi32> to vector<128x128xi32>
    %eq3A_720 = arith.cmpi eq, %eq3A_718, %eq3A_719 : vector<128x128xi32>
    %jit3A_721 = arith.constant 1.000000e+00 : f32
    %jit3A_722 = arith.constant 0.000000e+00 : f32
    %broadcast_in_dim3A_723 = vector.broadcast %jit3A_721 : f32 to vector<128x128xf32>
    %broadcast_in_dim3A_724 = vector.broadcast %jit3A_722 : f32 to vector<128x128xf32>
    %select_n3A_725 = arith.select %eq3A_720, %broadcast_in_dim3A_723, %broadcast_in_dim3A_724 : vector<128x128xi1>, vector<128x128xf32>
    %reduce_sum3A_726 = arith.constant dense<0.000000e+00> : vector<128xf32>
    %reduce_sum3A_727 = vector.multi_reduction <add>, %select_n3A_725, %reduce_sum3A_726 [0] : vector<128x128xf32> to vector<128xf32>
    %broadcast_in_dim3A_728 = vector.shape_cast %reduce_sum3A_727 : vector<128xf32> to vector<1x128xf32>
    %add3A_729 = arith.addf %add3A_714, %broadcast_in_dim3A_728 : vector<1x128xf32>
    %get3A_730 = arith.constant 0 : index
    %get3A_731 = arith.constant 49 : index
    %get3A_732 = vector.load %arg0[%get3A_730, %get3A_731] : memref<128x128xi32, #tpu.memory_space<vmem>>, vector<128x1xi32>
    %eq3A_733 = vector.broadcast %get3A_732 : vector<128x1xi32> to vector<128x128xi32>
    %eq3A_734 = vector.broadcast %iota3A : vector<1x128xi32> to vector<128x128xi32>
    %eq3A_735 = arith.cmpi eq, %eq3A_733, %eq3A_734 : vector<128x128xi32>
    %jit3A_736 = arith.constant 1.000000e+00 : f32
    %jit3A_737 = arith.constant 0.000000e+00 : f32
    %broadcast_in_dim3A_738 = vector.broadcast %jit3A_736 : f32 to vector<128x128xf32>
    %broadcast_in_dim3A_739 = vector.broadcast %jit3A_737 : f32 to vector<128x128xf32>
    %select_n3A_740 = arith.select %eq3A_735, %broadcast_in_dim3A_738, %broadcast_in_dim3A_739 : vector<128x128xi1>, vector<128x128xf32>
    %reduce_sum3A_741 = arith.constant dense<0.000000e+00> : vector<128xf32>
    %reduce_sum3A_742 = vector.multi_reduction <add>, %select_n3A_740, %reduce_sum3A_741 [0] : vector<128x128xf32> to vector<128xf32>
    %broadcast_in_dim3A_743 = vector.shape_cast %reduce_sum3A_742 : vector<128xf32> to vector<1x128xf32>
    %add3A_744 = arith.addf %add3A_729, %broadcast_in_dim3A_743 : vector<1x128xf32>
    %get3A_745 = arith.constant 0 : index
    %get3A_746 = arith.constant 50 : index
    %get3A_747 = vector.load %arg0[%get3A_745, %get3A_746] : memref<128x128xi32, #tpu.memory_space<vmem>>, vector<128x1xi32>
    %eq3A_748 = vector.broadcast %get3A_747 : vector<128x1xi32> to vector<128x128xi32>
    %eq3A_749 = vector.broadcast %iota3A : vector<1x128xi32> to vector<128x128xi32>
    %eq3A_750 = arith.cmpi eq, %eq3A_748, %eq3A_749 : vector<128x128xi32>
    %jit3A_751 = arith.constant 1.000000e+00 : f32
    %jit3A_752 = arith.constant 0.000000e+00 : f32
    %broadcast_in_dim3A_753 = vector.broadcast %jit3A_751 : f32 to vector<128x128xf32>
    %broadcast_in_dim3A_754 = vector.broadcast %jit3A_752 : f32 to vector<128x128xf32>
    %select_n3A_755 = arith.select %eq3A_750, %broadcast_in_dim3A_753, %broadcast_in_dim3A_754 : vector<128x128xi1>, vector<128x128xf32>
    %reduce_sum3A_756 = arith.constant dense<0.000000e+00> : vector<128xf32>
    %reduce_sum3A_757 = vector.multi_reduction <add>, %select_n3A_755, %reduce_sum3A_756 [0] : vector<128x128xf32> to vector<128xf32>
    %broadcast_in_dim3A_758 = vector.shape_cast %reduce_sum3A_757 : vector<128xf32> to vector<1x128xf32>
    %add3A_759 = arith.addf %add3A_744, %broadcast_in_dim3A_758 : vector<1x128xf32>
    %get3A_760 = arith.constant 0 : index
    %get3A_761 = arith.constant 51 : index
    %get3A_762 = vector.load %arg0[%get3A_760, %get3A_761] : memref<128x128xi32, #tpu.memory_space<vmem>>, vector<128x1xi32>
    %eq3A_763 = vector.broadcast %get3A_762 : vector<128x1xi32> to vector<128x128xi32>
    %eq3A_764 = vector.broadcast %iota3A : vector<1x128xi32> to vector<128x128xi32>
    %eq3A_765 = arith.cmpi eq, %eq3A_763, %eq3A_764 : vector<128x128xi32>
    %jit3A_766 = arith.constant 1.000000e+00 : f32
    %jit3A_767 = arith.constant 0.000000e+00 : f32
    %broadcast_in_dim3A_768 = vector.broadcast %jit3A_766 : f32 to vector<128x128xf32>
    %broadcast_in_dim3A_769 = vector.broadcast %jit3A_767 : f32 to vector<128x128xf32>
    %select_n3A_770 = arith.select %eq3A_765, %broadcast_in_dim3A_768, %broadcast_in_dim3A_769 : vector<128x128xi1>, vector<128x128xf32>
    %reduce_sum3A_771 = arith.constant dense<0.000000e+00> : vector<128xf32>
    %reduce_sum3A_772 = vector.multi_reduction <add>, %select_n3A_770, %reduce_sum3A_771 [0] : vector<128x128xf32> to vector<128xf32>
    %broadcast_in_dim3A_773 = vector.shape_cast %reduce_sum3A_772 : vector<128xf32> to vector<1x128xf32>
    %add3A_774 = arith.addf %add3A_759, %broadcast_in_dim3A_773 : vector<1x128xf32>
    %get3A_775 = arith.constant 0 : index
    %get3A_776 = arith.constant 52 : index
    %get3A_777 = vector.load %arg0[%get3A_775, %get3A_776] : memref<128x128xi32, #tpu.memory_space<vmem>>, vector<128x1xi32>
    %eq3A_778 = vector.broadcast %get3A_777 : vector<128x1xi32> to vector<128x128xi32>
    %eq3A_779 = vector.broadcast %iota3A : vector<1x128xi32> to vector<128x128xi32>
    %eq3A_780 = arith.cmpi eq, %eq3A_778, %eq3A_779 : vector<128x128xi32>
    %jit3A_781 = arith.constant 1.000000e+00 : f32
    %jit3A_782 = arith.constant 0.000000e+00 : f32
    %broadcast_in_dim3A_783 = vector.broadcast %jit3A_781 : f32 to vector<128x128xf32>
    %broadcast_in_dim3A_784 = vector.broadcast %jit3A_782 : f32 to vector<128x128xf32>
    %select_n3A_785 = arith.select %eq3A_780, %broadcast_in_dim3A_783, %broadcast_in_dim3A_784 : vector<128x128xi1>, vector<128x128xf32>
    %reduce_sum3A_786 = arith.constant dense<0.000000e+00> : vector<128xf32>
    %reduce_sum3A_787 = vector.multi_reduction <add>, %select_n3A_785, %reduce_sum3A_786 [0] : vector<128x128xf32> to vector<128xf32>
    %broadcast_in_dim3A_788 = vector.shape_cast %reduce_sum3A_787 : vector<128xf32> to vector<1x128xf32>
    %add3A_789 = arith.addf %add3A_774, %broadcast_in_dim3A_788 : vector<1x128xf32>
    %get3A_790 = arith.constant 0 : index
    %get3A_791 = arith.constant 53 : index
    %get3A_792 = vector.load %arg0[%get3A_790, %get3A_791] : memref<128x128xi32, #tpu.memory_space<vmem>>, vector<128x1xi32>
    %eq3A_793 = vector.broadcast %get3A_792 : vector<128x1xi32> to vector<128x128xi32>
    %eq3A_794 = vector.broadcast %iota3A : vector<1x128xi32> to vector<128x128xi32>
    %eq3A_795 = arith.cmpi eq, %eq3A_793, %eq3A_794 : vector<128x128xi32>
    %jit3A_796 = arith.constant 1.000000e+00 : f32
    %jit3A_797 = arith.constant 0.000000e+00 : f32
    %broadcast_in_dim3A_798 = vector.broadcast %jit3A_796 : f32 to vector<128x128xf32>
    %broadcast_in_dim3A_799 = vector.broadcast %jit3A_797 : f32 to vector<128x128xf32>
    %select_n3A_800 = arith.select %eq3A_795, %broadcast_in_dim3A_798, %broadcast_in_dim3A_799 : vector<128x128xi1>, vector<128x128xf32>
    %reduce_sum3A_801 = arith.constant dense<0.000000e+00> : vector<128xf32>
    %reduce_sum3A_802 = vector.multi_reduction <add>, %select_n3A_800, %reduce_sum3A_801 [0] : vector<128x128xf32> to vector<128xf32>
    %broadcast_in_dim3A_803 = vector.shape_cast %reduce_sum3A_802 : vector<128xf32> to vector<1x128xf32>
    %add3A_804 = arith.addf %add3A_789, %broadcast_in_dim3A_803 : vector<1x128xf32>
    %get3A_805 = arith.constant 0 : index
    %get3A_806 = arith.constant 54 : index
    %get3A_807 = vector.load %arg0[%get3A_805, %get3A_806] : memref<128x128xi32, #tpu.memory_space<vmem>>, vector<128x1xi32>
    %eq3A_808 = vector.broadcast %get3A_807 : vector<128x1xi32> to vector<128x128xi32>
    %eq3A_809 = vector.broadcast %iota3A : vector<1x128xi32> to vector<128x128xi32>
    %eq3A_810 = arith.cmpi eq, %eq3A_808, %eq3A_809 : vector<128x128xi32>
    %jit3A_811 = arith.constant 1.000000e+00 : f32
    %jit3A_812 = arith.constant 0.000000e+00 : f32
    %broadcast_in_dim3A_813 = vector.broadcast %jit3A_811 : f32 to vector<128x128xf32>
    %broadcast_in_dim3A_814 = vector.broadcast %jit3A_812 : f32 to vector<128x128xf32>
    %select_n3A_815 = arith.select %eq3A_810, %broadcast_in_dim3A_813, %broadcast_in_dim3A_814 : vector<128x128xi1>, vector<128x128xf32>
    %reduce_sum3A_816 = arith.constant dense<0.000000e+00> : vector<128xf32>
    %reduce_sum3A_817 = vector.multi_reduction <add>, %select_n3A_815, %reduce_sum3A_816 [0] : vector<128x128xf32> to vector<128xf32>
    %broadcast_in_dim3A_818 = vector.shape_cast %reduce_sum3A_817 : vector<128xf32> to vector<1x128xf32>
    %add3A_819 = arith.addf %add3A_804, %broadcast_in_dim3A_818 : vector<1x128xf32>
    %get3A_820 = arith.constant 0 : index
    %get3A_821 = arith.constant 55 : index
    %get3A_822 = vector.load %arg0[%get3A_820, %get3A_821] : memref<128x128xi32, #tpu.memory_space<vmem>>, vector<128x1xi32>
    %eq3A_823 = vector.broadcast %get3A_822 : vector<128x1xi32> to vector<128x128xi32>
    %eq3A_824 = vector.broadcast %iota3A : vector<1x128xi32> to vector<128x128xi32>
    %eq3A_825 = arith.cmpi eq, %eq3A_823, %eq3A_824 : vector<128x128xi32>
    %jit3A_826 = arith.constant 1.000000e+00 : f32
    %jit3A_827 = arith.constant 0.000000e+00 : f32
    %broadcast_in_dim3A_828 = vector.broadcast %jit3A_826 : f32 to vector<128x128xf32>
    %broadcast_in_dim3A_829 = vector.broadcast %jit3A_827 : f32 to vector<128x128xf32>
    %select_n3A_830 = arith.select %eq3A_825, %broadcast_in_dim3A_828, %broadcast_in_dim3A_829 : vector<128x128xi1>, vector<128x128xf32>
    %reduce_sum3A_831 = arith.constant dense<0.000000e+00> : vector<128xf32>
    %reduce_sum3A_832 = vector.multi_reduction <add>, %select_n3A_830, %reduce_sum3A_831 [0] : vector<128x128xf32> to vector<128xf32>
    %broadcast_in_dim3A_833 = vector.shape_cast %reduce_sum3A_832 : vector<128xf32> to vector<1x128xf32>
    %add3A_834 = arith.addf %add3A_819, %broadcast_in_dim3A_833 : vector<1x128xf32>
    %get3A_835 = arith.constant 0 : index
    %get3A_836 = arith.constant 56 : index
    %get3A_837 = vector.load %arg0[%get3A_835, %get3A_836] : memref<128x128xi32, #tpu.memory_space<vmem>>, vector<128x1xi32>
    %eq3A_838 = vector.broadcast %get3A_837 : vector<128x1xi32> to vector<128x128xi32>
    %eq3A_839 = vector.broadcast %iota3A : vector<1x128xi32> to vector<128x128xi32>
    %eq3A_840 = arith.cmpi eq, %eq3A_838, %eq3A_839 : vector<128x128xi32>
    %jit3A_841 = arith.constant 1.000000e+00 : f32
    %jit3A_842 = arith.constant 0.000000e+00 : f32
    %broadcast_in_dim3A_843 = vector.broadcast %jit3A_841 : f32 to vector<128x128xf32>
    %broadcast_in_dim3A_844 = vector.broadcast %jit3A_842 : f32 to vector<128x128xf32>
    %select_n3A_845 = arith.select %eq3A_840, %broadcast_in_dim3A_843, %broadcast_in_dim3A_844 : vector<128x128xi1>, vector<128x128xf32>
    %reduce_sum3A_846 = arith.constant dense<0.000000e+00> : vector<128xf32>
    %reduce_sum3A_847 = vector.multi_reduction <add>, %select_n3A_845, %reduce_sum3A_846 [0] : vector<128x128xf32> to vector<128xf32>
    %broadcast_in_dim3A_848 = vector.shape_cast %reduce_sum3A_847 : vector<128xf32> to vector<1x128xf32>
    %add3A_849 = arith.addf %add3A_834, %broadcast_in_dim3A_848 : vector<1x128xf32>
    %get3A_850 = arith.constant 0 : index
    %get3A_851 = arith.constant 57 : index
    %get3A_852 = vector.load %arg0[%get3A_850, %get3A_851] : memref<128x128xi32, #tpu.memory_space<vmem>>, vector<128x1xi32>
    %eq3A_853 = vector.broadcast %get3A_852 : vector<128x1xi32> to vector<128x128xi32>
    %eq3A_854 = vector.broadcast %iota3A : vector<1x128xi32> to vector<128x128xi32>
    %eq3A_855 = arith.cmpi eq, %eq3A_853, %eq3A_854 : vector<128x128xi32>
    %jit3A_856 = arith.constant 1.000000e+00 : f32
    %jit3A_857 = arith.constant 0.000000e+00 : f32
    %broadcast_in_dim3A_858 = vector.broadcast %jit3A_856 : f32 to vector<128x128xf32>
    %broadcast_in_dim3A_859 = vector.broadcast %jit3A_857 : f32 to vector<128x128xf32>
    %select_n3A_860 = arith.select %eq3A_855, %broadcast_in_dim3A_858, %broadcast_in_dim3A_859 : vector<128x128xi1>, vector<128x128xf32>
    %reduce_sum3A_861 = arith.constant dense<0.000000e+00> : vector<128xf32>
    %reduce_sum3A_862 = vector.multi_reduction <add>, %select_n3A_860, %reduce_sum3A_861 [0] : vector<128x128xf32> to vector<128xf32>
    %broadcast_in_dim3A_863 = vector.shape_cast %reduce_sum3A_862 : vector<128xf32> to vector<1x128xf32>
    %add3A_864 = arith.addf %add3A_849, %broadcast_in_dim3A_863 : vector<1x128xf32>
    %get3A_865 = arith.constant 0 : index
    %get3A_866 = arith.constant 58 : index
    %get3A_867 = vector.load %arg0[%get3A_865, %get3A_866] : memref<128x128xi32, #tpu.memory_space<vmem>>, vector<128x1xi32>
    %eq3A_868 = vector.broadcast %get3A_867 : vector<128x1xi32> to vector<128x128xi32>
    %eq3A_869 = vector.broadcast %iota3A : vector<1x128xi32> to vector<128x128xi32>
    %eq3A_870 = arith.cmpi eq, %eq3A_868, %eq3A_869 : vector<128x128xi32>
    %jit3A_871 = arith.constant 1.000000e+00 : f32
    %jit3A_872 = arith.constant 0.000000e+00 : f32
    %broadcast_in_dim3A_873 = vector.broadcast %jit3A_871 : f32 to vector<128x128xf32>
    %broadcast_in_dim3A_874 = vector.broadcast %jit3A_872 : f32 to vector<128x128xf32>
    %select_n3A_875 = arith.select %eq3A_870, %broadcast_in_dim3A_873, %broadcast_in_dim3A_874 : vector<128x128xi1>, vector<128x128xf32>
    %reduce_sum3A_876 = arith.constant dense<0.000000e+00> : vector<128xf32>
    %reduce_sum3A_877 = vector.multi_reduction <add>, %select_n3A_875, %reduce_sum3A_876 [0] : vector<128x128xf32> to vector<128xf32>
    %broadcast_in_dim3A_878 = vector.shape_cast %reduce_sum3A_877 : vector<128xf32> to vector<1x128xf32>
    %add3A_879 = arith.addf %add3A_864, %broadcast_in_dim3A_878 : vector<1x128xf32>
    %get3A_880 = arith.constant 0 : index
    %get3A_881 = arith.constant 59 : index
    %get3A_882 = vector.load %arg0[%get3A_880, %get3A_881] : memref<128x128xi32, #tpu.memory_space<vmem>>, vector<128x1xi32>
    %eq3A_883 = vector.broadcast %get3A_882 : vector<128x1xi32> to vector<128x128xi32>
    %eq3A_884 = vector.broadcast %iota3A : vector<1x128xi32> to vector<128x128xi32>
    %eq3A_885 = arith.cmpi eq, %eq3A_883, %eq3A_884 : vector<128x128xi32>
    %jit3A_886 = arith.constant 1.000000e+00 : f32
    %jit3A_887 = arith.constant 0.000000e+00 : f32
    %broadcast_in_dim3A_888 = vector.broadcast %jit3A_886 : f32 to vector<128x128xf32>
    %broadcast_in_dim3A_889 = vector.broadcast %jit3A_887 : f32 to vector<128x128xf32>
    %select_n3A_890 = arith.select %eq3A_885, %broadcast_in_dim3A_888, %broadcast_in_dim3A_889 : vector<128x128xi1>, vector<128x128xf32>
    %reduce_sum3A_891 = arith.constant dense<0.000000e+00> : vector<128xf32>
    %reduce_sum3A_892 = vector.multi_reduction <add>, %select_n3A_890, %reduce_sum3A_891 [0] : vector<128x128xf32> to vector<128xf32>
    %broadcast_in_dim3A_893 = vector.shape_cast %reduce_sum3A_892 : vector<128xf32> to vector<1x128xf32>
    %add3A_894 = arith.addf %add3A_879, %broadcast_in_dim3A_893 : vector<1x128xf32>
    %get3A_895 = arith.constant 0 : index
    %get3A_896 = arith.constant 60 : index
    %get3A_897 = vector.load %arg0[%get3A_895, %get3A_896] : memref<128x128xi32, #tpu.memory_space<vmem>>, vector<128x1xi32>
    %eq3A_898 = vector.broadcast %get3A_897 : vector<128x1xi32> to vector<128x128xi32>
    %eq3A_899 = vector.broadcast %iota3A : vector<1x128xi32> to vector<128x128xi32>
    %eq3A_900 = arith.cmpi eq, %eq3A_898, %eq3A_899 : vector<128x128xi32>
    %jit3A_901 = arith.constant 1.000000e+00 : f32
    %jit3A_902 = arith.constant 0.000000e+00 : f32
    %broadcast_in_dim3A_903 = vector.broadcast %jit3A_901 : f32 to vector<128x128xf32>
    %broadcast_in_dim3A_904 = vector.broadcast %jit3A_902 : f32 to vector<128x128xf32>
    %select_n3A_905 = arith.select %eq3A_900, %broadcast_in_dim3A_903, %broadcast_in_dim3A_904 : vector<128x128xi1>, vector<128x128xf32>
    %reduce_sum3A_906 = arith.constant dense<0.000000e+00> : vector<128xf32>
    %reduce_sum3A_907 = vector.multi_reduction <add>, %select_n3A_905, %reduce_sum3A_906 [0] : vector<128x128xf32> to vector<128xf32>
    %broadcast_in_dim3A_908 = vector.shape_cast %reduce_sum3A_907 : vector<128xf32> to vector<1x128xf32>
    %add3A_909 = arith.addf %add3A_894, %broadcast_in_dim3A_908 : vector<1x128xf32>
    %get3A_910 = arith.constant 0 : index
    %get3A_911 = arith.constant 61 : index
    %get3A_912 = vector.load %arg0[%get3A_910, %get3A_911] : memref<128x128xi32, #tpu.memory_space<vmem>>, vector<128x1xi32>
    %eq3A_913 = vector.broadcast %get3A_912 : vector<128x1xi32> to vector<128x128xi32>
    %eq3A_914 = vector.broadcast %iota3A : vector<1x128xi32> to vector<128x128xi32>
    %eq3A_915 = arith.cmpi eq, %eq3A_913, %eq3A_914 : vector<128x128xi32>
    %jit3A_916 = arith.constant 1.000000e+00 : f32
    %jit3A_917 = arith.constant 0.000000e+00 : f32
    %broadcast_in_dim3A_918 = vector.broadcast %jit3A_916 : f32 to vector<128x128xf32>
    %broadcast_in_dim3A_919 = vector.broadcast %jit3A_917 : f32 to vector<128x128xf32>
    %select_n3A_920 = arith.select %eq3A_915, %broadcast_in_dim3A_918, %broadcast_in_dim3A_919 : vector<128x128xi1>, vector<128x128xf32>
    %reduce_sum3A_921 = arith.constant dense<0.000000e+00> : vector<128xf32>
    %reduce_sum3A_922 = vector.multi_reduction <add>, %select_n3A_920, %reduce_sum3A_921 [0] : vector<128x128xf32> to vector<128xf32>
    %broadcast_in_dim3A_923 = vector.shape_cast %reduce_sum3A_922 : vector<128xf32> to vector<1x128xf32>
    %add3A_924 = arith.addf %add3A_909, %broadcast_in_dim3A_923 : vector<1x128xf32>
    %get3A_925 = arith.constant 0 : index
    %get3A_926 = arith.constant 62 : index
    %get3A_927 = vector.load %arg0[%get3A_925, %get3A_926] : memref<128x128xi32, #tpu.memory_space<vmem>>, vector<128x1xi32>
    %eq3A_928 = vector.broadcast %get3A_927 : vector<128x1xi32> to vector<128x128xi32>
    %eq3A_929 = vector.broadcast %iota3A : vector<1x128xi32> to vector<128x128xi32>
    %eq3A_930 = arith.cmpi eq, %eq3A_928, %eq3A_929 : vector<128x128xi32>
    %jit3A_931 = arith.constant 1.000000e+00 : f32
    %jit3A_932 = arith.constant 0.000000e+00 : f32
    %broadcast_in_dim3A_933 = vector.broadcast %jit3A_931 : f32 to vector<128x128xf32>
    %broadcast_in_dim3A_934 = vector.broadcast %jit3A_932 : f32 to vector<128x128xf32>
    %select_n3A_935 = arith.select %eq3A_930, %broadcast_in_dim3A_933, %broadcast_in_dim3A_934 : vector<128x128xi1>, vector<128x128xf32>
    %reduce_sum3A_936 = arith.constant dense<0.000000e+00> : vector<128xf32>
    %reduce_sum3A_937 = vector.multi_reduction <add>, %select_n3A_935, %reduce_sum3A_936 [0] : vector<128x128xf32> to vector<128xf32>
    %broadcast_in_dim3A_938 = vector.shape_cast %reduce_sum3A_937 : vector<128xf32> to vector<1x128xf32>
    %add3A_939 = arith.addf %add3A_924, %broadcast_in_dim3A_938 : vector<1x128xf32>
    %get3A_940 = arith.constant 0 : index
    %get3A_941 = arith.constant 63 : index
    %get3A_942 = vector.load %arg0[%get3A_940, %get3A_941] : memref<128x128xi32, #tpu.memory_space<vmem>>, vector<128x1xi32>
    %eq3A_943 = vector.broadcast %get3A_942 : vector<128x1xi32> to vector<128x128xi32>
    %eq3A_944 = vector.broadcast %iota3A : vector<1x128xi32> to vector<128x128xi32>
    %eq3A_945 = arith.cmpi eq, %eq3A_943, %eq3A_944 : vector<128x128xi32>
    %jit3A_946 = arith.constant 1.000000e+00 : f32
    %jit3A_947 = arith.constant 0.000000e+00 : f32
    %broadcast_in_dim3A_948 = vector.broadcast %jit3A_946 : f32 to vector<128x128xf32>
    %broadcast_in_dim3A_949 = vector.broadcast %jit3A_947 : f32 to vector<128x128xf32>
    %select_n3A_950 = arith.select %eq3A_945, %broadcast_in_dim3A_948, %broadcast_in_dim3A_949 : vector<128x128xi1>, vector<128x128xf32>
    %reduce_sum3A_951 = arith.constant dense<0.000000e+00> : vector<128xf32>
    %reduce_sum3A_952 = vector.multi_reduction <add>, %select_n3A_950, %reduce_sum3A_951 [0] : vector<128x128xf32> to vector<128xf32>
    %broadcast_in_dim3A_953 = vector.shape_cast %reduce_sum3A_952 : vector<128xf32> to vector<1x128xf32>
    %add3A_954 = arith.addf %add3A_939, %broadcast_in_dim3A_953 : vector<1x128xf32>
    %get3A_955 = arith.constant 0 : index
    %get3A_956 = arith.constant 64 : index
    %get3A_957 = vector.load %arg0[%get3A_955, %get3A_956] : memref<128x128xi32, #tpu.memory_space<vmem>>, vector<128x1xi32>
    %eq3A_958 = vector.broadcast %get3A_957 : vector<128x1xi32> to vector<128x128xi32>
    %eq3A_959 = vector.broadcast %iota3A : vector<1x128xi32> to vector<128x128xi32>
    %eq3A_960 = arith.cmpi eq, %eq3A_958, %eq3A_959 : vector<128x128xi32>
    %jit3A_961 = arith.constant 1.000000e+00 : f32
    %jit3A_962 = arith.constant 0.000000e+00 : f32
    %broadcast_in_dim3A_963 = vector.broadcast %jit3A_961 : f32 to vector<128x128xf32>
    %broadcast_in_dim3A_964 = vector.broadcast %jit3A_962 : f32 to vector<128x128xf32>
    %select_n3A_965 = arith.select %eq3A_960, %broadcast_in_dim3A_963, %broadcast_in_dim3A_964 : vector<128x128xi1>, vector<128x128xf32>
    %reduce_sum3A_966 = arith.constant dense<0.000000e+00> : vector<128xf32>
    %reduce_sum3A_967 = vector.multi_reduction <add>, %select_n3A_965, %reduce_sum3A_966 [0] : vector<128x128xf32> to vector<128xf32>
    %broadcast_in_dim3A_968 = vector.shape_cast %reduce_sum3A_967 : vector<128xf32> to vector<1x128xf32>
    %add3A_969 = arith.addf %add3A_954, %broadcast_in_dim3A_968 : vector<1x128xf32>
    %get3A_970 = arith.constant 0 : index
    %get3A_971 = arith.constant 65 : index
    %get3A_972 = vector.load %arg0[%get3A_970, %get3A_971] : memref<128x128xi32, #tpu.memory_space<vmem>>, vector<128x1xi32>
    %eq3A_973 = vector.broadcast %get3A_972 : vector<128x1xi32> to vector<128x128xi32>
    %eq3A_974 = vector.broadcast %iota3A : vector<1x128xi32> to vector<128x128xi32>
    %eq3A_975 = arith.cmpi eq, %eq3A_973, %eq3A_974 : vector<128x128xi32>
    %jit3A_976 = arith.constant 1.000000e+00 : f32
    %jit3A_977 = arith.constant 0.000000e+00 : f32
    %broadcast_in_dim3A_978 = vector.broadcast %jit3A_976 : f32 to vector<128x128xf32>
    %broadcast_in_dim3A_979 = vector.broadcast %jit3A_977 : f32 to vector<128x128xf32>
    %select_n3A_980 = arith.select %eq3A_975, %broadcast_in_dim3A_978, %broadcast_in_dim3A_979 : vector<128x128xi1>, vector<128x128xf32>
    %reduce_sum3A_981 = arith.constant dense<0.000000e+00> : vector<128xf32>
    %reduce_sum3A_982 = vector.multi_reduction <add>, %select_n3A_980, %reduce_sum3A_981 [0] : vector<128x128xf32> to vector<128xf32>
    %broadcast_in_dim3A_983 = vector.shape_cast %reduce_sum3A_982 : vector<128xf32> to vector<1x128xf32>
    %add3A_984 = arith.addf %add3A_969, %broadcast_in_dim3A_983 : vector<1x128xf32>
    %get3A_985 = arith.constant 0 : index
    %get3A_986 = arith.constant 66 : index
    %get3A_987 = vector.load %arg0[%get3A_985, %get3A_986] : memref<128x128xi32, #tpu.memory_space<vmem>>, vector<128x1xi32>
    %eq3A_988 = vector.broadcast %get3A_987 : vector<128x1xi32> to vector<128x128xi32>
    %eq3A_989 = vector.broadcast %iota3A : vector<1x128xi32> to vector<128x128xi32>
    %eq3A_990 = arith.cmpi eq, %eq3A_988, %eq3A_989 : vector<128x128xi32>
    %jit3A_991 = arith.constant 1.000000e+00 : f32
    %jit3A_992 = arith.constant 0.000000e+00 : f32
    %broadcast_in_dim3A_993 = vector.broadcast %jit3A_991 : f32 to vector<128x128xf32>
    %broadcast_in_dim3A_994 = vector.broadcast %jit3A_992 : f32 to vector<128x128xf32>
    %select_n3A_995 = arith.select %eq3A_990, %broadcast_in_dim3A_993, %broadcast_in_dim3A_994 : vector<128x128xi1>, vector<128x128xf32>
    %reduce_sum3A_996 = arith.constant dense<0.000000e+00> : vector<128xf32>
    %reduce_sum3A_997 = vector.multi_reduction <add>, %select_n3A_995, %reduce_sum3A_996 [0] : vector<128x128xf32> to vector<128xf32>
    %broadcast_in_dim3A_998 = vector.shape_cast %reduce_sum3A_997 : vector<128xf32> to vector<1x128xf32>
    %add3A_999 = arith.addf %add3A_984, %broadcast_in_dim3A_998 : vector<1x128xf32>
    %get3A_1000 = arith.constant 0 : index
    %get3A_1001 = arith.constant 67 : index
    %get3A_1002 = vector.load %arg0[%get3A_1000, %get3A_1001] : memref<128x128xi32, #tpu.memory_space<vmem>>, vector<128x1xi32>
    %eq3A_1003 = vector.broadcast %get3A_1002 : vector<128x1xi32> to vector<128x128xi32>
    %eq3A_1004 = vector.broadcast %iota3A : vector<1x128xi32> to vector<128x128xi32>
    %eq3A_1005 = arith.cmpi eq, %eq3A_1003, %eq3A_1004 : vector<128x128xi32>
    %jit3A_1006 = arith.constant 1.000000e+00 : f32
    %jit3A_1007 = arith.constant 0.000000e+00 : f32
    %broadcast_in_dim3A_1008 = vector.broadcast %jit3A_1006 : f32 to vector<128x128xf32>
    %broadcast_in_dim3A_1009 = vector.broadcast %jit3A_1007 : f32 to vector<128x128xf32>
    %select_n3A_1010 = arith.select %eq3A_1005, %broadcast_in_dim3A_1008, %broadcast_in_dim3A_1009 : vector<128x128xi1>, vector<128x128xf32>
    %reduce_sum3A_1011 = arith.constant dense<0.000000e+00> : vector<128xf32>
    %reduce_sum3A_1012 = vector.multi_reduction <add>, %select_n3A_1010, %reduce_sum3A_1011 [0] : vector<128x128xf32> to vector<128xf32>
    %broadcast_in_dim3A_1013 = vector.shape_cast %reduce_sum3A_1012 : vector<128xf32> to vector<1x128xf32>
    %add3A_1014 = arith.addf %add3A_999, %broadcast_in_dim3A_1013 : vector<1x128xf32>
    %get3A_1015 = arith.constant 0 : index
    %get3A_1016 = arith.constant 68 : index
    %get3A_1017 = vector.load %arg0[%get3A_1015, %get3A_1016] : memref<128x128xi32, #tpu.memory_space<vmem>>, vector<128x1xi32>
    %eq3A_1018 = vector.broadcast %get3A_1017 : vector<128x1xi32> to vector<128x128xi32>
    %eq3A_1019 = vector.broadcast %iota3A : vector<1x128xi32> to vector<128x128xi32>
    %eq3A_1020 = arith.cmpi eq, %eq3A_1018, %eq3A_1019 : vector<128x128xi32>
    %jit3A_1021 = arith.constant 1.000000e+00 : f32
    %jit3A_1022 = arith.constant 0.000000e+00 : f32
    %broadcast_in_dim3A_1023 = vector.broadcast %jit3A_1021 : f32 to vector<128x128xf32>
    %broadcast_in_dim3A_1024 = vector.broadcast %jit3A_1022 : f32 to vector<128x128xf32>
    %select_n3A_1025 = arith.select %eq3A_1020, %broadcast_in_dim3A_1023, %broadcast_in_dim3A_1024 : vector<128x128xi1>, vector<128x128xf32>
    %reduce_sum3A_1026 = arith.constant dense<0.000000e+00> : vector<128xf32>
    %reduce_sum3A_1027 = vector.multi_reduction <add>, %select_n3A_1025, %reduce_sum3A_1026 [0] : vector<128x128xf32> to vector<128xf32>
    %broadcast_in_dim3A_1028 = vector.shape_cast %reduce_sum3A_1027 : vector<128xf32> to vector<1x128xf32>
    %add3A_1029 = arith.addf %add3A_1014, %broadcast_in_dim3A_1028 : vector<1x128xf32>
    %get3A_1030 = arith.constant 0 : index
    %get3A_1031 = arith.constant 69 : index
    %get3A_1032 = vector.load %arg0[%get3A_1030, %get3A_1031] : memref<128x128xi32, #tpu.memory_space<vmem>>, vector<128x1xi32>
    %eq3A_1033 = vector.broadcast %get3A_1032 : vector<128x1xi32> to vector<128x128xi32>
    %eq3A_1034 = vector.broadcast %iota3A : vector<1x128xi32> to vector<128x128xi32>
    %eq3A_1035 = arith.cmpi eq, %eq3A_1033, %eq3A_1034 : vector<128x128xi32>
    %jit3A_1036 = arith.constant 1.000000e+00 : f32
    %jit3A_1037 = arith.constant 0.000000e+00 : f32
    %broadcast_in_dim3A_1038 = vector.broadcast %jit3A_1036 : f32 to vector<128x128xf32>
    %broadcast_in_dim3A_1039 = vector.broadcast %jit3A_1037 : f32 to vector<128x128xf32>
    %select_n3A_1040 = arith.select %eq3A_1035, %broadcast_in_dim3A_1038, %broadcast_in_dim3A_1039 : vector<128x128xi1>, vector<128x128xf32>
    %reduce_sum3A_1041 = arith.constant dense<0.000000e+00> : vector<128xf32>
    %reduce_sum3A_1042 = vector.multi_reduction <add>, %select_n3A_1040, %reduce_sum3A_1041 [0] : vector<128x128xf32> to vector<128xf32>
    %broadcast_in_dim3A_1043 = vector.shape_cast %reduce_sum3A_1042 : vector<128xf32> to vector<1x128xf32>
    %add3A_1044 = arith.addf %add3A_1029, %broadcast_in_dim3A_1043 : vector<1x128xf32>
    %get3A_1045 = arith.constant 0 : index
    %get3A_1046 = arith.constant 70 : index
    %get3A_1047 = vector.load %arg0[%get3A_1045, %get3A_1046] : memref<128x128xi32, #tpu.memory_space<vmem>>, vector<128x1xi32>
    %eq3A_1048 = vector.broadcast %get3A_1047 : vector<128x1xi32> to vector<128x128xi32>
    %eq3A_1049 = vector.broadcast %iota3A : vector<1x128xi32> to vector<128x128xi32>
    %eq3A_1050 = arith.cmpi eq, %eq3A_1048, %eq3A_1049 : vector<128x128xi32>
    %jit3A_1051 = arith.constant 1.000000e+00 : f32
    %jit3A_1052 = arith.constant 0.000000e+00 : f32
    %broadcast_in_dim3A_1053 = vector.broadcast %jit3A_1051 : f32 to vector<128x128xf32>
    %broadcast_in_dim3A_1054 = vector.broadcast %jit3A_1052 : f32 to vector<128x128xf32>
    %select_n3A_1055 = arith.select %eq3A_1050, %broadcast_in_dim3A_1053, %broadcast_in_dim3A_1054 : vector<128x128xi1>, vector<128x128xf32>
    %reduce_sum3A_1056 = arith.constant dense<0.000000e+00> : vector<128xf32>
    %reduce_sum3A_1057 = vector.multi_reduction <add>, %select_n3A_1055, %reduce_sum3A_1056 [0] : vector<128x128xf32> to vector<128xf32>
    %broadcast_in_dim3A_1058 = vector.shape_cast %reduce_sum3A_1057 : vector<128xf32> to vector<1x128xf32>
    %add3A_1059 = arith.addf %add3A_1044, %broadcast_in_dim3A_1058 : vector<1x128xf32>
    %get3A_1060 = arith.constant 0 : index
    %get3A_1061 = arith.constant 71 : index
    %get3A_1062 = vector.load %arg0[%get3A_1060, %get3A_1061] : memref<128x128xi32, #tpu.memory_space<vmem>>, vector<128x1xi32>
    %eq3A_1063 = vector.broadcast %get3A_1062 : vector<128x1xi32> to vector<128x128xi32>
    %eq3A_1064 = vector.broadcast %iota3A : vector<1x128xi32> to vector<128x128xi32>
    %eq3A_1065 = arith.cmpi eq, %eq3A_1063, %eq3A_1064 : vector<128x128xi32>
    %jit3A_1066 = arith.constant 1.000000e+00 : f32
    %jit3A_1067 = arith.constant 0.000000e+00 : f32
    %broadcast_in_dim3A_1068 = vector.broadcast %jit3A_1066 : f32 to vector<128x128xf32>
    %broadcast_in_dim3A_1069 = vector.broadcast %jit3A_1067 : f32 to vector<128x128xf32>
    %select_n3A_1070 = arith.select %eq3A_1065, %broadcast_in_dim3A_1068, %broadcast_in_dim3A_1069 : vector<128x128xi1>, vector<128x128xf32>
    %reduce_sum3A_1071 = arith.constant dense<0.000000e+00> : vector<128xf32>
    %reduce_sum3A_1072 = vector.multi_reduction <add>, %select_n3A_1070, %reduce_sum3A_1071 [0] : vector<128x128xf32> to vector<128xf32>
    %broadcast_in_dim3A_1073 = vector.shape_cast %reduce_sum3A_1072 : vector<128xf32> to vector<1x128xf32>
    %add3A_1074 = arith.addf %add3A_1059, %broadcast_in_dim3A_1073 : vector<1x128xf32>
    %get3A_1075 = arith.constant 0 : index
    %get3A_1076 = arith.constant 72 : index
    %get3A_1077 = vector.load %arg0[%get3A_1075, %get3A_1076] : memref<128x128xi32, #tpu.memory_space<vmem>>, vector<128x1xi32>
    %eq3A_1078 = vector.broadcast %get3A_1077 : vector<128x1xi32> to vector<128x128xi32>
    %eq3A_1079 = vector.broadcast %iota3A : vector<1x128xi32> to vector<128x128xi32>
    %eq3A_1080 = arith.cmpi eq, %eq3A_1078, %eq3A_1079 : vector<128x128xi32>
    %jit3A_1081 = arith.constant 1.000000e+00 : f32
    %jit3A_1082 = arith.constant 0.000000e+00 : f32
    %broadcast_in_dim3A_1083 = vector.broadcast %jit3A_1081 : f32 to vector<128x128xf32>
    %broadcast_in_dim3A_1084 = vector.broadcast %jit3A_1082 : f32 to vector<128x128xf32>
    %select_n3A_1085 = arith.select %eq3A_1080, %broadcast_in_dim3A_1083, %broadcast_in_dim3A_1084 : vector<128x128xi1>, vector<128x128xf32>
    %reduce_sum3A_1086 = arith.constant dense<0.000000e+00> : vector<128xf32>
    %reduce_sum3A_1087 = vector.multi_reduction <add>, %select_n3A_1085, %reduce_sum3A_1086 [0] : vector<128x128xf32> to vector<128xf32>
    %broadcast_in_dim3A_1088 = vector.shape_cast %reduce_sum3A_1087 : vector<128xf32> to vector<1x128xf32>
    %add3A_1089 = arith.addf %add3A_1074, %broadcast_in_dim3A_1088 : vector<1x128xf32>
    %get3A_1090 = arith.constant 0 : index
    %get3A_1091 = arith.constant 73 : index
    %get3A_1092 = vector.load %arg0[%get3A_1090, %get3A_1091] : memref<128x128xi32, #tpu.memory_space<vmem>>, vector<128x1xi32>
    %eq3A_1093 = vector.broadcast %get3A_1092 : vector<128x1xi32> to vector<128x128xi32>
    %eq3A_1094 = vector.broadcast %iota3A : vector<1x128xi32> to vector<128x128xi32>
    %eq3A_1095 = arith.cmpi eq, %eq3A_1093, %eq3A_1094 : vector<128x128xi32>
    %jit3A_1096 = arith.constant 1.000000e+00 : f32
    %jit3A_1097 = arith.constant 0.000000e+00 : f32
    %broadcast_in_dim3A_1098 = vector.broadcast %jit3A_1096 : f32 to vector<128x128xf32>
    %broadcast_in_dim3A_1099 = vector.broadcast %jit3A_1097 : f32 to vector<128x128xf32>
    %select_n3A_1100 = arith.select %eq3A_1095, %broadcast_in_dim3A_1098, %broadcast_in_dim3A_1099 : vector<128x128xi1>, vector<128x128xf32>
    %reduce_sum3A_1101 = arith.constant dense<0.000000e+00> : vector<128xf32>
    %reduce_sum3A_1102 = vector.multi_reduction <add>, %select_n3A_1100, %reduce_sum3A_1101 [0] : vector<128x128xf32> to vector<128xf32>
    %broadcast_in_dim3A_1103 = vector.shape_cast %reduce_sum3A_1102 : vector<128xf32> to vector<1x128xf32>
    %add3A_1104 = arith.addf %add3A_1089, %broadcast_in_dim3A_1103 : vector<1x128xf32>
    %get3A_1105 = arith.constant 0 : index
    %get3A_1106 = arith.constant 74 : index
    %get3A_1107 = vector.load %arg0[%get3A_1105, %get3A_1106] : memref<128x128xi32, #tpu.memory_space<vmem>>, vector<128x1xi32>
    %eq3A_1108 = vector.broadcast %get3A_1107 : vector<128x1xi32> to vector<128x128xi32>
    %eq3A_1109 = vector.broadcast %iota3A : vector<1x128xi32> to vector<128x128xi32>
    %eq3A_1110 = arith.cmpi eq, %eq3A_1108, %eq3A_1109 : vector<128x128xi32>
    %jit3A_1111 = arith.constant 1.000000e+00 : f32
    %jit3A_1112 = arith.constant 0.000000e+00 : f32
    %broadcast_in_dim3A_1113 = vector.broadcast %jit3A_1111 : f32 to vector<128x128xf32>
    %broadcast_in_dim3A_1114 = vector.broadcast %jit3A_1112 : f32 to vector<128x128xf32>
    %select_n3A_1115 = arith.select %eq3A_1110, %broadcast_in_dim3A_1113, %broadcast_in_dim3A_1114 : vector<128x128xi1>, vector<128x128xf32>
    %reduce_sum3A_1116 = arith.constant dense<0.000000e+00> : vector<128xf32>
    %reduce_sum3A_1117 = vector.multi_reduction <add>, %select_n3A_1115, %reduce_sum3A_1116 [0] : vector<128x128xf32> to vector<128xf32>
    %broadcast_in_dim3A_1118 = vector.shape_cast %reduce_sum3A_1117 : vector<128xf32> to vector<1x128xf32>
    %add3A_1119 = arith.addf %add3A_1104, %broadcast_in_dim3A_1118 : vector<1x128xf32>
    %get3A_1120 = arith.constant 0 : index
    %get3A_1121 = arith.constant 75 : index
    %get3A_1122 = vector.load %arg0[%get3A_1120, %get3A_1121] : memref<128x128xi32, #tpu.memory_space<vmem>>, vector<128x1xi32>
    %eq3A_1123 = vector.broadcast %get3A_1122 : vector<128x1xi32> to vector<128x128xi32>
    %eq3A_1124 = vector.broadcast %iota3A : vector<1x128xi32> to vector<128x128xi32>
    %eq3A_1125 = arith.cmpi eq, %eq3A_1123, %eq3A_1124 : vector<128x128xi32>
    %jit3A_1126 = arith.constant 1.000000e+00 : f32
    %jit3A_1127 = arith.constant 0.000000e+00 : f32
    %broadcast_in_dim3A_1128 = vector.broadcast %jit3A_1126 : f32 to vector<128x128xf32>
    %broadcast_in_dim3A_1129 = vector.broadcast %jit3A_1127 : f32 to vector<128x128xf32>
    %select_n3A_1130 = arith.select %eq3A_1125, %broadcast_in_dim3A_1128, %broadcast_in_dim3A_1129 : vector<128x128xi1>, vector<128x128xf32>
    %reduce_sum3A_1131 = arith.constant dense<0.000000e+00> : vector<128xf32>
    %reduce_sum3A_1132 = vector.multi_reduction <add>, %select_n3A_1130, %reduce_sum3A_1131 [0] : vector<128x128xf32> to vector<128xf32>
    %broadcast_in_dim3A_1133 = vector.shape_cast %reduce_sum3A_1132 : vector<128xf32> to vector<1x128xf32>
    %add3A_1134 = arith.addf %add3A_1119, %broadcast_in_dim3A_1133 : vector<1x128xf32>
    %get3A_1135 = arith.constant 0 : index
    %get3A_1136 = arith.constant 76 : index
    %get3A_1137 = vector.load %arg0[%get3A_1135, %get3A_1136] : memref<128x128xi32, #tpu.memory_space<vmem>>, vector<128x1xi32>
    %eq3A_1138 = vector.broadcast %get3A_1137 : vector<128x1xi32> to vector<128x128xi32>
    %eq3A_1139 = vector.broadcast %iota3A : vector<1x128xi32> to vector<128x128xi32>
    %eq3A_1140 = arith.cmpi eq, %eq3A_1138, %eq3A_1139 : vector<128x128xi32>
    %jit3A_1141 = arith.constant 1.000000e+00 : f32
    %jit3A_1142 = arith.constant 0.000000e+00 : f32
    %broadcast_in_dim3A_1143 = vector.broadcast %jit3A_1141 : f32 to vector<128x128xf32>
    %broadcast_in_dim3A_1144 = vector.broadcast %jit3A_1142 : f32 to vector<128x128xf32>
    %select_n3A_1145 = arith.select %eq3A_1140, %broadcast_in_dim3A_1143, %broadcast_in_dim3A_1144 : vector<128x128xi1>, vector<128x128xf32>
    %reduce_sum3A_1146 = arith.constant dense<0.000000e+00> : vector<128xf32>
    %reduce_sum3A_1147 = vector.multi_reduction <add>, %select_n3A_1145, %reduce_sum3A_1146 [0] : vector<128x128xf32> to vector<128xf32>
    %broadcast_in_dim3A_1148 = vector.shape_cast %reduce_sum3A_1147 : vector<128xf32> to vector<1x128xf32>
    %add3A_1149 = arith.addf %add3A_1134, %broadcast_in_dim3A_1148 : vector<1x128xf32>
    %get3A_1150 = arith.constant 0 : index
    %get3A_1151 = arith.constant 77 : index
    %get3A_1152 = vector.load %arg0[%get3A_1150, %get3A_1151] : memref<128x128xi32, #tpu.memory_space<vmem>>, vector<128x1xi32>
    %eq3A_1153 = vector.broadcast %get3A_1152 : vector<128x1xi32> to vector<128x128xi32>
    %eq3A_1154 = vector.broadcast %iota3A : vector<1x128xi32> to vector<128x128xi32>
    %eq3A_1155 = arith.cmpi eq, %eq3A_1153, %eq3A_1154 : vector<128x128xi32>
    %jit3A_1156 = arith.constant 1.000000e+00 : f32
    %jit3A_1157 = arith.constant 0.000000e+00 : f32
    %broadcast_in_dim3A_1158 = vector.broadcast %jit3A_1156 : f32 to vector<128x128xf32>
    %broadcast_in_dim3A_1159 = vector.broadcast %jit3A_1157 : f32 to vector<128x128xf32>
    %select_n3A_1160 = arith.select %eq3A_1155, %broadcast_in_dim3A_1158, %broadcast_in_dim3A_1159 : vector<128x128xi1>, vector<128x128xf32>
    %reduce_sum3A_1161 = arith.constant dense<0.000000e+00> : vector<128xf32>
    %reduce_sum3A_1162 = vector.multi_reduction <add>, %select_n3A_1160, %reduce_sum3A_1161 [0] : vector<128x128xf32> to vector<128xf32>
    %broadcast_in_dim3A_1163 = vector.shape_cast %reduce_sum3A_1162 : vector<128xf32> to vector<1x128xf32>
    %add3A_1164 = arith.addf %add3A_1149, %broadcast_in_dim3A_1163 : vector<1x128xf32>
    %get3A_1165 = arith.constant 0 : index
    %get3A_1166 = arith.constant 78 : index
    %get3A_1167 = vector.load %arg0[%get3A_1165, %get3A_1166] : memref<128x128xi32, #tpu.memory_space<vmem>>, vector<128x1xi32>
    %eq3A_1168 = vector.broadcast %get3A_1167 : vector<128x1xi32> to vector<128x128xi32>
    %eq3A_1169 = vector.broadcast %iota3A : vector<1x128xi32> to vector<128x128xi32>
    %eq3A_1170 = arith.cmpi eq, %eq3A_1168, %eq3A_1169 : vector<128x128xi32>
    %jit3A_1171 = arith.constant 1.000000e+00 : f32
    %jit3A_1172 = arith.constant 0.000000e+00 : f32
    %broadcast_in_dim3A_1173 = vector.broadcast %jit3A_1171 : f32 to vector<128x128xf32>
    %broadcast_in_dim3A_1174 = vector.broadcast %jit3A_1172 : f32 to vector<128x128xf32>
    %select_n3A_1175 = arith.select %eq3A_1170, %broadcast_in_dim3A_1173, %broadcast_in_dim3A_1174 : vector<128x128xi1>, vector<128x128xf32>
    %reduce_sum3A_1176 = arith.constant dense<0.000000e+00> : vector<128xf32>
    %reduce_sum3A_1177 = vector.multi_reduction <add>, %select_n3A_1175, %reduce_sum3A_1176 [0] : vector<128x128xf32> to vector<128xf32>
    %broadcast_in_dim3A_1178 = vector.shape_cast %reduce_sum3A_1177 : vector<128xf32> to vector<1x128xf32>
    %add3A_1179 = arith.addf %add3A_1164, %broadcast_in_dim3A_1178 : vector<1x128xf32>
    %get3A_1180 = arith.constant 0 : index
    %get3A_1181 = arith.constant 79 : index
    %get3A_1182 = vector.load %arg0[%get3A_1180, %get3A_1181] : memref<128x128xi32, #tpu.memory_space<vmem>>, vector<128x1xi32>
    %eq3A_1183 = vector.broadcast %get3A_1182 : vector<128x1xi32> to vector<128x128xi32>
    %eq3A_1184 = vector.broadcast %iota3A : vector<1x128xi32> to vector<128x128xi32>
    %eq3A_1185 = arith.cmpi eq, %eq3A_1183, %eq3A_1184 : vector<128x128xi32>
    %jit3A_1186 = arith.constant 1.000000e+00 : f32
    %jit3A_1187 = arith.constant 0.000000e+00 : f32
    %broadcast_in_dim3A_1188 = vector.broadcast %jit3A_1186 : f32 to vector<128x128xf32>
    %broadcast_in_dim3A_1189 = vector.broadcast %jit3A_1187 : f32 to vector<128x128xf32>
    %select_n3A_1190 = arith.select %eq3A_1185, %broadcast_in_dim3A_1188, %broadcast_in_dim3A_1189 : vector<128x128xi1>, vector<128x128xf32>
    %reduce_sum3A_1191 = arith.constant dense<0.000000e+00> : vector<128xf32>
    %reduce_sum3A_1192 = vector.multi_reduction <add>, %select_n3A_1190, %reduce_sum3A_1191 [0] : vector<128x128xf32> to vector<128xf32>
    %broadcast_in_dim3A_1193 = vector.shape_cast %reduce_sum3A_1192 : vector<128xf32> to vector<1x128xf32>
    %add3A_1194 = arith.addf %add3A_1179, %broadcast_in_dim3A_1193 : vector<1x128xf32>
    %get3A_1195 = arith.constant 0 : index
    %get3A_1196 = arith.constant 80 : index
    %get3A_1197 = vector.load %arg0[%get3A_1195, %get3A_1196] : memref<128x128xi32, #tpu.memory_space<vmem>>, vector<128x1xi32>
    %eq3A_1198 = vector.broadcast %get3A_1197 : vector<128x1xi32> to vector<128x128xi32>
    %eq3A_1199 = vector.broadcast %iota3A : vector<1x128xi32> to vector<128x128xi32>
    %eq3A_1200 = arith.cmpi eq, %eq3A_1198, %eq3A_1199 : vector<128x128xi32>
    %jit3A_1201 = arith.constant 1.000000e+00 : f32
    %jit3A_1202 = arith.constant 0.000000e+00 : f32
    %broadcast_in_dim3A_1203 = vector.broadcast %jit3A_1201 : f32 to vector<128x128xf32>
    %broadcast_in_dim3A_1204 = vector.broadcast %jit3A_1202 : f32 to vector<128x128xf32>
    %select_n3A_1205 = arith.select %eq3A_1200, %broadcast_in_dim3A_1203, %broadcast_in_dim3A_1204 : vector<128x128xi1>, vector<128x128xf32>
    %reduce_sum3A_1206 = arith.constant dense<0.000000e+00> : vector<128xf32>
    %reduce_sum3A_1207 = vector.multi_reduction <add>, %select_n3A_1205, %reduce_sum3A_1206 [0] : vector<128x128xf32> to vector<128xf32>
    %broadcast_in_dim3A_1208 = vector.shape_cast %reduce_sum3A_1207 : vector<128xf32> to vector<1x128xf32>
    %add3A_1209 = arith.addf %add3A_1194, %broadcast_in_dim3A_1208 : vector<1x128xf32>
    %get3A_1210 = arith.constant 0 : index
    %get3A_1211 = arith.constant 81 : index
    %get3A_1212 = vector.load %arg0[%get3A_1210, %get3A_1211] : memref<128x128xi32, #tpu.memory_space<vmem>>, vector<128x1xi32>
    %eq3A_1213 = vector.broadcast %get3A_1212 : vector<128x1xi32> to vector<128x128xi32>
    %eq3A_1214 = vector.broadcast %iota3A : vector<1x128xi32> to vector<128x128xi32>
    %eq3A_1215 = arith.cmpi eq, %eq3A_1213, %eq3A_1214 : vector<128x128xi32>
    %jit3A_1216 = arith.constant 1.000000e+00 : f32
    %jit3A_1217 = arith.constant 0.000000e+00 : f32
    %broadcast_in_dim3A_1218 = vector.broadcast %jit3A_1216 : f32 to vector<128x128xf32>
    %broadcast_in_dim3A_1219 = vector.broadcast %jit3A_1217 : f32 to vector<128x128xf32>
    %select_n3A_1220 = arith.select %eq3A_1215, %broadcast_in_dim3A_1218, %broadcast_in_dim3A_1219 : vector<128x128xi1>, vector<128x128xf32>
    %reduce_sum3A_1221 = arith.constant dense<0.000000e+00> : vector<128xf32>
    %reduce_sum3A_1222 = vector.multi_reduction <add>, %select_n3A_1220, %reduce_sum3A_1221 [0] : vector<128x128xf32> to vector<128xf32>
    %broadcast_in_dim3A_1223 = vector.shape_cast %reduce_sum3A_1222 : vector<128xf32> to vector<1x128xf32>
    %add3A_1224 = arith.addf %add3A_1209, %broadcast_in_dim3A_1223 : vector<1x128xf32>
    %get3A_1225 = arith.constant 0 : index
    %get3A_1226 = arith.constant 82 : index
    %get3A_1227 = vector.load %arg0[%get3A_1225, %get3A_1226] : memref<128x128xi32, #tpu.memory_space<vmem>>, vector<128x1xi32>
    %eq3A_1228 = vector.broadcast %get3A_1227 : vector<128x1xi32> to vector<128x128xi32>
    %eq3A_1229 = vector.broadcast %iota3A : vector<1x128xi32> to vector<128x128xi32>
    %eq3A_1230 = arith.cmpi eq, %eq3A_1228, %eq3A_1229 : vector<128x128xi32>
    %jit3A_1231 = arith.constant 1.000000e+00 : f32
    %jit3A_1232 = arith.constant 0.000000e+00 : f32
    %broadcast_in_dim3A_1233 = vector.broadcast %jit3A_1231 : f32 to vector<128x128xf32>
    %broadcast_in_dim3A_1234 = vector.broadcast %jit3A_1232 : f32 to vector<128x128xf32>
    %select_n3A_1235 = arith.select %eq3A_1230, %broadcast_in_dim3A_1233, %broadcast_in_dim3A_1234 : vector<128x128xi1>, vector<128x128xf32>
    %reduce_sum3A_1236 = arith.constant dense<0.000000e+00> : vector<128xf32>
    %reduce_sum3A_1237 = vector.multi_reduction <add>, %select_n3A_1235, %reduce_sum3A_1236 [0] : vector<128x128xf32> to vector<128xf32>
    %broadcast_in_dim3A_1238 = vector.shape_cast %reduce_sum3A_1237 : vector<128xf32> to vector<1x128xf32>
    %add3A_1239 = arith.addf %add3A_1224, %broadcast_in_dim3A_1238 : vector<1x128xf32>
    %get3A_1240 = arith.constant 0 : index
    %get3A_1241 = arith.constant 83 : index
    %get3A_1242 = vector.load %arg0[%get3A_1240, %get3A_1241] : memref<128x128xi32, #tpu.memory_space<vmem>>, vector<128x1xi32>
    %eq3A_1243 = vector.broadcast %get3A_1242 : vector<128x1xi32> to vector<128x128xi32>
    %eq3A_1244 = vector.broadcast %iota3A : vector<1x128xi32> to vector<128x128xi32>
    %eq3A_1245 = arith.cmpi eq, %eq3A_1243, %eq3A_1244 : vector<128x128xi32>
    %jit3A_1246 = arith.constant 1.000000e+00 : f32
    %jit3A_1247 = arith.constant 0.000000e+00 : f32
    %broadcast_in_dim3A_1248 = vector.broadcast %jit3A_1246 : f32 to vector<128x128xf32>
    %broadcast_in_dim3A_1249 = vector.broadcast %jit3A_1247 : f32 to vector<128x128xf32>
    %select_n3A_1250 = arith.select %eq3A_1245, %broadcast_in_dim3A_1248, %broadcast_in_dim3A_1249 : vector<128x128xi1>, vector<128x128xf32>
    %reduce_sum3A_1251 = arith.constant dense<0.000000e+00> : vector<128xf32>
    %reduce_sum3A_1252 = vector.multi_reduction <add>, %select_n3A_1250, %reduce_sum3A_1251 [0] : vector<128x128xf32> to vector<128xf32>
    %broadcast_in_dim3A_1253 = vector.shape_cast %reduce_sum3A_1252 : vector<128xf32> to vector<1x128xf32>
    %add3A_1254 = arith.addf %add3A_1239, %broadcast_in_dim3A_1253 : vector<1x128xf32>
    %get3A_1255 = arith.constant 0 : index
    %get3A_1256 = arith.constant 84 : index
    %get3A_1257 = vector.load %arg0[%get3A_1255, %get3A_1256] : memref<128x128xi32, #tpu.memory_space<vmem>>, vector<128x1xi32>
    %eq3A_1258 = vector.broadcast %get3A_1257 : vector<128x1xi32> to vector<128x128xi32>
    %eq3A_1259 = vector.broadcast %iota3A : vector<1x128xi32> to vector<128x128xi32>
    %eq3A_1260 = arith.cmpi eq, %eq3A_1258, %eq3A_1259 : vector<128x128xi32>
    %jit3A_1261 = arith.constant 1.000000e+00 : f32
    %jit3A_1262 = arith.constant 0.000000e+00 : f32
    %broadcast_in_dim3A_1263 = vector.broadcast %jit3A_1261 : f32 to vector<128x128xf32>
    %broadcast_in_dim3A_1264 = vector.broadcast %jit3A_1262 : f32 to vector<128x128xf32>
    %select_n3A_1265 = arith.select %eq3A_1260, %broadcast_in_dim3A_1263, %broadcast_in_dim3A_1264 : vector<128x128xi1>, vector<128x128xf32>
    %reduce_sum3A_1266 = arith.constant dense<0.000000e+00> : vector<128xf32>
    %reduce_sum3A_1267 = vector.multi_reduction <add>, %select_n3A_1265, %reduce_sum3A_1266 [0] : vector<128x128xf32> to vector<128xf32>
    %broadcast_in_dim3A_1268 = vector.shape_cast %reduce_sum3A_1267 : vector<128xf32> to vector<1x128xf32>
    %add3A_1269 = arith.addf %add3A_1254, %broadcast_in_dim3A_1268 : vector<1x128xf32>
    %get3A_1270 = arith.constant 0 : index
    %get3A_1271 = arith.constant 85 : index
    %get3A_1272 = vector.load %arg0[%get3A_1270, %get3A_1271] : memref<128x128xi32, #tpu.memory_space<vmem>>, vector<128x1xi32>
    %eq3A_1273 = vector.broadcast %get3A_1272 : vector<128x1xi32> to vector<128x128xi32>
    %eq3A_1274 = vector.broadcast %iota3A : vector<1x128xi32> to vector<128x128xi32>
    %eq3A_1275 = arith.cmpi eq, %eq3A_1273, %eq3A_1274 : vector<128x128xi32>
    %jit3A_1276 = arith.constant 1.000000e+00 : f32
    %jit3A_1277 = arith.constant 0.000000e+00 : f32
    %broadcast_in_dim3A_1278 = vector.broadcast %jit3A_1276 : f32 to vector<128x128xf32>
    %broadcast_in_dim3A_1279 = vector.broadcast %jit3A_1277 : f32 to vector<128x128xf32>
    %select_n3A_1280 = arith.select %eq3A_1275, %broadcast_in_dim3A_1278, %broadcast_in_dim3A_1279 : vector<128x128xi1>, vector<128x128xf32>
    %reduce_sum3A_1281 = arith.constant dense<0.000000e+00> : vector<128xf32>
    %reduce_sum3A_1282 = vector.multi_reduction <add>, %select_n3A_1280, %reduce_sum3A_1281 [0] : vector<128x128xf32> to vector<128xf32>
    %broadcast_in_dim3A_1283 = vector.shape_cast %reduce_sum3A_1282 : vector<128xf32> to vector<1x128xf32>
    %add3A_1284 = arith.addf %add3A_1269, %broadcast_in_dim3A_1283 : vector<1x128xf32>
    %get3A_1285 = arith.constant 0 : index
    %get3A_1286 = arith.constant 86 : index
    %get3A_1287 = vector.load %arg0[%get3A_1285, %get3A_1286] : memref<128x128xi32, #tpu.memory_space<vmem>>, vector<128x1xi32>
    %eq3A_1288 = vector.broadcast %get3A_1287 : vector<128x1xi32> to vector<128x128xi32>
    %eq3A_1289 = vector.broadcast %iota3A : vector<1x128xi32> to vector<128x128xi32>
    %eq3A_1290 = arith.cmpi eq, %eq3A_1288, %eq3A_1289 : vector<128x128xi32>
    %jit3A_1291 = arith.constant 1.000000e+00 : f32
    %jit3A_1292 = arith.constant 0.000000e+00 : f32
    %broadcast_in_dim3A_1293 = vector.broadcast %jit3A_1291 : f32 to vector<128x128xf32>
    %broadcast_in_dim3A_1294 = vector.broadcast %jit3A_1292 : f32 to vector<128x128xf32>
    %select_n3A_1295 = arith.select %eq3A_1290, %broadcast_in_dim3A_1293, %broadcast_in_dim3A_1294 : vector<128x128xi1>, vector<128x128xf32>
    %reduce_sum3A_1296 = arith.constant dense<0.000000e+00> : vector<128xf32>
    %reduce_sum3A_1297 = vector.multi_reduction <add>, %select_n3A_1295, %reduce_sum3A_1296 [0] : vector<128x128xf32> to vector<128xf32>
    %broadcast_in_dim3A_1298 = vector.shape_cast %reduce_sum3A_1297 : vector<128xf32> to vector<1x128xf32>
    %add3A_1299 = arith.addf %add3A_1284, %broadcast_in_dim3A_1298 : vector<1x128xf32>
    %get3A_1300 = arith.constant 0 : index
    %get3A_1301 = arith.constant 87 : index
    %get3A_1302 = vector.load %arg0[%get3A_1300, %get3A_1301] : memref<128x128xi32, #tpu.memory_space<vmem>>, vector<128x1xi32>
    %eq3A_1303 = vector.broadcast %get3A_1302 : vector<128x1xi32> to vector<128x128xi32>
    %eq3A_1304 = vector.broadcast %iota3A : vector<1x128xi32> to vector<128x128xi32>
    %eq3A_1305 = arith.cmpi eq, %eq3A_1303, %eq3A_1304 : vector<128x128xi32>
    %jit3A_1306 = arith.constant 1.000000e+00 : f32
    %jit3A_1307 = arith.constant 0.000000e+00 : f32
    %broadcast_in_dim3A_1308 = vector.broadcast %jit3A_1306 : f32 to vector<128x128xf32>
    %broadcast_in_dim3A_1309 = vector.broadcast %jit3A_1307 : f32 to vector<128x128xf32>
    %select_n3A_1310 = arith.select %eq3A_1305, %broadcast_in_dim3A_1308, %broadcast_in_dim3A_1309 : vector<128x128xi1>, vector<128x128xf32>
    %reduce_sum3A_1311 = arith.constant dense<0.000000e+00> : vector<128xf32>
    %reduce_sum3A_1312 = vector.multi_reduction <add>, %select_n3A_1310, %reduce_sum3A_1311 [0] : vector<128x128xf32> to vector<128xf32>
    %broadcast_in_dim3A_1313 = vector.shape_cast %reduce_sum3A_1312 : vector<128xf32> to vector<1x128xf32>
    %add3A_1314 = arith.addf %add3A_1299, %broadcast_in_dim3A_1313 : vector<1x128xf32>
    %get3A_1315 = arith.constant 0 : index
    %get3A_1316 = arith.constant 88 : index
    %get3A_1317 = vector.load %arg0[%get3A_1315, %get3A_1316] : memref<128x128xi32, #tpu.memory_space<vmem>>, vector<128x1xi32>
    %eq3A_1318 = vector.broadcast %get3A_1317 : vector<128x1xi32> to vector<128x128xi32>
    %eq3A_1319 = vector.broadcast %iota3A : vector<1x128xi32> to vector<128x128xi32>
    %eq3A_1320 = arith.cmpi eq, %eq3A_1318, %eq3A_1319 : vector<128x128xi32>
    %jit3A_1321 = arith.constant 1.000000e+00 : f32
    %jit3A_1322 = arith.constant 0.000000e+00 : f32
    %broadcast_in_dim3A_1323 = vector.broadcast %jit3A_1321 : f32 to vector<128x128xf32>
    %broadcast_in_dim3A_1324 = vector.broadcast %jit3A_1322 : f32 to vector<128x128xf32>
    %select_n3A_1325 = arith.select %eq3A_1320, %broadcast_in_dim3A_1323, %broadcast_in_dim3A_1324 : vector<128x128xi1>, vector<128x128xf32>
    %reduce_sum3A_1326 = arith.constant dense<0.000000e+00> : vector<128xf32>
    %reduce_sum3A_1327 = vector.multi_reduction <add>, %select_n3A_1325, %reduce_sum3A_1326 [0] : vector<128x128xf32> to vector<128xf32>
    %broadcast_in_dim3A_1328 = vector.shape_cast %reduce_sum3A_1327 : vector<128xf32> to vector<1x128xf32>
    %add3A_1329 = arith.addf %add3A_1314, %broadcast_in_dim3A_1328 : vector<1x128xf32>
    %get3A_1330 = arith.constant 0 : index
    %get3A_1331 = arith.constant 89 : index
    %get3A_1332 = vector.load %arg0[%get3A_1330, %get3A_1331] : memref<128x128xi32, #tpu.memory_space<vmem>>, vector<128x1xi32>
    %eq3A_1333 = vector.broadcast %get3A_1332 : vector<128x1xi32> to vector<128x128xi32>
    %eq3A_1334 = vector.broadcast %iota3A : vector<1x128xi32> to vector<128x128xi32>
    %eq3A_1335 = arith.cmpi eq, %eq3A_1333, %eq3A_1334 : vector<128x128xi32>
    %jit3A_1336 = arith.constant 1.000000e+00 : f32
    %jit3A_1337 = arith.constant 0.000000e+00 : f32
    %broadcast_in_dim3A_1338 = vector.broadcast %jit3A_1336 : f32 to vector<128x128xf32>
    %broadcast_in_dim3A_1339 = vector.broadcast %jit3A_1337 : f32 to vector<128x128xf32>
    %select_n3A_1340 = arith.select %eq3A_1335, %broadcast_in_dim3A_1338, %broadcast_in_dim3A_1339 : vector<128x128xi1>, vector<128x128xf32>
    %reduce_sum3A_1341 = arith.constant dense<0.000000e+00> : vector<128xf32>
    %reduce_sum3A_1342 = vector.multi_reduction <add>, %select_n3A_1340, %reduce_sum3A_1341 [0] : vector<128x128xf32> to vector<128xf32>
    %broadcast_in_dim3A_1343 = vector.shape_cast %reduce_sum3A_1342 : vector<128xf32> to vector<1x128xf32>
    %add3A_1344 = arith.addf %add3A_1329, %broadcast_in_dim3A_1343 : vector<1x128xf32>
    %get3A_1345 = arith.constant 0 : index
    %get3A_1346 = arith.constant 90 : index
    %get3A_1347 = vector.load %arg0[%get3A_1345, %get3A_1346] : memref<128x128xi32, #tpu.memory_space<vmem>>, vector<128x1xi32>
    %eq3A_1348 = vector.broadcast %get3A_1347 : vector<128x1xi32> to vector<128x128xi32>
    %eq3A_1349 = vector.broadcast %iota3A : vector<1x128xi32> to vector<128x128xi32>
    %eq3A_1350 = arith.cmpi eq, %eq3A_1348, %eq3A_1349 : vector<128x128xi32>
    %jit3A_1351 = arith.constant 1.000000e+00 : f32
    %jit3A_1352 = arith.constant 0.000000e+00 : f32
    %broadcast_in_dim3A_1353 = vector.broadcast %jit3A_1351 : f32 to vector<128x128xf32>
    %broadcast_in_dim3A_1354 = vector.broadcast %jit3A_1352 : f32 to vector<128x128xf32>
    %select_n3A_1355 = arith.select %eq3A_1350, %broadcast_in_dim3A_1353, %broadcast_in_dim3A_1354 : vector<128x128xi1>, vector<128x128xf32>
    %reduce_sum3A_1356 = arith.constant dense<0.000000e+00> : vector<128xf32>
    %reduce_sum3A_1357 = vector.multi_reduction <add>, %select_n3A_1355, %reduce_sum3A_1356 [0] : vector<128x128xf32> to vector<128xf32>
    %broadcast_in_dim3A_1358 = vector.shape_cast %reduce_sum3A_1357 : vector<128xf32> to vector<1x128xf32>
    %add3A_1359 = arith.addf %add3A_1344, %broadcast_in_dim3A_1358 : vector<1x128xf32>
    %get3A_1360 = arith.constant 0 : index
    %get3A_1361 = arith.constant 91 : index
    %get3A_1362 = vector.load %arg0[%get3A_1360, %get3A_1361] : memref<128x128xi32, #tpu.memory_space<vmem>>, vector<128x1xi32>
    %eq3A_1363 = vector.broadcast %get3A_1362 : vector<128x1xi32> to vector<128x128xi32>
    %eq3A_1364 = vector.broadcast %iota3A : vector<1x128xi32> to vector<128x128xi32>
    %eq3A_1365 = arith.cmpi eq, %eq3A_1363, %eq3A_1364 : vector<128x128xi32>
    %jit3A_1366 = arith.constant 1.000000e+00 : f32
    %jit3A_1367 = arith.constant 0.000000e+00 : f32
    %broadcast_in_dim3A_1368 = vector.broadcast %jit3A_1366 : f32 to vector<128x128xf32>
    %broadcast_in_dim3A_1369 = vector.broadcast %jit3A_1367 : f32 to vector<128x128xf32>
    %select_n3A_1370 = arith.select %eq3A_1365, %broadcast_in_dim3A_1368, %broadcast_in_dim3A_1369 : vector<128x128xi1>, vector<128x128xf32>
    %reduce_sum3A_1371 = arith.constant dense<0.000000e+00> : vector<128xf32>
    %reduce_sum3A_1372 = vector.multi_reduction <add>, %select_n3A_1370, %reduce_sum3A_1371 [0] : vector<128x128xf32> to vector<128xf32>
    %broadcast_in_dim3A_1373 = vector.shape_cast %reduce_sum3A_1372 : vector<128xf32> to vector<1x128xf32>
    %add3A_1374 = arith.addf %add3A_1359, %broadcast_in_dim3A_1373 : vector<1x128xf32>
    %get3A_1375 = arith.constant 0 : index
    %get3A_1376 = arith.constant 92 : index
    %get3A_1377 = vector.load %arg0[%get3A_1375, %get3A_1376] : memref<128x128xi32, #tpu.memory_space<vmem>>, vector<128x1xi32>
    %eq3A_1378 = vector.broadcast %get3A_1377 : vector<128x1xi32> to vector<128x128xi32>
    %eq3A_1379 = vector.broadcast %iota3A : vector<1x128xi32> to vector<128x128xi32>
    %eq3A_1380 = arith.cmpi eq, %eq3A_1378, %eq3A_1379 : vector<128x128xi32>
    %jit3A_1381 = arith.constant 1.000000e+00 : f32
    %jit3A_1382 = arith.constant 0.000000e+00 : f32
    %broadcast_in_dim3A_1383 = vector.broadcast %jit3A_1381 : f32 to vector<128x128xf32>
    %broadcast_in_dim3A_1384 = vector.broadcast %jit3A_1382 : f32 to vector<128x128xf32>
    %select_n3A_1385 = arith.select %eq3A_1380, %broadcast_in_dim3A_1383, %broadcast_in_dim3A_1384 : vector<128x128xi1>, vector<128x128xf32>
    %reduce_sum3A_1386 = arith.constant dense<0.000000e+00> : vector<128xf32>
    %reduce_sum3A_1387 = vector.multi_reduction <add>, %select_n3A_1385, %reduce_sum3A_1386 [0] : vector<128x128xf32> to vector<128xf32>
    %broadcast_in_dim3A_1388 = vector.shape_cast %reduce_sum3A_1387 : vector<128xf32> to vector<1x128xf32>
    %add3A_1389 = arith.addf %add3A_1374, %broadcast_in_dim3A_1388 : vector<1x128xf32>
    %get3A_1390 = arith.constant 0 : index
    %get3A_1391 = arith.constant 93 : index
    %get3A_1392 = vector.load %arg0[%get3A_1390, %get3A_1391] : memref<128x128xi32, #tpu.memory_space<vmem>>, vector<128x1xi32>
    %eq3A_1393 = vector.broadcast %get3A_1392 : vector<128x1xi32> to vector<128x128xi32>
    %eq3A_1394 = vector.broadcast %iota3A : vector<1x128xi32> to vector<128x128xi32>
    %eq3A_1395 = arith.cmpi eq, %eq3A_1393, %eq3A_1394 : vector<128x128xi32>
    %jit3A_1396 = arith.constant 1.000000e+00 : f32
    %jit3A_1397 = arith.constant 0.000000e+00 : f32
    %broadcast_in_dim3A_1398 = vector.broadcast %jit3A_1396 : f32 to vector<128x128xf32>
    %broadcast_in_dim3A_1399 = vector.broadcast %jit3A_1397 : f32 to vector<128x128xf32>
    %select_n3A_1400 = arith.select %eq3A_1395, %broadcast_in_dim3A_1398, %broadcast_in_dim3A_1399 : vector<128x128xi1>, vector<128x128xf32>
    %reduce_sum3A_1401 = arith.constant dense<0.000000e+00> : vector<128xf32>
    %reduce_sum3A_1402 = vector.multi_reduction <add>, %select_n3A_1400, %reduce_sum3A_1401 [0] : vector<128x128xf32> to vector<128xf32>
    %broadcast_in_dim3A_1403 = vector.shape_cast %reduce_sum3A_1402 : vector<128xf32> to vector<1x128xf32>
    %add3A_1404 = arith.addf %add3A_1389, %broadcast_in_dim3A_1403 : vector<1x128xf32>
    %get3A_1405 = arith.constant 0 : index
    %get3A_1406 = arith.constant 94 : index
    %get3A_1407 = vector.load %arg0[%get3A_1405, %get3A_1406] : memref<128x128xi32, #tpu.memory_space<vmem>>, vector<128x1xi32>
    %eq3A_1408 = vector.broadcast %get3A_1407 : vector<128x1xi32> to vector<128x128xi32>
    %eq3A_1409 = vector.broadcast %iota3A : vector<1x128xi32> to vector<128x128xi32>
    %eq3A_1410 = arith.cmpi eq, %eq3A_1408, %eq3A_1409 : vector<128x128xi32>
    %jit3A_1411 = arith.constant 1.000000e+00 : f32
    %jit3A_1412 = arith.constant 0.000000e+00 : f32
    %broadcast_in_dim3A_1413 = vector.broadcast %jit3A_1411 : f32 to vector<128x128xf32>
    %broadcast_in_dim3A_1414 = vector.broadcast %jit3A_1412 : f32 to vector<128x128xf32>
    %select_n3A_1415 = arith.select %eq3A_1410, %broadcast_in_dim3A_1413, %broadcast_in_dim3A_1414 : vector<128x128xi1>, vector<128x128xf32>
    %reduce_sum3A_1416 = arith.constant dense<0.000000e+00> : vector<128xf32>
    %reduce_sum3A_1417 = vector.multi_reduction <add>, %select_n3A_1415, %reduce_sum3A_1416 [0] : vector<128x128xf32> to vector<128xf32>
    %broadcast_in_dim3A_1418 = vector.shape_cast %reduce_sum3A_1417 : vector<128xf32> to vector<1x128xf32>
    %add3A_1419 = arith.addf %add3A_1404, %broadcast_in_dim3A_1418 : vector<1x128xf32>
    %get3A_1420 = arith.constant 0 : index
    %get3A_1421 = arith.constant 95 : index
    %get3A_1422 = vector.load %arg0[%get3A_1420, %get3A_1421] : memref<128x128xi32, #tpu.memory_space<vmem>>, vector<128x1xi32>
    %eq3A_1423 = vector.broadcast %get3A_1422 : vector<128x1xi32> to vector<128x128xi32>
    %eq3A_1424 = vector.broadcast %iota3A : vector<1x128xi32> to vector<128x128xi32>
    %eq3A_1425 = arith.cmpi eq, %eq3A_1423, %eq3A_1424 : vector<128x128xi32>
    %jit3A_1426 = arith.constant 1.000000e+00 : f32
    %jit3A_1427 = arith.constant 0.000000e+00 : f32
    %broadcast_in_dim3A_1428 = vector.broadcast %jit3A_1426 : f32 to vector<128x128xf32>
    %broadcast_in_dim3A_1429 = vector.broadcast %jit3A_1427 : f32 to vector<128x128xf32>
    %select_n3A_1430 = arith.select %eq3A_1425, %broadcast_in_dim3A_1428, %broadcast_in_dim3A_1429 : vector<128x128xi1>, vector<128x128xf32>
    %reduce_sum3A_1431 = arith.constant dense<0.000000e+00> : vector<128xf32>
    %reduce_sum3A_1432 = vector.multi_reduction <add>, %select_n3A_1430, %reduce_sum3A_1431 [0] : vector<128x128xf32> to vector<128xf32>
    %broadcast_in_dim3A_1433 = vector.shape_cast %reduce_sum3A_1432 : vector<128xf32> to vector<1x128xf32>
    %add3A_1434 = arith.addf %add3A_1419, %broadcast_in_dim3A_1433 : vector<1x128xf32>
    %get3A_1435 = arith.constant 0 : index
    %get3A_1436 = arith.constant 96 : index
    %get3A_1437 = vector.load %arg0[%get3A_1435, %get3A_1436] : memref<128x128xi32, #tpu.memory_space<vmem>>, vector<128x1xi32>
    %eq3A_1438 = vector.broadcast %get3A_1437 : vector<128x1xi32> to vector<128x128xi32>
    %eq3A_1439 = vector.broadcast %iota3A : vector<1x128xi32> to vector<128x128xi32>
    %eq3A_1440 = arith.cmpi eq, %eq3A_1438, %eq3A_1439 : vector<128x128xi32>
    %jit3A_1441 = arith.constant 1.000000e+00 : f32
    %jit3A_1442 = arith.constant 0.000000e+00 : f32
    %broadcast_in_dim3A_1443 = vector.broadcast %jit3A_1441 : f32 to vector<128x128xf32>
    %broadcast_in_dim3A_1444 = vector.broadcast %jit3A_1442 : f32 to vector<128x128xf32>
    %select_n3A_1445 = arith.select %eq3A_1440, %broadcast_in_dim3A_1443, %broadcast_in_dim3A_1444 : vector<128x128xi1>, vector<128x128xf32>
    %reduce_sum3A_1446 = arith.constant dense<0.000000e+00> : vector<128xf32>
    %reduce_sum3A_1447 = vector.multi_reduction <add>, %select_n3A_1445, %reduce_sum3A_1446 [0] : vector<128x128xf32> to vector<128xf32>
    %broadcast_in_dim3A_1448 = vector.shape_cast %reduce_sum3A_1447 : vector<128xf32> to vector<1x128xf32>
    %add3A_1449 = arith.addf %add3A_1434, %broadcast_in_dim3A_1448 : vector<1x128xf32>
    %get3A_1450 = arith.constant 0 : index
    %get3A_1451 = arith.constant 97 : index
    %get3A_1452 = vector.load %arg0[%get3A_1450, %get3A_1451] : memref<128x128xi32, #tpu.memory_space<vmem>>, vector<128x1xi32>
    %eq3A_1453 = vector.broadcast %get3A_1452 : vector<128x1xi32> to vector<128x128xi32>
    %eq3A_1454 = vector.broadcast %iota3A : vector<1x128xi32> to vector<128x128xi32>
    %eq3A_1455 = arith.cmpi eq, %eq3A_1453, %eq3A_1454 : vector<128x128xi32>
    %jit3A_1456 = arith.constant 1.000000e+00 : f32
    %jit3A_1457 = arith.constant 0.000000e+00 : f32
    %broadcast_in_dim3A_1458 = vector.broadcast %jit3A_1456 : f32 to vector<128x128xf32>
    %broadcast_in_dim3A_1459 = vector.broadcast %jit3A_1457 : f32 to vector<128x128xf32>
    %select_n3A_1460 = arith.select %eq3A_1455, %broadcast_in_dim3A_1458, %broadcast_in_dim3A_1459 : vector<128x128xi1>, vector<128x128xf32>
    %reduce_sum3A_1461 = arith.constant dense<0.000000e+00> : vector<128xf32>
    %reduce_sum3A_1462 = vector.multi_reduction <add>, %select_n3A_1460, %reduce_sum3A_1461 [0] : vector<128x128xf32> to vector<128xf32>
    %broadcast_in_dim3A_1463 = vector.shape_cast %reduce_sum3A_1462 : vector<128xf32> to vector<1x128xf32>
    %add3A_1464 = arith.addf %add3A_1449, %broadcast_in_dim3A_1463 : vector<1x128xf32>
    %get3A_1465 = arith.constant 0 : index
    %get3A_1466 = arith.constant 98 : index
    %get3A_1467 = vector.load %arg0[%get3A_1465, %get3A_1466] : memref<128x128xi32, #tpu.memory_space<vmem>>, vector<128x1xi32>
    %eq3A_1468 = vector.broadcast %get3A_1467 : vector<128x1xi32> to vector<128x128xi32>
    %eq3A_1469 = vector.broadcast %iota3A : vector<1x128xi32> to vector<128x128xi32>
    %eq3A_1470 = arith.cmpi eq, %eq3A_1468, %eq3A_1469 : vector<128x128xi32>
    %jit3A_1471 = arith.constant 1.000000e+00 : f32
    %jit3A_1472 = arith.constant 0.000000e+00 : f32
    %broadcast_in_dim3A_1473 = vector.broadcast %jit3A_1471 : f32 to vector<128x128xf32>
    %broadcast_in_dim3A_1474 = vector.broadcast %jit3A_1472 : f32 to vector<128x128xf32>
    %select_n3A_1475 = arith.select %eq3A_1470, %broadcast_in_dim3A_1473, %broadcast_in_dim3A_1474 : vector<128x128xi1>, vector<128x128xf32>
    %reduce_sum3A_1476 = arith.constant dense<0.000000e+00> : vector<128xf32>
    %reduce_sum3A_1477 = vector.multi_reduction <add>, %select_n3A_1475, %reduce_sum3A_1476 [0] : vector<128x128xf32> to vector<128xf32>
    %broadcast_in_dim3A_1478 = vector.shape_cast %reduce_sum3A_1477 : vector<128xf32> to vector<1x128xf32>
    %add3A_1479 = arith.addf %add3A_1464, %broadcast_in_dim3A_1478 : vector<1x128xf32>
    %get3A_1480 = arith.constant 0 : index
    %get3A_1481 = arith.constant 99 : index
    %get3A_1482 = vector.load %arg0[%get3A_1480, %get3A_1481] : memref<128x128xi32, #tpu.memory_space<vmem>>, vector<128x1xi32>
    %eq3A_1483 = vector.broadcast %get3A_1482 : vector<128x1xi32> to vector<128x128xi32>
    %eq3A_1484 = vector.broadcast %iota3A : vector<1x128xi32> to vector<128x128xi32>
    %eq3A_1485 = arith.cmpi eq, %eq3A_1483, %eq3A_1484 : vector<128x128xi32>
    %jit3A_1486 = arith.constant 1.000000e+00 : f32
    %jit3A_1487 = arith.constant 0.000000e+00 : f32
    %broadcast_in_dim3A_1488 = vector.broadcast %jit3A_1486 : f32 to vector<128x128xf32>
    %broadcast_in_dim3A_1489 = vector.broadcast %jit3A_1487 : f32 to vector<128x128xf32>
    %select_n3A_1490 = arith.select %eq3A_1485, %broadcast_in_dim3A_1488, %broadcast_in_dim3A_1489 : vector<128x128xi1>, vector<128x128xf32>
    %reduce_sum3A_1491 = arith.constant dense<0.000000e+00> : vector<128xf32>
    %reduce_sum3A_1492 = vector.multi_reduction <add>, %select_n3A_1490, %reduce_sum3A_1491 [0] : vector<128x128xf32> to vector<128xf32>
    %broadcast_in_dim3A_1493 = vector.shape_cast %reduce_sum3A_1492 : vector<128xf32> to vector<1x128xf32>
    %add3A_1494 = arith.addf %add3A_1479, %broadcast_in_dim3A_1493 : vector<1x128xf32>
    %get3A_1495 = arith.constant 0 : index
    %get3A_1496 = arith.constant 100 : index
    %get3A_1497 = vector.load %arg0[%get3A_1495, %get3A_1496] : memref<128x128xi32, #tpu.memory_space<vmem>>, vector<128x1xi32>
    %eq3A_1498 = vector.broadcast %get3A_1497 : vector<128x1xi32> to vector<128x128xi32>
    %eq3A_1499 = vector.broadcast %iota3A : vector<1x128xi32> to vector<128x128xi32>
    %eq3A_1500 = arith.cmpi eq, %eq3A_1498, %eq3A_1499 : vector<128x128xi32>
    %jit3A_1501 = arith.constant 1.000000e+00 : f32
    %jit3A_1502 = arith.constant 0.000000e+00 : f32
    %broadcast_in_dim3A_1503 = vector.broadcast %jit3A_1501 : f32 to vector<128x128xf32>
    %broadcast_in_dim3A_1504 = vector.broadcast %jit3A_1502 : f32 to vector<128x128xf32>
    %select_n3A_1505 = arith.select %eq3A_1500, %broadcast_in_dim3A_1503, %broadcast_in_dim3A_1504 : vector<128x128xi1>, vector<128x128xf32>
    %reduce_sum3A_1506 = arith.constant dense<0.000000e+00> : vector<128xf32>
    %reduce_sum3A_1507 = vector.multi_reduction <add>, %select_n3A_1505, %reduce_sum3A_1506 [0] : vector<128x128xf32> to vector<128xf32>
    %broadcast_in_dim3A_1508 = vector.shape_cast %reduce_sum3A_1507 : vector<128xf32> to vector<1x128xf32>
    %add3A_1509 = arith.addf %add3A_1494, %broadcast_in_dim3A_1508 : vector<1x128xf32>
    %get3A_1510 = arith.constant 0 : index
    %get3A_1511 = arith.constant 101 : index
    %get3A_1512 = vector.load %arg0[%get3A_1510, %get3A_1511] : memref<128x128xi32, #tpu.memory_space<vmem>>, vector<128x1xi32>
    %eq3A_1513 = vector.broadcast %get3A_1512 : vector<128x1xi32> to vector<128x128xi32>
    %eq3A_1514 = vector.broadcast %iota3A : vector<1x128xi32> to vector<128x128xi32>
    %eq3A_1515 = arith.cmpi eq, %eq3A_1513, %eq3A_1514 : vector<128x128xi32>
    %jit3A_1516 = arith.constant 1.000000e+00 : f32
    %jit3A_1517 = arith.constant 0.000000e+00 : f32
    %broadcast_in_dim3A_1518 = vector.broadcast %jit3A_1516 : f32 to vector<128x128xf32>
    %broadcast_in_dim3A_1519 = vector.broadcast %jit3A_1517 : f32 to vector<128x128xf32>
    %select_n3A_1520 = arith.select %eq3A_1515, %broadcast_in_dim3A_1518, %broadcast_in_dim3A_1519 : vector<128x128xi1>, vector<128x128xf32>
    %reduce_sum3A_1521 = arith.constant dense<0.000000e+00> : vector<128xf32>
    %reduce_sum3A_1522 = vector.multi_reduction <add>, %select_n3A_1520, %reduce_sum3A_1521 [0] : vector<128x128xf32> to vector<128xf32>
    %broadcast_in_dim3A_1523 = vector.shape_cast %reduce_sum3A_1522 : vector<128xf32> to vector<1x128xf32>
    %add3A_1524 = arith.addf %add3A_1509, %broadcast_in_dim3A_1523 : vector<1x128xf32>
    %get3A_1525 = arith.constant 0 : index
    %get3A_1526 = arith.constant 102 : index
    %get3A_1527 = vector.load %arg0[%get3A_1525, %get3A_1526] : memref<128x128xi32, #tpu.memory_space<vmem>>, vector<128x1xi32>
    %eq3A_1528 = vector.broadcast %get3A_1527 : vector<128x1xi32> to vector<128x128xi32>
    %eq3A_1529 = vector.broadcast %iota3A : vector<1x128xi32> to vector<128x128xi32>
    %eq3A_1530 = arith.cmpi eq, %eq3A_1528, %eq3A_1529 : vector<128x128xi32>
    %jit3A_1531 = arith.constant 1.000000e+00 : f32
    %jit3A_1532 = arith.constant 0.000000e+00 : f32
    %broadcast_in_dim3A_1533 = vector.broadcast %jit3A_1531 : f32 to vector<128x128xf32>
    %broadcast_in_dim3A_1534 = vector.broadcast %jit3A_1532 : f32 to vector<128x128xf32>
    %select_n3A_1535 = arith.select %eq3A_1530, %broadcast_in_dim3A_1533, %broadcast_in_dim3A_1534 : vector<128x128xi1>, vector<128x128xf32>
    %reduce_sum3A_1536 = arith.constant dense<0.000000e+00> : vector<128xf32>
    %reduce_sum3A_1537 = vector.multi_reduction <add>, %select_n3A_1535, %reduce_sum3A_1536 [0] : vector<128x128xf32> to vector<128xf32>
    %broadcast_in_dim3A_1538 = vector.shape_cast %reduce_sum3A_1537 : vector<128xf32> to vector<1x128xf32>
    %add3A_1539 = arith.addf %add3A_1524, %broadcast_in_dim3A_1538 : vector<1x128xf32>
    %get3A_1540 = arith.constant 0 : index
    %get3A_1541 = arith.constant 103 : index
    %get3A_1542 = vector.load %arg0[%get3A_1540, %get3A_1541] : memref<128x128xi32, #tpu.memory_space<vmem>>, vector<128x1xi32>
    %eq3A_1543 = vector.broadcast %get3A_1542 : vector<128x1xi32> to vector<128x128xi32>
    %eq3A_1544 = vector.broadcast %iota3A : vector<1x128xi32> to vector<128x128xi32>
    %eq3A_1545 = arith.cmpi eq, %eq3A_1543, %eq3A_1544 : vector<128x128xi32>
    %jit3A_1546 = arith.constant 1.000000e+00 : f32
    %jit3A_1547 = arith.constant 0.000000e+00 : f32
    %broadcast_in_dim3A_1548 = vector.broadcast %jit3A_1546 : f32 to vector<128x128xf32>
    %broadcast_in_dim3A_1549 = vector.broadcast %jit3A_1547 : f32 to vector<128x128xf32>
    %select_n3A_1550 = arith.select %eq3A_1545, %broadcast_in_dim3A_1548, %broadcast_in_dim3A_1549 : vector<128x128xi1>, vector<128x128xf32>
    %reduce_sum3A_1551 = arith.constant dense<0.000000e+00> : vector<128xf32>
    %reduce_sum3A_1552 = vector.multi_reduction <add>, %select_n3A_1550, %reduce_sum3A_1551 [0] : vector<128x128xf32> to vector<128xf32>
    %broadcast_in_dim3A_1553 = vector.shape_cast %reduce_sum3A_1552 : vector<128xf32> to vector<1x128xf32>
    %add3A_1554 = arith.addf %add3A_1539, %broadcast_in_dim3A_1553 : vector<1x128xf32>
    %get3A_1555 = arith.constant 0 : index
    %get3A_1556 = arith.constant 104 : index
    %get3A_1557 = vector.load %arg0[%get3A_1555, %get3A_1556] : memref<128x128xi32, #tpu.memory_space<vmem>>, vector<128x1xi32>
    %eq3A_1558 = vector.broadcast %get3A_1557 : vector<128x1xi32> to vector<128x128xi32>
    %eq3A_1559 = vector.broadcast %iota3A : vector<1x128xi32> to vector<128x128xi32>
    %eq3A_1560 = arith.cmpi eq, %eq3A_1558, %eq3A_1559 : vector<128x128xi32>
    %jit3A_1561 = arith.constant 1.000000e+00 : f32
    %jit3A_1562 = arith.constant 0.000000e+00 : f32
    %broadcast_in_dim3A_1563 = vector.broadcast %jit3A_1561 : f32 to vector<128x128xf32>
    %broadcast_in_dim3A_1564 = vector.broadcast %jit3A_1562 : f32 to vector<128x128xf32>
    %select_n3A_1565 = arith.select %eq3A_1560, %broadcast_in_dim3A_1563, %broadcast_in_dim3A_1564 : vector<128x128xi1>, vector<128x128xf32>
    %reduce_sum3A_1566 = arith.constant dense<0.000000e+00> : vector<128xf32>
    %reduce_sum3A_1567 = vector.multi_reduction <add>, %select_n3A_1565, %reduce_sum3A_1566 [0] : vector<128x128xf32> to vector<128xf32>
    %broadcast_in_dim3A_1568 = vector.shape_cast %reduce_sum3A_1567 : vector<128xf32> to vector<1x128xf32>
    %add3A_1569 = arith.addf %add3A_1554, %broadcast_in_dim3A_1568 : vector<1x128xf32>
    %get3A_1570 = arith.constant 0 : index
    %get3A_1571 = arith.constant 105 : index
    %get3A_1572 = vector.load %arg0[%get3A_1570, %get3A_1571] : memref<128x128xi32, #tpu.memory_space<vmem>>, vector<128x1xi32>
    %eq3A_1573 = vector.broadcast %get3A_1572 : vector<128x1xi32> to vector<128x128xi32>
    %eq3A_1574 = vector.broadcast %iota3A : vector<1x128xi32> to vector<128x128xi32>
    %eq3A_1575 = arith.cmpi eq, %eq3A_1573, %eq3A_1574 : vector<128x128xi32>
    %jit3A_1576 = arith.constant 1.000000e+00 : f32
    %jit3A_1577 = arith.constant 0.000000e+00 : f32
    %broadcast_in_dim3A_1578 = vector.broadcast %jit3A_1576 : f32 to vector<128x128xf32>
    %broadcast_in_dim3A_1579 = vector.broadcast %jit3A_1577 : f32 to vector<128x128xf32>
    %select_n3A_1580 = arith.select %eq3A_1575, %broadcast_in_dim3A_1578, %broadcast_in_dim3A_1579 : vector<128x128xi1>, vector<128x128xf32>
    %reduce_sum3A_1581 = arith.constant dense<0.000000e+00> : vector<128xf32>
    %reduce_sum3A_1582 = vector.multi_reduction <add>, %select_n3A_1580, %reduce_sum3A_1581 [0] : vector<128x128xf32> to vector<128xf32>
    %broadcast_in_dim3A_1583 = vector.shape_cast %reduce_sum3A_1582 : vector<128xf32> to vector<1x128xf32>
    %add3A_1584 = arith.addf %add3A_1569, %broadcast_in_dim3A_1583 : vector<1x128xf32>
    %get3A_1585 = arith.constant 0 : index
    %get3A_1586 = arith.constant 106 : index
    %get3A_1587 = vector.load %arg0[%get3A_1585, %get3A_1586] : memref<128x128xi32, #tpu.memory_space<vmem>>, vector<128x1xi32>
    %eq3A_1588 = vector.broadcast %get3A_1587 : vector<128x1xi32> to vector<128x128xi32>
    %eq3A_1589 = vector.broadcast %iota3A : vector<1x128xi32> to vector<128x128xi32>
    %eq3A_1590 = arith.cmpi eq, %eq3A_1588, %eq3A_1589 : vector<128x128xi32>
    %jit3A_1591 = arith.constant 1.000000e+00 : f32
    %jit3A_1592 = arith.constant 0.000000e+00 : f32
    %broadcast_in_dim3A_1593 = vector.broadcast %jit3A_1591 : f32 to vector<128x128xf32>
    %broadcast_in_dim3A_1594 = vector.broadcast %jit3A_1592 : f32 to vector<128x128xf32>
    %select_n3A_1595 = arith.select %eq3A_1590, %broadcast_in_dim3A_1593, %broadcast_in_dim3A_1594 : vector<128x128xi1>, vector<128x128xf32>
    %reduce_sum3A_1596 = arith.constant dense<0.000000e+00> : vector<128xf32>
    %reduce_sum3A_1597 = vector.multi_reduction <add>, %select_n3A_1595, %reduce_sum3A_1596 [0] : vector<128x128xf32> to vector<128xf32>
    %broadcast_in_dim3A_1598 = vector.shape_cast %reduce_sum3A_1597 : vector<128xf32> to vector<1x128xf32>
    %add3A_1599 = arith.addf %add3A_1584, %broadcast_in_dim3A_1598 : vector<1x128xf32>
    %get3A_1600 = arith.constant 0 : index
    %get3A_1601 = arith.constant 107 : index
    %get3A_1602 = vector.load %arg0[%get3A_1600, %get3A_1601] : memref<128x128xi32, #tpu.memory_space<vmem>>, vector<128x1xi32>
    %eq3A_1603 = vector.broadcast %get3A_1602 : vector<128x1xi32> to vector<128x128xi32>
    %eq3A_1604 = vector.broadcast %iota3A : vector<1x128xi32> to vector<128x128xi32>
    %eq3A_1605 = arith.cmpi eq, %eq3A_1603, %eq3A_1604 : vector<128x128xi32>
    %jit3A_1606 = arith.constant 1.000000e+00 : f32
    %jit3A_1607 = arith.constant 0.000000e+00 : f32
    %broadcast_in_dim3A_1608 = vector.broadcast %jit3A_1606 : f32 to vector<128x128xf32>
    %broadcast_in_dim3A_1609 = vector.broadcast %jit3A_1607 : f32 to vector<128x128xf32>
    %select_n3A_1610 = arith.select %eq3A_1605, %broadcast_in_dim3A_1608, %broadcast_in_dim3A_1609 : vector<128x128xi1>, vector<128x128xf32>
    %reduce_sum3A_1611 = arith.constant dense<0.000000e+00> : vector<128xf32>
    %reduce_sum3A_1612 = vector.multi_reduction <add>, %select_n3A_1610, %reduce_sum3A_1611 [0] : vector<128x128xf32> to vector<128xf32>
    %broadcast_in_dim3A_1613 = vector.shape_cast %reduce_sum3A_1612 : vector<128xf32> to vector<1x128xf32>
    %add3A_1614 = arith.addf %add3A_1599, %broadcast_in_dim3A_1613 : vector<1x128xf32>
    %get3A_1615 = arith.constant 0 : index
    %get3A_1616 = arith.constant 108 : index
    %get3A_1617 = vector.load %arg0[%get3A_1615, %get3A_1616] : memref<128x128xi32, #tpu.memory_space<vmem>>, vector<128x1xi32>
    %eq3A_1618 = vector.broadcast %get3A_1617 : vector<128x1xi32> to vector<128x128xi32>
    %eq3A_1619 = vector.broadcast %iota3A : vector<1x128xi32> to vector<128x128xi32>
    %eq3A_1620 = arith.cmpi eq, %eq3A_1618, %eq3A_1619 : vector<128x128xi32>
    %jit3A_1621 = arith.constant 1.000000e+00 : f32
    %jit3A_1622 = arith.constant 0.000000e+00 : f32
    %broadcast_in_dim3A_1623 = vector.broadcast %jit3A_1621 : f32 to vector<128x128xf32>
    %broadcast_in_dim3A_1624 = vector.broadcast %jit3A_1622 : f32 to vector<128x128xf32>
    %select_n3A_1625 = arith.select %eq3A_1620, %broadcast_in_dim3A_1623, %broadcast_in_dim3A_1624 : vector<128x128xi1>, vector<128x128xf32>
    %reduce_sum3A_1626 = arith.constant dense<0.000000e+00> : vector<128xf32>
    %reduce_sum3A_1627 = vector.multi_reduction <add>, %select_n3A_1625, %reduce_sum3A_1626 [0] : vector<128x128xf32> to vector<128xf32>
    %broadcast_in_dim3A_1628 = vector.shape_cast %reduce_sum3A_1627 : vector<128xf32> to vector<1x128xf32>
    %add3A_1629 = arith.addf %add3A_1614, %broadcast_in_dim3A_1628 : vector<1x128xf32>
    %get3A_1630 = arith.constant 0 : index
    %get3A_1631 = arith.constant 109 : index
    %get3A_1632 = vector.load %arg0[%get3A_1630, %get3A_1631] : memref<128x128xi32, #tpu.memory_space<vmem>>, vector<128x1xi32>
    %eq3A_1633 = vector.broadcast %get3A_1632 : vector<128x1xi32> to vector<128x128xi32>
    %eq3A_1634 = vector.broadcast %iota3A : vector<1x128xi32> to vector<128x128xi32>
    %eq3A_1635 = arith.cmpi eq, %eq3A_1633, %eq3A_1634 : vector<128x128xi32>
    %jit3A_1636 = arith.constant 1.000000e+00 : f32
    %jit3A_1637 = arith.constant 0.000000e+00 : f32
    %broadcast_in_dim3A_1638 = vector.broadcast %jit3A_1636 : f32 to vector<128x128xf32>
    %broadcast_in_dim3A_1639 = vector.broadcast %jit3A_1637 : f32 to vector<128x128xf32>
    %select_n3A_1640 = arith.select %eq3A_1635, %broadcast_in_dim3A_1638, %broadcast_in_dim3A_1639 : vector<128x128xi1>, vector<128x128xf32>
    %reduce_sum3A_1641 = arith.constant dense<0.000000e+00> : vector<128xf32>
    %reduce_sum3A_1642 = vector.multi_reduction <add>, %select_n3A_1640, %reduce_sum3A_1641 [0] : vector<128x128xf32> to vector<128xf32>
    %broadcast_in_dim3A_1643 = vector.shape_cast %reduce_sum3A_1642 : vector<128xf32> to vector<1x128xf32>
    %add3A_1644 = arith.addf %add3A_1629, %broadcast_in_dim3A_1643 : vector<1x128xf32>
    %get3A_1645 = arith.constant 0 : index
    %get3A_1646 = arith.constant 110 : index
    %get3A_1647 = vector.load %arg0[%get3A_1645, %get3A_1646] : memref<128x128xi32, #tpu.memory_space<vmem>>, vector<128x1xi32>
    %eq3A_1648 = vector.broadcast %get3A_1647 : vector<128x1xi32> to vector<128x128xi32>
    %eq3A_1649 = vector.broadcast %iota3A : vector<1x128xi32> to vector<128x128xi32>
    %eq3A_1650 = arith.cmpi eq, %eq3A_1648, %eq3A_1649 : vector<128x128xi32>
    %jit3A_1651 = arith.constant 1.000000e+00 : f32
    %jit3A_1652 = arith.constant 0.000000e+00 : f32
    %broadcast_in_dim3A_1653 = vector.broadcast %jit3A_1651 : f32 to vector<128x128xf32>
    %broadcast_in_dim3A_1654 = vector.broadcast %jit3A_1652 : f32 to vector<128x128xf32>
    %select_n3A_1655 = arith.select %eq3A_1650, %broadcast_in_dim3A_1653, %broadcast_in_dim3A_1654 : vector<128x128xi1>, vector<128x128xf32>
    %reduce_sum3A_1656 = arith.constant dense<0.000000e+00> : vector<128xf32>
    %reduce_sum3A_1657 = vector.multi_reduction <add>, %select_n3A_1655, %reduce_sum3A_1656 [0] : vector<128x128xf32> to vector<128xf32>
    %broadcast_in_dim3A_1658 = vector.shape_cast %reduce_sum3A_1657 : vector<128xf32> to vector<1x128xf32>
    %add3A_1659 = arith.addf %add3A_1644, %broadcast_in_dim3A_1658 : vector<1x128xf32>
    %get3A_1660 = arith.constant 0 : index
    %get3A_1661 = arith.constant 111 : index
    %get3A_1662 = vector.load %arg0[%get3A_1660, %get3A_1661] : memref<128x128xi32, #tpu.memory_space<vmem>>, vector<128x1xi32>
    %eq3A_1663 = vector.broadcast %get3A_1662 : vector<128x1xi32> to vector<128x128xi32>
    %eq3A_1664 = vector.broadcast %iota3A : vector<1x128xi32> to vector<128x128xi32>
    %eq3A_1665 = arith.cmpi eq, %eq3A_1663, %eq3A_1664 : vector<128x128xi32>
    %jit3A_1666 = arith.constant 1.000000e+00 : f32
    %jit3A_1667 = arith.constant 0.000000e+00 : f32
    %broadcast_in_dim3A_1668 = vector.broadcast %jit3A_1666 : f32 to vector<128x128xf32>
    %broadcast_in_dim3A_1669 = vector.broadcast %jit3A_1667 : f32 to vector<128x128xf32>
    %select_n3A_1670 = arith.select %eq3A_1665, %broadcast_in_dim3A_1668, %broadcast_in_dim3A_1669 : vector<128x128xi1>, vector<128x128xf32>
    %reduce_sum3A_1671 = arith.constant dense<0.000000e+00> : vector<128xf32>
    %reduce_sum3A_1672 = vector.multi_reduction <add>, %select_n3A_1670, %reduce_sum3A_1671 [0] : vector<128x128xf32> to vector<128xf32>
    %broadcast_in_dim3A_1673 = vector.shape_cast %reduce_sum3A_1672 : vector<128xf32> to vector<1x128xf32>
    %add3A_1674 = arith.addf %add3A_1659, %broadcast_in_dim3A_1673 : vector<1x128xf32>
    %get3A_1675 = arith.constant 0 : index
    %get3A_1676 = arith.constant 112 : index
    %get3A_1677 = vector.load %arg0[%get3A_1675, %get3A_1676] : memref<128x128xi32, #tpu.memory_space<vmem>>, vector<128x1xi32>
    %eq3A_1678 = vector.broadcast %get3A_1677 : vector<128x1xi32> to vector<128x128xi32>
    %eq3A_1679 = vector.broadcast %iota3A : vector<1x128xi32> to vector<128x128xi32>
    %eq3A_1680 = arith.cmpi eq, %eq3A_1678, %eq3A_1679 : vector<128x128xi32>
    %jit3A_1681 = arith.constant 1.000000e+00 : f32
    %jit3A_1682 = arith.constant 0.000000e+00 : f32
    %broadcast_in_dim3A_1683 = vector.broadcast %jit3A_1681 : f32 to vector<128x128xf32>
    %broadcast_in_dim3A_1684 = vector.broadcast %jit3A_1682 : f32 to vector<128x128xf32>
    %select_n3A_1685 = arith.select %eq3A_1680, %broadcast_in_dim3A_1683, %broadcast_in_dim3A_1684 : vector<128x128xi1>, vector<128x128xf32>
    %reduce_sum3A_1686 = arith.constant dense<0.000000e+00> : vector<128xf32>
    %reduce_sum3A_1687 = vector.multi_reduction <add>, %select_n3A_1685, %reduce_sum3A_1686 [0] : vector<128x128xf32> to vector<128xf32>
    %broadcast_in_dim3A_1688 = vector.shape_cast %reduce_sum3A_1687 : vector<128xf32> to vector<1x128xf32>
    %add3A_1689 = arith.addf %add3A_1674, %broadcast_in_dim3A_1688 : vector<1x128xf32>
    %get3A_1690 = arith.constant 0 : index
    %get3A_1691 = arith.constant 113 : index
    %get3A_1692 = vector.load %arg0[%get3A_1690, %get3A_1691] : memref<128x128xi32, #tpu.memory_space<vmem>>, vector<128x1xi32>
    %eq3A_1693 = vector.broadcast %get3A_1692 : vector<128x1xi32> to vector<128x128xi32>
    %eq3A_1694 = vector.broadcast %iota3A : vector<1x128xi32> to vector<128x128xi32>
    %eq3A_1695 = arith.cmpi eq, %eq3A_1693, %eq3A_1694 : vector<128x128xi32>
    %jit3A_1696 = arith.constant 1.000000e+00 : f32
    %jit3A_1697 = arith.constant 0.000000e+00 : f32
    %broadcast_in_dim3A_1698 = vector.broadcast %jit3A_1696 : f32 to vector<128x128xf32>
    %broadcast_in_dim3A_1699 = vector.broadcast %jit3A_1697 : f32 to vector<128x128xf32>
    %select_n3A_1700 = arith.select %eq3A_1695, %broadcast_in_dim3A_1698, %broadcast_in_dim3A_1699 : vector<128x128xi1>, vector<128x128xf32>
    %reduce_sum3A_1701 = arith.constant dense<0.000000e+00> : vector<128xf32>
    %reduce_sum3A_1702 = vector.multi_reduction <add>, %select_n3A_1700, %reduce_sum3A_1701 [0] : vector<128x128xf32> to vector<128xf32>
    %broadcast_in_dim3A_1703 = vector.shape_cast %reduce_sum3A_1702 : vector<128xf32> to vector<1x128xf32>
    %add3A_1704 = arith.addf %add3A_1689, %broadcast_in_dim3A_1703 : vector<1x128xf32>
    %get3A_1705 = arith.constant 0 : index
    %get3A_1706 = arith.constant 114 : index
    %get3A_1707 = vector.load %arg0[%get3A_1705, %get3A_1706] : memref<128x128xi32, #tpu.memory_space<vmem>>, vector<128x1xi32>
    %eq3A_1708 = vector.broadcast %get3A_1707 : vector<128x1xi32> to vector<128x128xi32>
    %eq3A_1709 = vector.broadcast %iota3A : vector<1x128xi32> to vector<128x128xi32>
    %eq3A_1710 = arith.cmpi eq, %eq3A_1708, %eq3A_1709 : vector<128x128xi32>
    %jit3A_1711 = arith.constant 1.000000e+00 : f32
    %jit3A_1712 = arith.constant 0.000000e+00 : f32
    %broadcast_in_dim3A_1713 = vector.broadcast %jit3A_1711 : f32 to vector<128x128xf32>
    %broadcast_in_dim3A_1714 = vector.broadcast %jit3A_1712 : f32 to vector<128x128xf32>
    %select_n3A_1715 = arith.select %eq3A_1710, %broadcast_in_dim3A_1713, %broadcast_in_dim3A_1714 : vector<128x128xi1>, vector<128x128xf32>
    %reduce_sum3A_1716 = arith.constant dense<0.000000e+00> : vector<128xf32>
    %reduce_sum3A_1717 = vector.multi_reduction <add>, %select_n3A_1715, %reduce_sum3A_1716 [0] : vector<128x128xf32> to vector<128xf32>
    %broadcast_in_dim3A_1718 = vector.shape_cast %reduce_sum3A_1717 : vector<128xf32> to vector<1x128xf32>
    %add3A_1719 = arith.addf %add3A_1704, %broadcast_in_dim3A_1718 : vector<1x128xf32>
    %get3A_1720 = arith.constant 0 : index
    %get3A_1721 = arith.constant 115 : index
    %get3A_1722 = vector.load %arg0[%get3A_1720, %get3A_1721] : memref<128x128xi32, #tpu.memory_space<vmem>>, vector<128x1xi32>
    %eq3A_1723 = vector.broadcast %get3A_1722 : vector<128x1xi32> to vector<128x128xi32>
    %eq3A_1724 = vector.broadcast %iota3A : vector<1x128xi32> to vector<128x128xi32>
    %eq3A_1725 = arith.cmpi eq, %eq3A_1723, %eq3A_1724 : vector<128x128xi32>
    %jit3A_1726 = arith.constant 1.000000e+00 : f32
    %jit3A_1727 = arith.constant 0.000000e+00 : f32
    %broadcast_in_dim3A_1728 = vector.broadcast %jit3A_1726 : f32 to vector<128x128xf32>
    %broadcast_in_dim3A_1729 = vector.broadcast %jit3A_1727 : f32 to vector<128x128xf32>
    %select_n3A_1730 = arith.select %eq3A_1725, %broadcast_in_dim3A_1728, %broadcast_in_dim3A_1729 : vector<128x128xi1>, vector<128x128xf32>
    %reduce_sum3A_1731 = arith.constant dense<0.000000e+00> : vector<128xf32>
    %reduce_sum3A_1732 = vector.multi_reduction <add>, %select_n3A_1730, %reduce_sum3A_1731 [0] : vector<128x128xf32> to vector<128xf32>
    %broadcast_in_dim3A_1733 = vector.shape_cast %reduce_sum3A_1732 : vector<128xf32> to vector<1x128xf32>
    %add3A_1734 = arith.addf %add3A_1719, %broadcast_in_dim3A_1733 : vector<1x128xf32>
    %get3A_1735 = arith.constant 0 : index
    %get3A_1736 = arith.constant 116 : index
    %get3A_1737 = vector.load %arg0[%get3A_1735, %get3A_1736] : memref<128x128xi32, #tpu.memory_space<vmem>>, vector<128x1xi32>
    %eq3A_1738 = vector.broadcast %get3A_1737 : vector<128x1xi32> to vector<128x128xi32>
    %eq3A_1739 = vector.broadcast %iota3A : vector<1x128xi32> to vector<128x128xi32>
    %eq3A_1740 = arith.cmpi eq, %eq3A_1738, %eq3A_1739 : vector<128x128xi32>
    %jit3A_1741 = arith.constant 1.000000e+00 : f32
    %jit3A_1742 = arith.constant 0.000000e+00 : f32
    %broadcast_in_dim3A_1743 = vector.broadcast %jit3A_1741 : f32 to vector<128x128xf32>
    %broadcast_in_dim3A_1744 = vector.broadcast %jit3A_1742 : f32 to vector<128x128xf32>
    %select_n3A_1745 = arith.select %eq3A_1740, %broadcast_in_dim3A_1743, %broadcast_in_dim3A_1744 : vector<128x128xi1>, vector<128x128xf32>
    %reduce_sum3A_1746 = arith.constant dense<0.000000e+00> : vector<128xf32>
    %reduce_sum3A_1747 = vector.multi_reduction <add>, %select_n3A_1745, %reduce_sum3A_1746 [0] : vector<128x128xf32> to vector<128xf32>
    %broadcast_in_dim3A_1748 = vector.shape_cast %reduce_sum3A_1747 : vector<128xf32> to vector<1x128xf32>
    %add3A_1749 = arith.addf %add3A_1734, %broadcast_in_dim3A_1748 : vector<1x128xf32>
    %get3A_1750 = arith.constant 0 : index
    %get3A_1751 = arith.constant 117 : index
    %get3A_1752 = vector.load %arg0[%get3A_1750, %get3A_1751] : memref<128x128xi32, #tpu.memory_space<vmem>>, vector<128x1xi32>
    %eq3A_1753 = vector.broadcast %get3A_1752 : vector<128x1xi32> to vector<128x128xi32>
    %eq3A_1754 = vector.broadcast %iota3A : vector<1x128xi32> to vector<128x128xi32>
    %eq3A_1755 = arith.cmpi eq, %eq3A_1753, %eq3A_1754 : vector<128x128xi32>
    %jit3A_1756 = arith.constant 1.000000e+00 : f32
    %jit3A_1757 = arith.constant 0.000000e+00 : f32
    %broadcast_in_dim3A_1758 = vector.broadcast %jit3A_1756 : f32 to vector<128x128xf32>
    %broadcast_in_dim3A_1759 = vector.broadcast %jit3A_1757 : f32 to vector<128x128xf32>
    %select_n3A_1760 = arith.select %eq3A_1755, %broadcast_in_dim3A_1758, %broadcast_in_dim3A_1759 : vector<128x128xi1>, vector<128x128xf32>
    %reduce_sum3A_1761 = arith.constant dense<0.000000e+00> : vector<128xf32>
    %reduce_sum3A_1762 = vector.multi_reduction <add>, %select_n3A_1760, %reduce_sum3A_1761 [0] : vector<128x128xf32> to vector<128xf32>
    %broadcast_in_dim3A_1763 = vector.shape_cast %reduce_sum3A_1762 : vector<128xf32> to vector<1x128xf32>
    %add3A_1764 = arith.addf %add3A_1749, %broadcast_in_dim3A_1763 : vector<1x128xf32>
    %get3A_1765 = arith.constant 0 : index
    %get3A_1766 = arith.constant 118 : index
    %get3A_1767 = vector.load %arg0[%get3A_1765, %get3A_1766] : memref<128x128xi32, #tpu.memory_space<vmem>>, vector<128x1xi32>
    %eq3A_1768 = vector.broadcast %get3A_1767 : vector<128x1xi32> to vector<128x128xi32>
    %eq3A_1769 = vector.broadcast %iota3A : vector<1x128xi32> to vector<128x128xi32>
    %eq3A_1770 = arith.cmpi eq, %eq3A_1768, %eq3A_1769 : vector<128x128xi32>
    %jit3A_1771 = arith.constant 1.000000e+00 : f32
    %jit3A_1772 = arith.constant 0.000000e+00 : f32
    %broadcast_in_dim3A_1773 = vector.broadcast %jit3A_1771 : f32 to vector<128x128xf32>
    %broadcast_in_dim3A_1774 = vector.broadcast %jit3A_1772 : f32 to vector<128x128xf32>
    %select_n3A_1775 = arith.select %eq3A_1770, %broadcast_in_dim3A_1773, %broadcast_in_dim3A_1774 : vector<128x128xi1>, vector<128x128xf32>
    %reduce_sum3A_1776 = arith.constant dense<0.000000e+00> : vector<128xf32>
    %reduce_sum3A_1777 = vector.multi_reduction <add>, %select_n3A_1775, %reduce_sum3A_1776 [0] : vector<128x128xf32> to vector<128xf32>
    %broadcast_in_dim3A_1778 = vector.shape_cast %reduce_sum3A_1777 : vector<128xf32> to vector<1x128xf32>
    %add3A_1779 = arith.addf %add3A_1764, %broadcast_in_dim3A_1778 : vector<1x128xf32>
    %get3A_1780 = arith.constant 0 : index
    %get3A_1781 = arith.constant 119 : index
    %get3A_1782 = vector.load %arg0[%get3A_1780, %get3A_1781] : memref<128x128xi32, #tpu.memory_space<vmem>>, vector<128x1xi32>
    %eq3A_1783 = vector.broadcast %get3A_1782 : vector<128x1xi32> to vector<128x128xi32>
    %eq3A_1784 = vector.broadcast %iota3A : vector<1x128xi32> to vector<128x128xi32>
    %eq3A_1785 = arith.cmpi eq, %eq3A_1783, %eq3A_1784 : vector<128x128xi32>
    %jit3A_1786 = arith.constant 1.000000e+00 : f32
    %jit3A_1787 = arith.constant 0.000000e+00 : f32
    %broadcast_in_dim3A_1788 = vector.broadcast %jit3A_1786 : f32 to vector<128x128xf32>
    %broadcast_in_dim3A_1789 = vector.broadcast %jit3A_1787 : f32 to vector<128x128xf32>
    %select_n3A_1790 = arith.select %eq3A_1785, %broadcast_in_dim3A_1788, %broadcast_in_dim3A_1789 : vector<128x128xi1>, vector<128x128xf32>
    %reduce_sum3A_1791 = arith.constant dense<0.000000e+00> : vector<128xf32>
    %reduce_sum3A_1792 = vector.multi_reduction <add>, %select_n3A_1790, %reduce_sum3A_1791 [0] : vector<128x128xf32> to vector<128xf32>
    %broadcast_in_dim3A_1793 = vector.shape_cast %reduce_sum3A_1792 : vector<128xf32> to vector<1x128xf32>
    %add3A_1794 = arith.addf %add3A_1779, %broadcast_in_dim3A_1793 : vector<1x128xf32>
    %get3A_1795 = arith.constant 0 : index
    %get3A_1796 = arith.constant 120 : index
    %get3A_1797 = vector.load %arg0[%get3A_1795, %get3A_1796] : memref<128x128xi32, #tpu.memory_space<vmem>>, vector<128x1xi32>
    %eq3A_1798 = vector.broadcast %get3A_1797 : vector<128x1xi32> to vector<128x128xi32>
    %eq3A_1799 = vector.broadcast %iota3A : vector<1x128xi32> to vector<128x128xi32>
    %eq3A_1800 = arith.cmpi eq, %eq3A_1798, %eq3A_1799 : vector<128x128xi32>
    %jit3A_1801 = arith.constant 1.000000e+00 : f32
    %jit3A_1802 = arith.constant 0.000000e+00 : f32
    %broadcast_in_dim3A_1803 = vector.broadcast %jit3A_1801 : f32 to vector<128x128xf32>
    %broadcast_in_dim3A_1804 = vector.broadcast %jit3A_1802 : f32 to vector<128x128xf32>
    %select_n3A_1805 = arith.select %eq3A_1800, %broadcast_in_dim3A_1803, %broadcast_in_dim3A_1804 : vector<128x128xi1>, vector<128x128xf32>
    %reduce_sum3A_1806 = arith.constant dense<0.000000e+00> : vector<128xf32>
    %reduce_sum3A_1807 = vector.multi_reduction <add>, %select_n3A_1805, %reduce_sum3A_1806 [0] : vector<128x128xf32> to vector<128xf32>
    %broadcast_in_dim3A_1808 = vector.shape_cast %reduce_sum3A_1807 : vector<128xf32> to vector<1x128xf32>
    %add3A_1809 = arith.addf %add3A_1794, %broadcast_in_dim3A_1808 : vector<1x128xf32>
    %get3A_1810 = arith.constant 0 : index
    %get3A_1811 = arith.constant 121 : index
    %get3A_1812 = vector.load %arg0[%get3A_1810, %get3A_1811] : memref<128x128xi32, #tpu.memory_space<vmem>>, vector<128x1xi32>
    %eq3A_1813 = vector.broadcast %get3A_1812 : vector<128x1xi32> to vector<128x128xi32>
    %eq3A_1814 = vector.broadcast %iota3A : vector<1x128xi32> to vector<128x128xi32>
    %eq3A_1815 = arith.cmpi eq, %eq3A_1813, %eq3A_1814 : vector<128x128xi32>
    %jit3A_1816 = arith.constant 1.000000e+00 : f32
    %jit3A_1817 = arith.constant 0.000000e+00 : f32
    %broadcast_in_dim3A_1818 = vector.broadcast %jit3A_1816 : f32 to vector<128x128xf32>
    %broadcast_in_dim3A_1819 = vector.broadcast %jit3A_1817 : f32 to vector<128x128xf32>
    %select_n3A_1820 = arith.select %eq3A_1815, %broadcast_in_dim3A_1818, %broadcast_in_dim3A_1819 : vector<128x128xi1>, vector<128x128xf32>
    %reduce_sum3A_1821 = arith.constant dense<0.000000e+00> : vector<128xf32>
    %reduce_sum3A_1822 = vector.multi_reduction <add>, %select_n3A_1820, %reduce_sum3A_1821 [0] : vector<128x128xf32> to vector<128xf32>
    %broadcast_in_dim3A_1823 = vector.shape_cast %reduce_sum3A_1822 : vector<128xf32> to vector<1x128xf32>
    %add3A_1824 = arith.addf %add3A_1809, %broadcast_in_dim3A_1823 : vector<1x128xf32>
    %get3A_1825 = arith.constant 0 : index
    %get3A_1826 = arith.constant 122 : index
    %get3A_1827 = vector.load %arg0[%get3A_1825, %get3A_1826] : memref<128x128xi32, #tpu.memory_space<vmem>>, vector<128x1xi32>
    %eq3A_1828 = vector.broadcast %get3A_1827 : vector<128x1xi32> to vector<128x128xi32>
    %eq3A_1829 = vector.broadcast %iota3A : vector<1x128xi32> to vector<128x128xi32>
    %eq3A_1830 = arith.cmpi eq, %eq3A_1828, %eq3A_1829 : vector<128x128xi32>
    %jit3A_1831 = arith.constant 1.000000e+00 : f32
    %jit3A_1832 = arith.constant 0.000000e+00 : f32
    %broadcast_in_dim3A_1833 = vector.broadcast %jit3A_1831 : f32 to vector<128x128xf32>
    %broadcast_in_dim3A_1834 = vector.broadcast %jit3A_1832 : f32 to vector<128x128xf32>
    %select_n3A_1835 = arith.select %eq3A_1830, %broadcast_in_dim3A_1833, %broadcast_in_dim3A_1834 : vector<128x128xi1>, vector<128x128xf32>
    %reduce_sum3A_1836 = arith.constant dense<0.000000e+00> : vector<128xf32>
    %reduce_sum3A_1837 = vector.multi_reduction <add>, %select_n3A_1835, %reduce_sum3A_1836 [0] : vector<128x128xf32> to vector<128xf32>
    %broadcast_in_dim3A_1838 = vector.shape_cast %reduce_sum3A_1837 : vector<128xf32> to vector<1x128xf32>
    %add3A_1839 = arith.addf %add3A_1824, %broadcast_in_dim3A_1838 : vector<1x128xf32>
    %get3A_1840 = arith.constant 0 : index
    %get3A_1841 = arith.constant 123 : index
    %get3A_1842 = vector.load %arg0[%get3A_1840, %get3A_1841] : memref<128x128xi32, #tpu.memory_space<vmem>>, vector<128x1xi32>
    %eq3A_1843 = vector.broadcast %get3A_1842 : vector<128x1xi32> to vector<128x128xi32>
    %eq3A_1844 = vector.broadcast %iota3A : vector<1x128xi32> to vector<128x128xi32>
    %eq3A_1845 = arith.cmpi eq, %eq3A_1843, %eq3A_1844 : vector<128x128xi32>
    %jit3A_1846 = arith.constant 1.000000e+00 : f32
    %jit3A_1847 = arith.constant 0.000000e+00 : f32
    %broadcast_in_dim3A_1848 = vector.broadcast %jit3A_1846 : f32 to vector<128x128xf32>
    %broadcast_in_dim3A_1849 = vector.broadcast %jit3A_1847 : f32 to vector<128x128xf32>
    %select_n3A_1850 = arith.select %eq3A_1845, %broadcast_in_dim3A_1848, %broadcast_in_dim3A_1849 : vector<128x128xi1>, vector<128x128xf32>
    %reduce_sum3A_1851 = arith.constant dense<0.000000e+00> : vector<128xf32>
    %reduce_sum3A_1852 = vector.multi_reduction <add>, %select_n3A_1850, %reduce_sum3A_1851 [0] : vector<128x128xf32> to vector<128xf32>
    %broadcast_in_dim3A_1853 = vector.shape_cast %reduce_sum3A_1852 : vector<128xf32> to vector<1x128xf32>
    %add3A_1854 = arith.addf %add3A_1839, %broadcast_in_dim3A_1853 : vector<1x128xf32>
    %get3A_1855 = arith.constant 0 : index
    %get3A_1856 = arith.constant 124 : index
    %get3A_1857 = vector.load %arg0[%get3A_1855, %get3A_1856] : memref<128x128xi32, #tpu.memory_space<vmem>>, vector<128x1xi32>
    %eq3A_1858 = vector.broadcast %get3A_1857 : vector<128x1xi32> to vector<128x128xi32>
    %eq3A_1859 = vector.broadcast %iota3A : vector<1x128xi32> to vector<128x128xi32>
    %eq3A_1860 = arith.cmpi eq, %eq3A_1858, %eq3A_1859 : vector<128x128xi32>
    %jit3A_1861 = arith.constant 1.000000e+00 : f32
    %jit3A_1862 = arith.constant 0.000000e+00 : f32
    %broadcast_in_dim3A_1863 = vector.broadcast %jit3A_1861 : f32 to vector<128x128xf32>
    %broadcast_in_dim3A_1864 = vector.broadcast %jit3A_1862 : f32 to vector<128x128xf32>
    %select_n3A_1865 = arith.select %eq3A_1860, %broadcast_in_dim3A_1863, %broadcast_in_dim3A_1864 : vector<128x128xi1>, vector<128x128xf32>
    %reduce_sum3A_1866 = arith.constant dense<0.000000e+00> : vector<128xf32>
    %reduce_sum3A_1867 = vector.multi_reduction <add>, %select_n3A_1865, %reduce_sum3A_1866 [0] : vector<128x128xf32> to vector<128xf32>
    %broadcast_in_dim3A_1868 = vector.shape_cast %reduce_sum3A_1867 : vector<128xf32> to vector<1x128xf32>
    %add3A_1869 = arith.addf %add3A_1854, %broadcast_in_dim3A_1868 : vector<1x128xf32>
    %get3A_1870 = arith.constant 0 : index
    %get3A_1871 = arith.constant 125 : index
    %get3A_1872 = vector.load %arg0[%get3A_1870, %get3A_1871] : memref<128x128xi32, #tpu.memory_space<vmem>>, vector<128x1xi32>
    %eq3A_1873 = vector.broadcast %get3A_1872 : vector<128x1xi32> to vector<128x128xi32>
    %eq3A_1874 = vector.broadcast %iota3A : vector<1x128xi32> to vector<128x128xi32>
    %eq3A_1875 = arith.cmpi eq, %eq3A_1873, %eq3A_1874 : vector<128x128xi32>
    %jit3A_1876 = arith.constant 1.000000e+00 : f32
    %jit3A_1877 = arith.constant 0.000000e+00 : f32
    %broadcast_in_dim3A_1878 = vector.broadcast %jit3A_1876 : f32 to vector<128x128xf32>
    %broadcast_in_dim3A_1879 = vector.broadcast %jit3A_1877 : f32 to vector<128x128xf32>
    %select_n3A_1880 = arith.select %eq3A_1875, %broadcast_in_dim3A_1878, %broadcast_in_dim3A_1879 : vector<128x128xi1>, vector<128x128xf32>
    %reduce_sum3A_1881 = arith.constant dense<0.000000e+00> : vector<128xf32>
    %reduce_sum3A_1882 = vector.multi_reduction <add>, %select_n3A_1880, %reduce_sum3A_1881 [0] : vector<128x128xf32> to vector<128xf32>
    %broadcast_in_dim3A_1883 = vector.shape_cast %reduce_sum3A_1882 : vector<128xf32> to vector<1x128xf32>
    %add3A_1884 = arith.addf %add3A_1869, %broadcast_in_dim3A_1883 : vector<1x128xf32>
    %get3A_1885 = arith.constant 0 : index
    %get3A_1886 = arith.constant 126 : index
    %get3A_1887 = vector.load %arg0[%get3A_1885, %get3A_1886] : memref<128x128xi32, #tpu.memory_space<vmem>>, vector<128x1xi32>
    %eq3A_1888 = vector.broadcast %get3A_1887 : vector<128x1xi32> to vector<128x128xi32>
    %eq3A_1889 = vector.broadcast %iota3A : vector<1x128xi32> to vector<128x128xi32>
    %eq3A_1890 = arith.cmpi eq, %eq3A_1888, %eq3A_1889 : vector<128x128xi32>
    %jit3A_1891 = arith.constant 1.000000e+00 : f32
    %jit3A_1892 = arith.constant 0.000000e+00 : f32
    %broadcast_in_dim3A_1893 = vector.broadcast %jit3A_1891 : f32 to vector<128x128xf32>
    %broadcast_in_dim3A_1894 = vector.broadcast %jit3A_1892 : f32 to vector<128x128xf32>
    %select_n3A_1895 = arith.select %eq3A_1890, %broadcast_in_dim3A_1893, %broadcast_in_dim3A_1894 : vector<128x128xi1>, vector<128x128xf32>
    %reduce_sum3A_1896 = arith.constant dense<0.000000e+00> : vector<128xf32>
    %reduce_sum3A_1897 = vector.multi_reduction <add>, %select_n3A_1895, %reduce_sum3A_1896 [0] : vector<128x128xf32> to vector<128xf32>
    %broadcast_in_dim3A_1898 = vector.shape_cast %reduce_sum3A_1897 : vector<128xf32> to vector<1x128xf32>
    %add3A_1899 = arith.addf %add3A_1884, %broadcast_in_dim3A_1898 : vector<1x128xf32>
    %get3A_1900 = arith.constant 0 : index
    %get3A_1901 = arith.constant 127 : index
    %get3A_1902 = vector.load %arg0[%get3A_1900, %get3A_1901] : memref<128x128xi32, #tpu.memory_space<vmem>>, vector<128x1xi32>
    %eq3A_1903 = vector.broadcast %get3A_1902 : vector<128x1xi32> to vector<128x128xi32>
    %eq3A_1904 = vector.broadcast %iota3A : vector<1x128xi32> to vector<128x128xi32>
    %eq3A_1905 = arith.cmpi eq, %eq3A_1903, %eq3A_1904 : vector<128x128xi32>
    %jit3A_1906 = arith.constant 1.000000e+00 : f32
    %jit3A_1907 = arith.constant 0.000000e+00 : f32
    %broadcast_in_dim3A_1908 = vector.broadcast %jit3A_1906 : f32 to vector<128x128xf32>
    %broadcast_in_dim3A_1909 = vector.broadcast %jit3A_1907 : f32 to vector<128x128xf32>
    %select_n3A_1910 = arith.select %eq3A_1905, %broadcast_in_dim3A_1908, %broadcast_in_dim3A_1909 : vector<128x128xi1>, vector<128x128xf32>
    %reduce_sum3A_1911 = arith.constant dense<0.000000e+00> : vector<128xf32>
    %reduce_sum3A_1912 = vector.multi_reduction <add>, %select_n3A_1910, %reduce_sum3A_1911 [0] : vector<128x128xf32> to vector<128xf32>
    %broadcast_in_dim3A_1913 = vector.shape_cast %reduce_sum3A_1912 : vector<128xf32> to vector<1x128xf32>
    %add3A_1914 = arith.addf %add3A_1899, %broadcast_in_dim3A_1913 : vector<1x128xf32>
    %broadcast_in_dim3A_1915 = vector.shape_cast %add3A_1914 : vector<1x128xf32> to vector<1x128xf32>
    %broadcast_in_dim3A_1916 = vector.broadcast %broadcast_in_dim3A_1915 : vector<1x128xf32> to vector<8x128xf32>
    %swap3A = arith.constant 0 : index
    %swap3A_1917 = arith.constant 0 : index
    %swap3A_1918 = vector.load %arg1[%swap3A, %swap3A_1917] : memref<8x128xf32, #tpu.memory_space<vmem>>, vector<8x128xf32>
    tpu.vector_store %arg1[%swap3A, %swap3A_1917], %broadcast_in_dim3A_1916 {strides = array<i32>} : memref<8x128xf32, #tpu.memory_space<vmem>>, vector<8x128xf32>,
    return
  }
}

</mosaic_0001>

<sc_bundles>
// kernel: kernel.5.cloned.1.call-start
scs
__scs_entry_jumppad:
0x0: {  	(pc) =	sbr.rel $0x88, $3  }
0x1: {  	(tag) =	ssettag $0x0;
	lr =	simm.s32 $0x1  }
0x2: {  	[smem:$0x3F9D] =	sst lr;
	_ =	strace $0xD0000000  }
0x3: {  	_ = 	snop  }
0x4: {  	_ = 	snop  }
0x5: {  	_ = 	snop  }
0x6: {  	_ = 	snop  }
0x7: {  	_ = 	snop  }
__scs_overlays_trampoline_lowered:
0x8: {  	[smem:$0x3FAC] =	sst s0  }
0x9: {  	[smem:$0x3FAD] =	sst s1  }
0xa: {  	[smem:$0x3FAE] =	sst s2  }
0xb: {  	[smem:$0x3FAF] =	sst s3  }
0xc: {  	[smem:$0x3FB0] =	sst s4  }
0xd: {  	[smem:$0x3FB1] =	sst s5  }
0xe: {  	[smem:$0x3FB2] =	sst s6  }
0xf: {  	[smem:$0x3FB3] =	sst s7  }
0x10: {  	[smem:$0x3FB4] =	sst s8  }
0x11: {  	[smem:$0x3FB5] =	sst s9;
	s0 =	simm.s32 @!p0 $0x0  }
0x12: {  	s1 =	sld [smem:$0x3F9B];
	s0 =	simm.s32 @p0 $0x1  }
0x13: {  	[smem:$0x3FB6] =	sst s0;
	s0 =	simm.s32 @!p1 $0x0  }
0x14: {  	s2 =	sld [smem:$0x3F9A];
	s0 =	simm.s32 @p1 $0x1  }
0x15: {  	[smem:$0x3FB7] =	sst s0;
	s0 =	simm.s32 @!p2 $0x0  }
0x16: {  	s3 =	sld [smem:$0x3FDB];
	s0 =	simm.s32 @p2 $0x1  }
0x17: {  	s4 =	simm.s32 $0x1BF5;
	[smem:$0x3FB9] =	sst s0  }
0x18: {  	s0 =	sld [smem:$0x3F9C];
	_ =	swait.ge [sflag:s4], $0x0  }
0x19: {  	s7 =	sld [smem:$0x3F9D]  }
0x1a: {  	s8 =	sadd.s32 $0xFFFFE003, lr  }
0x1b: {  	s9 =	sadd.s32 $0xFFFFFEF7, lr;
	s5 =	simm.s32 $0xFFFFFFFF;
	p2 =	slt.u32 s8, $0xFFFFF086  }
0x1c: {  	p1 =	slt.u32 s9, $0xF7A;
	s5 =	simm.s32 @!p2 $0x0  }
0x1d: {  	s5 =	simm.s32 @p1 $0x1;
	p0 =	seq.s32 s7, s2  }
0x1e: {  	s7 =	smul.u32 @!p0 $0xF7A, s2;
	p2 =	seq.s32 @!p0 s5, $0x0  }
0x1f: {  	s9 =	smul.u32 $0xF7A, s1;
	s8 =	simm.s32 @!p0 $0x1BF5;
	p2 =	por !p2, p0  }
0x20: {  	[sflag:s8] =	ssyncset.s32 @!p0 $0xFFFFF086;
	s6 =	sadd.s32 @!p0 s3, s7;
	s7 =	simm.s32 @!p0 $0x108  }
0x21: {  	s3 =	sadd.s32 s3, s9;
	s6 =	sadd.s32 @!p0 $0x88, s6;
	s7 =	simm.s32 @p2 $0x1082  }
0x22: {  	[simem:s7], [sflag:s8] =	dma.local @!p0 [hbm:s6], $0xF7A  }
0x23: {  	s9 =	sor.u32 $0xD0000000, s2;
	s6 =	simm.s32 $0x108;
	_ =	swait.ge @!p0 [sflag:s8], $0x0  }
0x24: {  	s3 =	sadd.s32 $0x88, s3;
	s6 =	simm.s32 @!p1 $0x1082;
	[sflag:s4] =	ssyncset.s32 $0xFFFFF086  }
0x25: {  	[simem:s6], [sflag:s4] =	dma.local [hbm:s3], $0xF7A  }
0x26: {  	[smem:$0x3F9D] =	sst s1;
	(tag) =	ssettag s2;
	_ =	strace s9  }
0x27: {  	s1 =	sld [smem:$0x3FAD]  }
0x28: {  	s2 =	sld [smem:$0x3FAE]  }
0x29: {  	s4 =	sld [smem:$0x3FB0]  }
0x2a: {  	p0 =	seq.s32 s5, $0x0;
	s5 =	sld [smem:$0x3FB1]  }
0x2b: {  	s6 =	sld [smem:$0x3FB2]  }
0x2c: {  	s7 =	sld [smem:$0x3FB3]  }
0x2d: {  	s3 =	simm.s32 $0x108;
	s8 =	sld [smem:$0x3FB4]  }
0x2e: {  	s3 =	simm.s32 @!p0 $0x1082;
	s9 =	sld [smem:$0x3FB5]  }
0x2f: {  	lr =	sadd.s32 s0, s3;
	s0 =	sld [smem:$0x3FAC]  }
0x30: {  	s3 =	sld [smem:$0x3FAF]  }
0x31: {  	[smem:$0x3FB8] =	sst s10  }
0x32: {  	s10 =	sld [smem:$0x3FB6];
	_ =	sdelay $0x3  }
0x33: {  	p0 =	seq.s32 s10, $0x1;
	s10 =	sld [smem:$0x3FB8];
	_ =	sdelay $0x3  }
0x34: {  	[smem:$0x3FB8] =	sst s10  }
0x35: {  	s10 =	sld [smem:$0x3FB7];
	_ =	sdelay $0x3  }
0x36: {  	p1 =	seq.s32 s10, $0x1;
	s10 =	sld [smem:$0x3FB8];
	_ =	sdelay $0x3  }
0x37: {  	[smem:$0x3FB8] =	sst s10  }
0x38: {  	s10 =	sld [smem:$0x3FB9]  }
0x39: {  	_ = 	snop;
	(pc) =	sbr.ind lr, $3  }
0x3a: {  	_ = 	snop  }
0x3b: {  	_ = 	snop  }
0x3c: {  	p2 =	seq.s32 s10, $0x1;
	s10 =	sld [smem:$0x3FB8]  }
0x3d: {  	_ =	shalt  }
0x3e: {  	_ =	shalt  }
0x3f: {  	_ =	shalt  }
0x40: {  	_ =	shalt  }
0x41: {  	_ =	shalt  }
0x42: {  	_ =	shalt  }
0x43: {  	_ =	shalt  }
0x44: {  	_ =	shalt  }
0x45: {  	_ =	shalt  }
0x46: {  	_ =	shalt  }
0x47: {  	_ =	shalt  }
0x48: {  	_ =	shalt  }
0x49: {  	_ =	shalt  }
0x4a: {  	_ =	shalt  }
0x4b: {  	_ =	shalt  }
0x4c: {  	_ =	shalt  }
0x4d: {  	_ =	shalt  }
0x4e: {  	_ =	shalt  }
0x4f: {  	_ =	shalt  }
0x50: {  	_ =	shalt  }
0x51: {  	_ =	shalt  }
0x52: {  	_ =	shalt  }
0x53: {  	_ =	shalt  }
0x54: {  	_ =	shalt  }
0x55: {  	_ =	shalt  }
0x56: {  	_ =	shalt  }
0x57: {  	_ =	shalt  }
0x58: {  	_ =	shalt  }
0x59: {  	_ =	shalt  }
0x5a: {  	_ =	shalt  }
0x5b: {  	_ =	shalt  }
0x5c: {  	_ =	shalt  }
0x5d: {  	_ =	shalt  }
0x5e: {  	_ =	shalt  }
0x5f: {  	_ =	shalt  }
0x60: {  	_ =	shalt  }
0x61: {  	_ =	shalt  }
0x62: {  	_ =	shalt  }
0x63: {  	_ =	shalt  }
0x64: {  	_ =	shalt  }
0x65: {  	_ =	shalt  }
0x66: {  	_ =	shalt  }
0x67: {  	_ =	shalt  }
0x68: {  	_ =	shalt  }
0x69: {  	_ =	shalt  }
0x6a: {  	_ =	shalt  }
0x6b: {  	_ =	shalt  }
0x6c: {  	_ =	shalt  }
0x6d: {  	_ =	shalt  }
0x6e: {  	_ =	shalt  }
0x6f: {  	_ =	shalt  }
0x70: {  	_ =	shalt  }
0x71: {  	_ =	shalt  }
0x72: {  	_ =	shalt  }
0x73: {  	_ =	shalt  }
0x74: {  	_ =	shalt  }
0x75: {  	_ =	shalt  }
0x76: {  	_ =	shalt  }
0x77: {  	_ =	shalt  }
0x78: {  	_ =	shalt  }
0x79: {  	_ =	shalt  }
0x7a: {  	_ =	shalt  }
0x7b: {  	_ =	shalt  }
0x7c: {  	_ =	shalt  }
0x7d: {  	_ =	shalt  }
0x7e: {  	_ =	shalt  }
0x7f: {  	_ =	shalt  }
0x80: {  	_ =	shalt  }
0x81: {  	_ =	shalt  }
0x82: {  	_ =	shalt  }
0x83: {  	_ =	shalt  }
0x84: {  	_ =	shalt  }
0x85: {  	_ =	shalt  }
0x86: {  	_ =	shalt  }
0x87: {  	_ =	shalt  }
.Lfunc_end0:
.L_simem_size_0:
called_computation_lowered:
.L_overlay_start_0:
0x88: {  	s2 =	sld [smem:$0x3FD9]  }
0x89: {  	s3 =	sld [smem:$0x3FFE];
	_ =	sdelay $0x1  }
0x8a: {  	s1 =	srdreg.scid  }
0x8b: {  	s0 =	sand.u32 $0x1, s1  }
0x8c: {  	s17 =	sshll.u32 s0, $0xA;
	s2 =	sadd.s32 s3, s2  }
0x8d: {  	s2 =	sadd.s32 s2, s17  }
0x8e: {  	[smem:$0x3FC4] =	sst s2  }
0x8f: {  	_ = 	snop  }
0x90: {  	s2 =	sld [smem:$0x3FC9]  }
0x91: {  	s18 =	sld [smem:$0x3FC8];
	(tm) =	ssettm $0x1  }
0x92: {  	s4 =	sld [smem:$0x3FFB];
	_ =	sdelay $0x3  }
0x93: {  	_ =	strace s4  }
0x94: {  	s4 =	sld [smem:$0x3FFC];
	_ =	sdelay $0x3  }
0x95: {  	_ =	strace s4  }
0x96: {  	s4 =	sld [smem:$0x3FFD];
	_ =	sdelay $0x3  }
0x97: {  	_ =	strace s4  }
0x98: {  	_ =	strace $0x8FFFFFFF  }
0x99: {  	s19 =	sld [smem:$0x3FDB];
	_ =	sdelay $0x1  }
0x9a: {  	s5 =	simm.s32 $_scs_section_size  }
0x9b: {  	s6 =	simm.s32 $_size__tile_overlayer_lowered;
	s7 =	simm.s32 $_tile_overlayer_lowered  }
0x9c: {  	s22 =	simm.s32 $0x1BFF;
	s21 =	sshll.u32 s7, $0x1;
	s4 =	sadd.s32 s5, s19  }
0x9d: {  	s8 =	simm.s32 $0x0;
	s20 =	sshll.u32 s6, $0x1;
	s6 =	sadd.s32 s21, s4  }
0x9e: {  	[timem:s8], [sflag:s22] =	dma.local [hbm:s6], s20  }
0x9f: {  	_ =	swait.ge [sflag:s22], s20  }
0xa0: {  	s5 =	ssub.s32 $0x0, s20;
	[sflag:s22] =	ssyncset.done $0x0  }
0xa1: {  	[sflag:s22] =	ssyncadd.s32 s5;
	_ =	sdelay $0x1  }
0xa2: {  	s23 =	simm.s32 $0x1B8B  }
0xa3: {  	_ =	swait.ge [sflag:s23], $0x1  }
0xa4: {  	[sflag:s23] =	ssyncset.done $0x0  }
0xa5: {  	s25 =	simm.s32 $0x1B8E;
	s24 =	sld [smem:$0x3FFE];
	[sflag:s23] =	ssyncadd.s32 $0xFFFFFFFF  }
0xa6: {  	s26 =	simm.s32 $execute0_lowered;
	[smem:$0x3FD2] =	sst s25  }
0xa7: {  	s6 =	sshll.u32 s26, $0x1;
	_ =	strace $0x80000046;
	[dreg:$0x1] =	wrdreg $0xFFFFFFFF  }
0xa8: {  	s28 =	simm.s32 $_size_execute0_lowered;
	s4 =	sadd.s32 s4, s6;
	[dreg:$0x0] =	wrdreg $0x0  }
0xa9: {  	s6 =	sshll.u32 s28, $0x1;
	[dreg:$0x2] =	wrdreg s4  }
0xaa: {  	[dreg:$0x3] =	wrdreg s6  }
0xab: {  	[dreg:$0x4] =	wrdreg $0xC0  }
0xac: {  	_ =	task [dreg:s8], $0x5FFFF  }
0xad: {  	[dreg:$0x1] =	wrdreg $0xFFFFFFFF  }
0xae: {  	[dreg:$0x0] =	wrdreg $0x60  }
0xaf: {  	[dreg:$0x2] =	wrdreg s2  }
0xb0: {  	[dreg:$0x3] =	wrdreg s18  }
0xb1: {  	[dreg:$0x4] =	wrdreg s24  }
0xb2: {  	[dreg:$0x5] =	wrdreg $0x102000  }
0xb3: {  	[dreg:$0x6] =	wrdreg $0x9  }
0xb4: {  	_ =	task.clear_ibuf [dreg:s8], $0x7FFFF;
	_ =	strace $0x90000046  }
0xb5: {  	s29 =	simm.s32 $0x9;
	_ =	strace $0x80000048  }
0xb6: {  	_ =	swait.ge [sflag:s29], $0x1  }
0xb7: {  	[sflag:s29] =	ssyncadd.s32 $0xFFFFFFFF  }
0xb8: {  	_ =	strace $0x90000048  }
0xb9: {  	_ =	sfence  }
0xba: {  	s30 =	sld [smem:$0x0];
	_ =	sdelay $0x2  }
0xbb: {  	s31 =	sshll.u32 s1, $0xD;
	s1 =	sshrl.u32 s1, $0x2  }
0xbc: {  	s3 =	sand.u32 $0x4000, s31;
	s1 =	sadd.s32 s1, s30  }
0xbd: {  	s0 =	sor.u32 s3, s0;
	s1 =	sshll.u32 s1, $0x11  }
0xbe: {  	s0 =	sor.u32 s1, s0  }
0xbf: {  	s0 =	sadd.s32 $0x8F2B, s0  }
0xc0: {  	[sflag:s0] =	ssyncadd.remote.s32 $0x1  }
0xc1: {  	_ =	sfence.sel $0xFFFF  }
0xc2: {  	[dreg:$0x0] =	wrdreg $0xFFFFFFFF;
	(pc) =	sbr.abs _section_cstart, $3  }
0xc3: {  	[dreg:$0x1] =	wrdreg $0xFFFFFFFF  }
0xc4: {  	_ =	task.clear_ibuf [dreg:s8], $0x2FFFF;
	_ =	strace $0x9FFFFFFF  }
0xc5: {  	(tm) =	ssettm $0x7FFFFFFF  }
tec
execute0_lowered:
.L_overlay_start_1:
0x0: {  	(tag) =	ssettag $0x1  }
0x1: {  	s6 =	rddreg [dreg:$0x0]  }
0x2: {  	s3 =	rddreg [dreg:$0x1]  }
0x3: {  	s29 =	rddreg [dreg:$0x2];
	s4 =	srdreg.scid  }
0x4: {  	s1 =	rddreg [dreg:$0x3];
	s2 =	simm.s32 $0x0;
	s30 =	sand.u32 $0x1, s4  }
0x5: {  	s10 =	stileid.u32;
	[smem:$0x7FF] =	sst s2;
	s4 =	sshll.u32 s30, $0x4  }
0x6: {  	s26 =	sshll.u32 s10, $0x6;
	s5 =	sadd.s32 $0xC00, s29;
	s7 =	sor.u32 s10, s4  }
0x7: {  	_ =	strace $0x80000047;
	s4 =	sand.u32 $0x40, s26;
	s8 =	sshll.u32 s7, $0x6  }
0x8: {  	[dreg:$0x5] =	wrdreg s5;
	s3 =	sadd.s32 s3, s4;
	s31 =	sand.u32 $0x780, s8  }
0x9: {  	s5 =	simm.s32 $0x9;
	s4 =	simm.s32 $0x10000;
	s3 =	sadd.s32 s31, s3  }
0xa: {  	[tilespmem:s4], [sflag:$0x9] =	stream.linear.gather [hbm4b:s3+s2], $0x200, $0x38;
	[tilespmem:$0x10600] =	vst v63  }
0xb: {  	_ =	swait.ge [sflag:s5], $0x200  }
0xc: {  	s11 =	simm.s32 $0x8000;
	s7 =	sshll.u32 s7, $0xD;
	[sflag:s5] =	ssyncset.done $0x0  }
0xd: {  	s12 =	simm.s32 $0xC000;
	s6 =	sadd.s32 s6, s7;
	[sflag:s5] =	ssyncadd.s32 $0xFFFFFE00  }
0xe: {  	[tilespmem:s2], [sflag:$0x1] =	stream.linear.gather [hbm4b:s6+s2], $0x4000, $0x38;
	[tilespmem:$0x10600] =	vst v63  }
0xf: {  	p0 =	sne.s32 s10, $0x0;
	s10 =	simm.s32 $0x4000;
	s7 =	sadd.s32 $0x800, s6  }
0x10: {  	[tilespmem:s10], [sflag:$0x2] =	stream.linear.gather [hbm4b:s7+s2], $0x4000, $0x38;
	[tilespmem:$0x10600] =	vst v63  }
0x11: {  	s14 =	sshrl.u32 @!p0 s1, $0x3;
	s15 =	simm.s32 @!p0 $0x1C09;
	s8 =	sadd.s32 $0x1000, s6  }
0x12: {  	[tilespmem:s11], [sflag:$0x3] =	stream.linear.gather [hbm4b:s8+s2], $0x4000, $0x38;
	[tilespmem:$0x10600] =	vst v63  }
0x13: {  	s13 =	simm.s32 @!p0 $0x9;
	s9 =	sadd.s32 $0x1800, s6;
	s16 =	rddreg [dreg:$0x5]  }
0x14: {  	[tilespmem:s12], [sflag:$0x4] =	stream.linear.gather [hbm4b:s9+s2], $0x4000, $0x38;
	[tilespmem:$0x10600] =	vst v63  }
0x15: {  	[spmem:s14], [sflag:s15] =	dma.local @!p0 [hbm:s16], $0x800  }
0x16: {  	_ =	swait.ge @!p0 [sflag:s13], $0x800  }
0x17: {  	[sflag:s13] =	ssyncset.done @!p0 $0x0  }
0x18: {  	[sflag:s13] =	ssyncadd.s32 @!p0 $0xFFFFF800  }
0x19: {  	s16 =	simm.s32 $0x1;
	[bflag:$0x0] =	sbarrier.arrive $0xFFFF  }
0x1a: {  	_ =	swait.ge [sflag:s16], $0x4000  }
0x1b: {  	[sflag:s16] =	ssyncset.done $0x0  }
0x1c: {  	s17 =	simm.s32 $0x80;
	s18 =	simm.s32 $0x2;
	[sflag:s16] =	ssyncadd.s32 $0xFFFFC000  }
0x1d: {  	[spmem:s1] =	stream.indirect.scatter.add.f32 [tilespmem:s2], [sflag:$0x5], $0x80, s4, s17, $0xb8;
	[tilespmem:$0x10600] =	vst v63  }
0x1e: {  	_ =	swait.ge [sflag:s18], $0x4000  }
0x1f: {  	[sflag:s18] =	ssyncset.done $0x0  }
0x20: {  	s19 =	simm.s32 $0x10080;
	s20 =	simm.s32 $0x3;
	[sflag:s18] =	ssyncadd.s32 $0xFFFFC000  }
0x21: {  	[spmem:s1] =	stream.indirect.scatter.add.f32 [tilespmem:s10], [sflag:$0x6], $0x80, s19, s17, $0xb8;
	[tilespmem:$0x10600] =	vst v63  }
0x22: {  	_ =	swait.ge [sflag:s20], $0x4000  }
0x23: {  	[sflag:s20] =	ssyncset.done $0x0  }
0x24: {  	s21 =	simm.s32 $0x10100;
	s22 =	simm.s32 $0x4;
	[sflag:s20] =	ssyncadd.s32 $0xFFFFC000  }
0x25: {  	[spmem:s1] =	stream.indirect.scatter.add.f32 [tilespmem:s11], [sflag:$0x7], $0x80, s21, s17, $0xb8;
	[tilespmem:$0x10600] =	vst v63  }
0x26: {  	_ =	swait.ge [sflag:s22], $0x4000  }
0x27: {  	[sflag:s22] =	ssyncset.done $0x0  }
0x28: {  	s23 =	simm.s32 $0x10180;
	s24 =	simm.s32 $0x5;
	[sflag:s22] =	ssyncadd.s32 $0xFFFFC000  }
0x29: {  	[spmem:s1] =	stream.indirect.scatter.add.f32 [tilespmem:s12], [sflag:$0x8], $0x80, s23, s17, $0xb8;
	[tilespmem:$0x10600] =	vst v63  }
0x2a: {  	_ =	swait.ge [sflag:s24], $0x4000  }
0x2b: {  	[sflag:s24] =	ssyncset.done $0x0  }
0x2c: {  	s25 =	simm.s32 $0x6;
	[sflag:s24] =	ssyncadd.s32 $0xFFFFC000  }
0x2d: {  	_ =	swait.ge [sflag:s25], $0x4000  }
0x2e: {  	[sflag:s25] =	ssyncset.done $0x0  }
0x2f: {  	s26 =	simm.s32 $0x7;
	s31 =	ssub.s32 $0x2, s30;
	[sflag:s25] =	ssyncadd.s32 $0xFFFFC000  }
0x30: {  	s0 =	sshrl.u32 s31, $0x1;
	_ =	swait.ge [sflag:s26], $0x4000  }
0x31: {  	s28 =	simm.s32 $0x8;
	s0 =	ssub.s32 s31, s0;
	[sflag:s26] =	ssyncset.done $0x0  }
0x32: {  	s30 =	sshll.u32 s30, $0xB;
	s0 =	smax.u32 s0, $0x1;
	[sflag:s26] =	ssyncadd.s32 $0xFFFFC000  }
0x33: {  	s29 =	sadd.s32 s30, s29;
	s30 =	sadd.s32 $0xFFFFFFFF, s0;
	_ =	swait.ge [sflag:s28], $0x4000  }
0x34: {  	p1 =	sne.s32 s30, $0x0;
	[sflag:s28] =	ssyncset.done $0x0  }
.Ltmp0:
0x35: {  	[sflag:s28] =	ssyncadd.s32 $0xFFFFC000;
	(pc) =	sbr.rel @!p1 .LBB2_2-.Ltmp0, $4  }
0x36: {  	s29 =	sadd.s32 $0x1400, s29;
	[bflag:$0x0] =	sbarrier.arrive $0xFFFF  }
0x37: {  	[hbm:s29], [sflag:s15] =	dma.local @!p0 [spmem:s14], $0x800  }
0x38: {  	_ =	swait.ge @!p0 [sflag:s13], $0x800  }
0x39: {  	[sflag:s13] =	ssyncset.done @!p0 $0x0  }
.LBB2_1:
0x3a: {  	[sflag:s13] =	ssyncadd.s32 @!p0 $0xFFFFF800  }
0x3b: {  	[tilespmem:s4], [sflag:$0x9] =	stream.linear.gather [hbm4b:s3+s2], $0x200, $0x38;
	[tilespmem:$0x10600] =	vst v63  }
0x3c: {  	_ =	swait.ge [sflag:s5], $0x200  }
0x3d: {  	[sflag:s5] =	ssyncset.done $0x0  }
0x3e: {  	[sflag:s5] =	ssyncadd.s32 $0xFFFFFE00  }
0x3f: {  	[tilespmem:s2], [sflag:$0x1] =	stream.linear.gather [hbm4b:s6+s2], $0x4000, $0x38;
	[tilespmem:$0x10600] =	vst v63  }
0x40: {  	_ = 	snop  }
0x41: {  	[tilespmem:s10], [sflag:$0x2] =	stream.linear.gather [hbm4b:s7+s2], $0x4000, $0x38;
	[tilespmem:$0x10600] =	vst v63  }
0x42: {  	_ = 	snop  }
0x43: {  	[tilespmem:s11], [sflag:$0x3] =	stream.linear.gather [hbm4b:s8+s2], $0x4000, $0x38;
	[tilespmem:$0x10600] =	vst v63  }
0x44: {  	s0 =	rddreg [dreg:$0x5]  }
0x45: {  	[tilespmem:s12], [sflag:$0x4] =	stream.linear.gather [hbm4b:s9+s2], $0x4000, $0x38;
	[tilespmem:$0x10600] =	vst v63  }
0x46: {  	[spmem:s14], [sflag:s15] =	dma.local @!p0 [hbm:s0], $0x800  }
0x47: {  	_ =	swait.ge @!p0 [sflag:s13], $0x800  }
0x48: {  	[sflag:s13] =	ssyncset.done @!p0 $0x0  }
0x49: {  	[sflag:s13] =	ssyncadd.s32 @!p0 $0xFFFFF800  }
0x4a: {  	[bflag:$0x0] =	sbarrier.arrive $0xFFFF  }
0x4b: {  	_ =	swait.ge [sflag:s16], $0x4000  }
0x4c: {  	[sflag:s16] =	ssyncset.done $0x0  }
0x4d: {  	[sflag:s16] =	ssyncadd.s32 $0xFFFFC000  }
0x4e: {  	[spmem:s1] =	stream.indirect.scatter.add.f32 [tilespmem:s2], [sflag:$0x5], $0x80, s4, s17, $0xb8;
	[tilespmem:$0x10600] =	vst v63  }
0x4f: {  	_ =	swait.ge [sflag:s18], $0x4000  }
0x50: {  	[sflag:s18] =	ssyncset.done $0x0  }
0x51: {  	[sflag:s18] =	ssyncadd.s32 $0xFFFFC000  }
0x52: {  	[spmem:s1] =	stream.indirect.scatter.add.f32 [tilespmem:s10], [sflag:$0x6], $0x80, s19, s17, $0xb8;
	[tilespmem:$0x10600] =	vst v63  }
0x53: {  	_ =	swait.ge [sflag:s20], $0x4000  }
0x54: {  	[sflag:s20] =	ssyncset.done $0x0  }
0x55: {  	[sflag:s20] =	ssyncadd.s32 $0xFFFFC000  }
0x56: {  	[spmem:s1] =	stream.indirect.scatter.add.f32 [tilespmem:s11], [sflag:$0x7], $0x80, s21, s17, $0xb8;
	[tilespmem:$0x10600] =	vst v63  }
0x57: {  	_ =	swait.ge [sflag:s22], $0x4000  }
0x58: {  	[sflag:s22] =	ssyncset.done $0x0  }
0x59: {  	[sflag:s22] =	ssyncadd.s32 $0xFFFFC000  }
0x5a: {  	[spmem:s1] =	stream.indirect.scatter.add.f32 [tilespmem:s12], [sflag:$0x8], $0x80, s23, s17, $0xb8;
	[tilespmem:$0x10600] =	vst v63  }
0x5b: {  	_ =	swait.ge [sflag:s24], $0x4000  }
0x5c: {  	[sflag:s24] =	ssyncset.done $0x0  }
0x5d: {  	[sflag:s24] =	ssyncadd.s32 $0xFFFFC000  }
0x5e: {  	_ =	swait.ge [sflag:s25], $0x4000  }
0x5f: {  	[sflag:s25] =	ssyncset.done $0x0  }
0x60: {  	[sflag:s25] =	ssyncadd.s32 $0xFFFFC000  }
0x61: {  	_ =	swait.ge [sflag:s26], $0x4000  }
0x62: {  	[sflag:s26] =	ssyncset.done $0x0  }
0x63: {  	[sflag:s26] =	ssyncadd.s32 $0xFFFFC000  }
0x64: {  	s30 =	sadd.s32 $0xFFFFFFFF, s30;
	_ =	swait.ge [sflag:s28], $0x4000  }
0x65: {  	p1 =	sne.s32 s30, $0x0;
	[sflag:s28] =	ssyncset.done $0x0  }
.Ltmp1:
0x66: {  	[sflag:s28] =	ssyncadd.s32 $0xFFFFC000;
	(pc) =	sbr.rel @p1 .LBB2_1-.Ltmp1, $4  }
0x67: {  	[bflag:$0x0] =	sbarrier.arrive $0xFFFF  }
0x68: {  	[hbm:s29], [sflag:s15] =	dma.local @!p0 [spmem:s14], $0x800  }
0x69: {  	_ =	swait.ge @!p0 [sflag:s13], $0x800  }
0x6a: {  	[sflag:s13] =	ssyncset.done @!p0 $0x0  }
.LBB2_2:
0x6b: {  	[sflag:s13] =	ssyncadd.s32 @!p0 $0xFFFFF800  }
0x6c: {  	_ =	sfence.sel $0x180000  }
0x6d: {  	[bflag:$0x0] =	sbarrier.arrive $0xFFFF  }
0x6e: {  	_ =	strace $0x90000047  }
0x6f: {  	[bflag:$0x2] =	sbarrier.arrive $0xFFFF  }
0x70: {  	s0 =	rddreg [dreg:$0x4]  }
0x71: {  	s0 =	sadd.s32 @!p0 $0x100000, s0  }
0x72: {  	[sflag:s0] =	ssyncadd.tile.s32 @!p0 $0x1;
	_ =	shalt  }
.Lfunc_end2:
_tile_overlayer_lowered:
.L_overlay_start_2:
0x73: {  	(tag) =	ssettag $0x2  }
0x74: {  	s0 =	rddreg [dreg:$0x0];
	s2 =	stileid.u32  }
0x75: {  	s1 =	rddreg [dreg:$0x1];
	p0 =	sne.s32 s2, $0x0  }
0x76: {  	s3 =	rddreg [dreg:$0x2];
	[bflag:$0x3] =	sbarrier.arrive $0xFFFF;
	s2 =	simm.s32 @!p0 $0x1C09  }
0x77: {  	[timem:s3], [sflag:s2] =	dma.local @!p0 [hbm:s0], s1  }
0x78: {  	s0 =	simm.s32 @!p0 $0x9  }
0x79: {  	_ =	swait.ge @!p0 [sflag:s0], s1  }
0x7a: {  	s1 =	ssub.s32 @!p0 $0x0, s1;
	[sflag:s0] =	ssyncset.done @!p0 $0x0  }
0x7b: {  	[sflag:s0] =	ssyncadd.s32 @!p0 s1  }
0x7c: {  	[bflag:$0x3] =	sbarrier.arrive $0xFFFF  }
0x7d: {  	_ =	shalt  }

</sc_bundles>
